<compile_context>
chip_gen: v7x
topology: tpu7x:2x2x1
jax: 0.10.2.dev20260603
libtpu: 0.0.44.dev20260713+nightly
codegen_flags: <defaults>
</compile_context>

<pallas_src>
import functools

import jax
import jax.numpy as jnp
from jax import lax
from jax.experimental import pallas as pl
from jax.experimental.pallas import tpu as pltpu
from jax.experimental.pallas import tpu_sc as plsc

IN_SIZE = 2048
OUT_SIZE = 2048
BATCH = 8192
NNZ = IN_SIZE * OUT_SIZE // 2

NS = 16
HALF_COLS = OUT_SIZE // 2
CHUNK = IN_SIZE * HALF_COLS // 2
DUMP = 32768
PER_TILE = NNZ // NS
WSZ = 4096
NWIN = PER_TILE // WSZ
JROWS = WSZ // 128
SLICE = CHUNK // NS


def _sc_scatter_body(col_base, flat_ref, val_ref, out_ref,
                     spmem, flatw, valw, locb, sem, in_sem):
    c = lax.axis_index("c")
    s = lax.axis_index("s")
    z16 = jnp.zeros((16,), jnp.float32)
    tile_base = s * PER_TILE
    row_base = c * (IN_SIZE // 2)

    def prefetch(w):
        start = tile_base + w * WSZ
        pltpu.async_copy(flat_ref.at[pl.ds(start, WSZ)], flatw.at[w % 2],
                         in_sem)
        pltpu.async_copy(val_ref.at[pl.ds(start, WSZ)], valw.at[w % 3],
                         in_sem)

    def drain_scatters(slot3):
        pltpu.make_async_copy(val_ref.at[pl.ds(0, WSZ)],
                              valw.at[slot3], sem).wait()

    def zfill(i, _):
        valw[0, pl.ds(i * 16, 16)] = z16
        return 0
    lax.fori_loop(0, WSZ // 16, zfill, 0)
    for t in range(SLICE // WSZ):
        pltpu.sync_copy(valw.at[0],
                        spmem.at[pl.ds(s * SLICE + t * WSZ, WSZ)])
    plsc.subcore_barrier()

    prefetch(0)

    def window(w, _):
        s2 = w % 2
        s3 = w % 3

        @pl.when(w >= 2)
        def _():
            drain_scatters((w + 1) % 3)

        @pl.when(w + 1 < NWIN)
        def _():
            prefetch(w + 1)

        start = tile_base + w * WSZ
        pltpu.make_async_copy(flat_ref.at[pl.ds(start, WSZ)],
                              flatw.at[s2], in_sem).wait()
        pltpu.make_async_copy(val_ref.at[pl.ds(start, WSZ)],
                              valw.at[s3], in_sem).wait()

        def group(j, _):
            for k in range(8):
                e = j * 128 + k * 16
                flat = flatw[s2, pl.ds(e, 16)]
                rl = (flat >> 11) - row_base
                cl = (flat & (OUT_SIZE - 1)) - col_base
                mine = (rl.astype(jnp.uint32) < HALF_COLS) & (
                    cl.astype(jnp.uint32) < HALF_COLS)
                loc = jnp.where(mine, rl * HALF_COLS + cl,
                                CHUNK + (flat & (DUMP - 1)))
                locb[s3, j, pl.ds(k * 16, 16)] = loc
            return 0
        lax.fori_loop(0, JROWS, group, 0)

        def fire(j, _):
            pltpu.async_copy(valw.at[s3, pl.ds(j * 128, 128)],
                             spmem.at[locb.at[s3, j]], sem, add=True)
            return 0
        lax.fori_loop(0, JROWS, fire, 0)
        return 0
    lax.fori_loop(0, NWIN, window, 0)

    for t in range(2):
        drain_scatters(t)
    plsc.subcore_barrier()

    pltpu.sync_copy(spmem.at[pl.ds(s * SLICE, SLICE)],
                    out_ref.at[pl.ds(c * CHUNK + s * SLICE, SLICE)])
    plsc.subcore_barrier()


@functools.partial(jax.jit, static_argnums=0)
def _sc_scatter(col_base, flat, val):
    mesh = plsc.VectorSubcoreMesh(core_axis_name="c", subcore_axis_name="s")
    return pl.kernel(
        functools.partial(_sc_scatter_body, col_base),
        out_type=jax.ShapeDtypeStruct((IN_SIZE * HALF_COLS,), jnp.float32),
        mesh=mesh,
        scratch_types=[
            pltpu.VMEM_SHARED((CHUNK + DUMP,), jnp.float32),
            pltpu.VMEM((2, WSZ), jnp.int32),
            pltpu.VMEM((3, WSZ), jnp.float32),
            pltpu.VMEM((3, JROWS, 128), jnp.int32),
            pltpu.SemaphoreType.DMA,
            pltpu.SemaphoreType.DMA,
        ],
        compiler_params=pltpu.CompilerParams(needs_layout_passes=False),
        cost_estimate=pl.CostEstimate(flops=0, transcendentals=0,
                                      bytes_accessed=400_000_000),
    )(flat, val)


BM = 512


def _mm_body_first(x_ref, w_ref, b_ref, o_ref):
    acc = jax.lax.dot_general(x_ref[...], w_ref[...],
                              (((1,), (0,)), ((), ())),
                              preferred_element_type=jnp.float32)
    o_ref[...] = jnp.maximum(acc + b_ref[...], 0.0)


def _mm_body_second(x_ref, w_ref, b_ref, z_ref, o_ref):
    del z_ref
    acc = jax.lax.dot_general(x_ref[...], w_ref[...],
                              (((1,), (0,)), ((), ())),
                              preferred_element_type=jnp.float32)
    o_ref[...] = jnp.maximum(acc + b_ref[...], 0.0)


@jax.jit
def _matmul_half_first(x_bf, w_bf, bias_half):
    return pl.pallas_call(
        _mm_body_first,
        grid=(BATCH // BM,),
        in_specs=[
            pl.BlockSpec((BM, IN_SIZE), lambda i: (i, 0)),
            pl.BlockSpec((IN_SIZE, HALF_COLS), lambda i: (0, 0)),
            pl.BlockSpec((1, HALF_COLS), lambda i: (0, 0)),
        ],
        out_specs=pl.BlockSpec((BM, HALF_COLS), lambda i: (i, 0)),
        out_shape=jax.ShapeDtypeStruct((BATCH, OUT_SIZE), jnp.float32),
    )(x_bf, w_bf, bias_half)


@jax.jit
def _matmul_half_second(x_bf, w_bf, bias_half, z_prev):
    return pl.pallas_call(
        _mm_body_second,
        grid=(BATCH // BM,),
        in_specs=[
            pl.BlockSpec((BM, IN_SIZE), lambda i: (i, 0)),
            pl.BlockSpec((IN_SIZE, HALF_COLS), lambda i: (0, 0)),
            pl.BlockSpec((1, HALF_COLS), lambda i: (0, 0)),
            pl.BlockSpec(memory_space=pl.ANY),
        ],
        out_specs=pl.BlockSpec((BM, HALF_COLS), lambda i: (i, 1)),
        out_shape=jax.ShapeDtypeStruct((BATCH, OUT_SIZE), jnp.float32),
        input_output_aliases={3: 0},
    )(x_bf, w_bf, bias_half, z_prev)


def kernel(x, idx, val, bias):
    idx32 = idx.astype(jnp.int32)
    flat = idx32[:, 0] * OUT_SIZE + idx32[:, 1]
    x_bf = x.astype(jnp.bfloat16)
    bias2 = bias.reshape(2, HALF_COLS)

    wa = _sc_scatter(0, flat, val)
    wb = _sc_scatter(HALF_COLS, flat, val)
    wa_bf = wa.reshape(IN_SIZE, HALF_COLS).astype(jnp.bfloat16)
    wb_bf = wb.reshape(IN_SIZE, HALF_COLS).astype(jnp.bfloat16)

    z = _matmul_half_first(x_bf, wa_bf, bias2[0].reshape(1, HALF_COLS))
    z = _matmul_half_second(x_bf, wb_bf, bias2[1].reshape(1, HALF_COLS), z)
    return z

# --- scband reference (transcript-rebuilt; emitter-appended) ---
"""Pipeline reference for scband-fully-connected-35244501631569 (READ-ONLY COPY).

The authoritative reference and input builder live on the scoring server;
editing this copy changes nothing except your own understanding.
"""

import jax, jax.numpy as jnp
import numpy as np
import math

IN_SIZE = 2048
OUT_SIZE = 2048
NUM_NNZ = IN_SIZE * OUT_SIZE // 2  # layer uses 0.5 density
BATCH = 8192
BIAS_INIT = 0.1


def setup_inputs(seed: int = 0) -> dict:
    key = jax.random.key(seed)
    k_x, k_idx0, k_idx1, k_val = jax.random.split(key, 4)
    x = jax.random.normal(k_x, (BATCH, IN_SIZE), dtype=jnp.float32)
    # sparse index pairs (row in [0, IN_SIZE), col in [0, OUT_SIZE))
    idx_rows = jax.random.randint(k_idx0, (NUM_NNZ,), 0, IN_SIZE, dtype=jnp.int64)
    idx_cols = jax.random.randint(k_idx1, (NUM_NNZ,), 0, OUT_SIZE, dtype=jnp.int64)
    idx = jnp.stack([idx_rows, idx_cols], axis=1)
    sqrt_fan_in = math.sqrt(IN_SIZE)
    val = jax.random.uniform(k_val, (NUM_NNZ,), dtype=jnp.float32,
                             minval=-1.0 / sqrt_fan_in, maxval=1.0 / sqrt_fan_in)
    bias = jnp.ones((OUT_SIZE,), dtype=jnp.float32) * BIAS_INIT
    return {"x": x, "idx": idx, "val": val, "bias": bias}


def reference(x, idx, val, bias):
    # Faithful to: Z = transpose(sparse_matmul(W^T, X^T)) + bias; A = relu(Z)
    # Sparse W materialized via scatter-add (SparseCore-mappable), then dense matmul.
    W = jnp.zeros((IN_SIZE, OUT_SIZE), dtype=jnp.float32).at[idx[:, 0], idx[:, 1]].add(val)
    Z = jnp.dot(x, W) + bias
    A = jax.nn.relu(Z)
    return A

if __name__ == "__main__":
    import jax
    _d = setup_inputs()
    print(jax.jit(kernel)(*tuple(_d.values())))

</pallas_src>

<mosaic_0001>
#map = affine_map<(d0, d1) -> (0)>
module attributes {stable_mosaic.version = 14 : i64} {
  func.func @_sc_scatter_body(%arg0: i32, %arg1: i32, %arg2: memref<2097152xi32, #tpu.memory_space<hbm>>, %arg3: memref<2097152xf32, #tpu.memory_space<hbm>>, %arg4: memref<2097152xf32, #tpu.memory_space<hbm>>, %arg5: memref<1081344xf32, #tpu.memory_space<vmem_shared>>, %arg6: memref<2x4096xi32, #tpu.memory_space<vmem>>, %arg7: memref<3x4096xf32, #tpu.memory_space<vmem>>, %arg8: memref<3x32x128xi32, #tpu.memory_space<vmem>>, %arg9: memref<!tpu.dma_semaphore, #tpu.memory_space<semaphore_mem>>, %arg10: memref<!tpu.dma_semaphore, #tpu.memory_space<semaphore_mem>>) attributes {dimension_semantics = [#tpu.dimension_semantics<core_parallel>, #tpu.dimension_semantics<subcore_parallel>], iteration_bounds = array<i64: 2, 16>, scalar_prefetch = 0 : i64, scratch_operands = 6 : i64, tpu.core_type = #tpu.core_type<sc_vector_subcore>, window_params = [{transform_indices = #map}, {transform_indices = #map}, {transform_indices = #map}]} {
    %broadcast_in_dim3A = arith.constant 0.000000e+00 : f32
    %broadcast_in_dim3A_0 = vector.broadcast %broadcast_in_dim3A : f32 to vector<16xf32>
    %mul3A = arith.constant 131072 : i32
    %mul3A_1 = arith.muli %arg1, %mul3A : i32
    %mul3A_2 = arith.constant 1024 : i32
    %mul3A_3 = arith.muli %arg0, %mul3A_2 : i32
    %scan3A = arith.constant 0 : i32
    %scan3A_4 = arith.constant 0 : i32
    %scan3A_5 = arith.constant 256 : i32
    %scan3A_6 = arith.addi %scan3A_4, %scan3A_5 : i32
    %scan3A_7 = arith.constant 1 : i32
    %scan3A_8 = scf.for %scan3A_144 = %scan3A_4 to %scan3A_6 step %scan3A_7 iter_args(%scan3A_145 = %scan3A) -> (i32)  : i32 {
      %mul3A_146 = arith.constant 16 : i32
      %mul3A_147 = arith.muli %scan3A_144, %mul3A_146 : i32
      %swap3A = arith.constant 0 : i32
      %swap3A_148 = arith.index_cast %swap3A : i32 to index
      %swap3A_149 = arith.index_cast %mul3A_147 : i32 to index
      %swap3A_150 = tpu.vector_load %arg7[%swap3A_148, %swap3A_149] {strides = array<i32>} : memref<3x4096xf32, #tpu.memory_space<vmem>>, vector<16xf32>,
      tpu.vector_store %arg7[%swap3A_148, %swap3A_149], %broadcast_in_dim3A_0 {strides = array<i32>} : memref<3x4096xf32, #tpu.memory_space<vmem>>, vector<16xf32>,
      %scan3A_151 = arith.constant 0 : i32
      scf.yield %scan3A_151 : i32
    }
    %scan3A_9 = arith.constant 256 : i32
    %mul3A_10 = arith.constant 65536 : i32
    %mul3A_11 = arith.muli %arg1, %mul3A_10 : i32
    %add3A = arith.constant 0 : i32
    %add3A_12 = arith.addi %mul3A_11, %add3A : i32
    %run_scoped3A = arith.constant 0 : i32
    "tpu.region"() ({
      %run_scoped3A_144 = tpu.sem_alloc : memref<!tpu.dma_semaphore, #tpu.memory_space<semaphore_mem>>
      %dma_start3A_145 = arith.constant 0 : i32
      %dma_start3A_146 = tpu.memref_slice %arg7[%run_scoped3A, %dma_start3A_145] : memref<3x4096xf32, #tpu.memory_space<vmem>> -> memref<1x4096xf32, #tpu.memory_space<vmem>>
      %dma_start3A_147 = tpu.memref_squeeze %dma_start3A_146 : memref<1x4096xf32, #tpu.memory_space<vmem>> -> memref<4096xf32, #tpu.memory_space<vmem>>
      %dma_start3A_148 = tpu.memref_slice %arg5[%add3A_12] : memref<1081344xf32, #tpu.memory_space<vmem_shared>> -> memref<4096xf32, #tpu.memory_space<vmem_shared>>
      %dma_start3A_149 = tpu.memref_slice %arg5[%add3A_12] : memref<1081344xf32, #tpu.memory_space<vmem_shared>> -> memref<4096xf32, #tpu.memory_space<vmem_shared>>
      %dma_start3A_150 = arith.constant 0 : i32
      %dma_start3A_151 = tpu.memref_slice %arg7[%run_scoped3A, %dma_start3A_150] : memref<3x4096xf32, #tpu.memory_space<vmem>> -> memref<1x4096xf32, #tpu.memory_space<vmem>>
      %dma_start3A_152 = tpu.memref_squeeze %dma_start3A_151 : memref<1x4096xf32, #tpu.memory_space<vmem>> -> memref<4096xf32, #tpu.memory_space<vmem>>
      tpu.enqueue_dma source(%dma_start3A_152 : memref<4096xf32, #tpu.memory_space<vmem>>) target(%dma_start3A_149 : memref<4096xf32, #tpu.memory_space<vmem_shared>>) target_semaphore(%run_scoped3A_144 : memref<!tpu.dma_semaphore, #tpu.memory_space<semaphore_mem>>)
      %dma_wait3A_153 = arith.constant 0 : i32
      %dma_wait3A_154 = tpu.memref_slice %arg7[%run_scoped3A, %dma_wait3A_153] : memref<3x4096xf32, #tpu.memory_space<vmem>> -> memref<1x4096xf32, #tpu.memory_space<vmem>>
      %dma_wait3A_155 = tpu.memref_squeeze %dma_wait3A_154 : memref<1x4096xf32, #tpu.memory_space<vmem>> -> memref<4096xf32, #tpu.memory_space<vmem>>
      %dma_wait3A_156 = tpu.memref_slice %arg5[%add3A_12] : memref<1081344xf32, #tpu.memory_space<vmem_shared>> -> memref<4096xf32, #tpu.memory_space<vmem_shared>>
      %dma_wait3A_157 = tpu.memref_slice %arg5[%add3A_12] : memref<1081344xf32, #tpu.memory_space<vmem_shared>> -> memref<4096xf32, #tpu.memory_space<vmem_shared>>
      %dma_wait3A_158 = arith.constant 0 : i32
      %dma_wait3A_159 = tpu.memref_slice %arg7[%run_scoped3A, %dma_wait3A_158] : memref<3x4096xf32, #tpu.memory_space<vmem>> -> memref<1x4096xf32, #tpu.memory_space<vmem>>
      %dma_wait3A_160 = tpu.memref_squeeze %dma_wait3A_159 : memref<1x4096xf32, #tpu.memory_space<vmem>> -> memref<4096xf32, #tpu.memory_space<vmem>>
      tpu.wait_dma2 semaphore(%run_scoped3A_144 : memref<!tpu.dma_semaphore, #tpu.memory_space<semaphore_mem>>) src(%dma_wait3A_160 : memref<4096xf32, #tpu.memory_space<vmem>>) dst(%dma_wait3A_157 : memref<4096xf32, #tpu.memory_space<vmem_shared>>)
      tpu.yield
    }) : () -> ()
    %mul3A_13 = arith.constant 65536 : i32
    %mul3A_14 = arith.muli %arg1, %mul3A_13 : i32
    %add3A_15 = arith.constant 4096 : i32
    %add3A_16 = arith.addi %mul3A_14, %add3A_15 : i32
    %run_scoped3A_17 = arith.constant 0 : i32
    "tpu.region"() ({
      %run_scoped3A_144 = tpu.sem_alloc : memref<!tpu.dma_semaphore, #tpu.memory_space<semaphore_mem>>
      %dma_start3A_145 = arith.constant 0 : i32
      %dma_start3A_146 = tpu.memref_slice %arg7[%run_scoped3A_17, %dma_start3A_145] : memref<3x4096xf32, #tpu.memory_space<vmem>> -> memref<1x4096xf32, #tpu.memory_space<vmem>>
      %dma_start3A_147 = tpu.memref_squeeze %dma_start3A_146 : memref<1x4096xf32, #tpu.memory_space<vmem>> -> memref<4096xf32, #tpu.memory_space<vmem>>
      %dma_start3A_148 = tpu.memref_slice %arg5[%add3A_16] : memref<1081344xf32, #tpu.memory_space<vmem_shared>> -> memref<4096xf32, #tpu.memory_space<vmem_shared>>
      %dma_start3A_149 = tpu.memref_slice %arg5[%add3A_16] : memref<1081344xf32, #tpu.memory_space<vmem_shared>> -> memref<4096xf32, #tpu.memory_space<vmem_shared>>
      %dma_start3A_150 = arith.constant 0 : i32
      %dma_start3A_151 = tpu.memref_slice %arg7[%run_scoped3A_17, %dma_start3A_150] : memref<3x4096xf32, #tpu.memory_space<vmem>> -> memref<1x4096xf32, #tpu.memory_space<vmem>>
      %dma_start3A_152 = tpu.memref_squeeze %dma_start3A_151 : memref<1x4096xf32, #tpu.memory_space<vmem>> -> memref<4096xf32, #tpu.memory_space<vmem>>
      tpu.enqueue_dma source(%dma_start3A_152 : memref<4096xf32, #tpu.memory_space<vmem>>) target(%dma_start3A_149 : memref<4096xf32, #tpu.memory_space<vmem_shared>>) target_semaphore(%run_scoped3A_144 : memref<!tpu.dma_semaphore, #tpu.memory_space<semaphore_mem>>)
      %dma_wait3A_153 = arith.constant 0 : i32
      %dma_wait3A_154 = tpu.memref_slice %arg7[%run_scoped3A_17, %dma_wait3A_153] : memref<3x4096xf32, #tpu.memory_space<vmem>> -> memref<1x4096xf32, #tpu.memory_space<vmem>>
      %dma_wait3A_155 = tpu.memref_squeeze %dma_wait3A_154 : memref<1x4096xf32, #tpu.memory_space<vmem>> -> memref<4096xf32, #tpu.memory_space<vmem>>
      %dma_wait3A_156 = tpu.memref_slice %arg5[%add3A_16] : memref<1081344xf32, #tpu.memory_space<vmem_shared>> -> memref<4096xf32, #tpu.memory_space<vmem_shared>>
      %dma_wait3A_157 = tpu.memref_slice %arg5[%add3A_16] : memref<1081344xf32, #tpu.memory_space<vmem_shared>> -> memref<4096xf32, #tpu.memory_space<vmem_shared>>
      %dma_wait3A_158 = arith.constant 0 : i32
      %dma_wait3A_159 = tpu.memref_slice %arg7[%run_scoped3A_17, %dma_wait3A_158] : memref<3x4096xf32, #tpu.memory_space<vmem>> -> memref<1x4096xf32, #tpu.memory_space<vmem>>
      %dma_wait3A_160 = tpu.memref_squeeze %dma_wait3A_159 : memref<1x4096xf32, #tpu.memory_space<vmem>> -> memref<4096xf32, #tpu.memory_space<vmem>>
      tpu.wait_dma2 semaphore(%run_scoped3A_144 : memref<!tpu.dma_semaphore, #tpu.memory_space<semaphore_mem>>) src(%dma_wait3A_160 : memref<4096xf32, #tpu.memory_space<vmem>>) dst(%dma_wait3A_157 : memref<4096xf32, #tpu.memory_space<vmem_shared>>)
      tpu.yield
    }) : () -> ()
    %mul3A_18 = arith.constant 65536 : i32
    %mul3A_19 = arith.muli %arg1, %mul3A_18 : i32
    %add3A_20 = arith.constant 8192 : i32
    %add3A_21 = arith.addi %mul3A_19, %add3A_20 : i32
    %run_scoped3A_22 = arith.constant 0 : i32
    "tpu.region"() ({
      %run_scoped3A_144 = tpu.sem_alloc : memref<!tpu.dma_semaphore, #tpu.memory_space<semaphore_mem>>
      %dma_start3A_145 = arith.constant 0 : i32
      %dma_start3A_146 = tpu.memref_slice %arg7[%run_scoped3A_22, %dma_start3A_145] : memref<3x4096xf32, #tpu.memory_space<vmem>> -> memref<1x4096xf32, #tpu.memory_space<vmem>>
      %dma_start3A_147 = tpu.memref_squeeze %dma_start3A_146 : memref<1x4096xf32, #tpu.memory_space<vmem>> -> memref<4096xf32, #tpu.memory_space<vmem>>
      %dma_start3A_148 = tpu.memref_slice %arg5[%add3A_21] : memref<1081344xf32, #tpu.memory_space<vmem_shared>> -> memref<4096xf32, #tpu.memory_space<vmem_shared>>
      %dma_start3A_149 = tpu.memref_slice %arg5[%add3A_21] : memref<1081344xf32, #tpu.memory_space<vmem_shared>> -> memref<4096xf32, #tpu.memory_space<vmem_shared>>
      %dma_start3A_150 = arith.constant 0 : i32
      %dma_start3A_151 = tpu.memref_slice %arg7[%run_scoped3A_22, %dma_start3A_150] : memref<3x4096xf32, #tpu.memory_space<vmem>> -> memref<1x4096xf32, #tpu.memory_space<vmem>>
      %dma_start3A_152 = tpu.memref_squeeze %dma_start3A_151 : memref<1x4096xf32, #tpu.memory_space<vmem>> -> memref<4096xf32, #tpu.memory_space<vmem>>
      tpu.enqueue_dma source(%dma_start3A_152 : memref<4096xf32, #tpu.memory_space<vmem>>) target(%dma_start3A_149 : memref<4096xf32, #tpu.memory_space<vmem_shared>>) target_semaphore(%run_scoped3A_144 : memref<!tpu.dma_semaphore, #tpu.memory_space<semaphore_mem>>)
      %dma_wait3A_153 = arith.constant 0 : i32
      %dma_wait3A_154 = tpu.memref_slice %arg7[%run_scoped3A_22, %dma_wait3A_153] : memref<3x4096xf32, #tpu.memory_space<vmem>> -> memref<1x4096xf32, #tpu.memory_space<vmem>>
      %dma_wait3A_155 = tpu.memref_squeeze %dma_wait3A_154 : memref<1x4096xf32, #tpu.memory_space<vmem>> -> memref<4096xf32, #tpu.memory_space<vmem>>
      %dma_wait3A_156 = tpu.memref_slice %arg5[%add3A_21] : memref<1081344xf32, #tpu.memory_space<vmem_shared>> -> memref<4096xf32, #tpu.memory_space<vmem_shared>>
      %dma_wait3A_157 = tpu.memref_slice %arg5[%add3A_21] : memref<1081344xf32, #tpu.memory_space<vmem_shared>> -> memref<4096xf32, #tpu.memory_space<vmem_shared>>
      %dma_wait3A_158 = arith.constant 0 : i32
      %dma_wait3A_159 = tpu.memref_slice %arg7[%run_scoped3A_22, %dma_wait3A_158] : memref<3x4096xf32, #tpu.memory_space<vmem>> -> memref<1x4096xf32, #tpu.memory_space<vmem>>
      %dma_wait3A_160 = tpu.memref_squeeze %dma_wait3A_159 : memref<1x4096xf32, #tpu.memory_space<vmem>> -> memref<4096xf32, #tpu.memory_space<vmem>>
      tpu.wait_dma2 semaphore(%run_scoped3A_144 : memref<!tpu.dma_semaphore, #tpu.memory_space<semaphore_mem>>) src(%dma_wait3A_160 : memref<4096xf32, #tpu.memory_space<vmem>>) dst(%dma_wait3A_157 : memref<4096xf32, #tpu.memory_space<vmem_shared>>)
      tpu.yield
    }) : () -> ()
    %mul3A_23 = arith.constant 65536 : i32
    %mul3A_24 = arith.muli %arg1, %mul3A_23 : i32
    %add3A_25 = arith.constant 12288 : i32
    %add3A_26 = arith.addi %mul3A_24, %add3A_25 : i32
    %run_scoped3A_27 = arith.constant 0 : i32
    "tpu.region"() ({
      %run_scoped3A_144 = tpu.sem_alloc : memref<!tpu.dma_semaphore, #tpu.memory_space<semaphore_mem>>
      %dma_start3A_145 = arith.constant 0 : i32
      %dma_start3A_146 = tpu.memref_slice %arg7[%run_scoped3A_27, %dma_start3A_145] : memref<3x4096xf32, #tpu.memory_space<vmem>> -> memref<1x4096xf32, #tpu.memory_space<vmem>>
      %dma_start3A_147 = tpu.memref_squeeze %dma_start3A_146 : memref<1x4096xf32, #tpu.memory_space<vmem>> -> memref<4096xf32, #tpu.memory_space<vmem>>
      %dma_start3A_148 = tpu.memref_slice %arg5[%add3A_26] : memref<1081344xf32, #tpu.memory_space<vmem_shared>> -> memref<4096xf32, #tpu.memory_space<vmem_shared>>
      %dma_start3A_149 = tpu.memref_slice %arg5[%add3A_26] : memref<1081344xf32, #tpu.memory_space<vmem_shared>> -> memref<4096xf32, #tpu.memory_space<vmem_shared>>
      %dma_start3A_150 = arith.constant 0 : i32
      %dma_start3A_151 = tpu.memref_slice %arg7[%run_scoped3A_27, %dma_start3A_150] : memref<3x4096xf32, #tpu.memory_space<vmem>> -> memref<1x4096xf32, #tpu.memory_space<vmem>>
      %dma_start3A_152 = tpu.memref_squeeze %dma_start3A_151 : memref<1x4096xf32, #tpu.memory_space<vmem>> -> memref<4096xf32, #tpu.memory_space<vmem>>
      tpu.enqueue_dma source(%dma_start3A_152 : memref<4096xf32, #tpu.memory_space<vmem>>) target(%dma_start3A_149 : memref<4096xf32, #tpu.memory_space<vmem_shared>>) target_semaphore(%run_scoped3A_144 : memref<!tpu.dma_semaphore, #tpu.memory_space<semaphore_mem>>)
      %dma_wait3A_153 = arith.constant 0 : i32
      %dma_wait3A_154 = tpu.memref_slice %arg7[%run_scoped3A_27, %dma_wait3A_153] : memref<3x4096xf32, #tpu.memory_space<vmem>> -> memref<1x4096xf32, #tpu.memory_space<vmem>>
      %dma_wait3A_155 = tpu.memref_squeeze %dma_wait3A_154 : memref<1x4096xf32, #tpu.memory_space<vmem>> -> memref<4096xf32, #tpu.memory_space<vmem>>
      %dma_wait3A_156 = tpu.memref_slice %arg5[%add3A_26] : memref<1081344xf32, #tpu.memory_space<vmem_shared>> -> memref<4096xf32, #tpu.memory_space<vmem_shared>>
      %dma_wait3A_157 = tpu.memref_slice %arg5[%add3A_26] : memref<1081344xf32, #tpu.memory_space<vmem_shared>> -> memref<4096xf32, #tpu.memory_space<vmem_shared>>
      %dma_wait3A_158 = arith.constant 0 : i32
      %dma_wait3A_159 = tpu.memref_slice %arg7[%run_scoped3A_27, %dma_wait3A_158] : memref<3x4096xf32, #tpu.memory_space<vmem>> -> memref<1x4096xf32, #tpu.memory_space<vmem>>
      %dma_wait3A_160 = tpu.memref_squeeze %dma_wait3A_159 : memref<1x4096xf32, #tpu.memory_space<vmem>> -> memref<4096xf32, #tpu.memory_space<vmem>>
      tpu.wait_dma2 semaphore(%run_scoped3A_144 : memref<!tpu.dma_semaphore, #tpu.memory_space<semaphore_mem>>) src(%dma_wait3A_160 : memref<4096xf32, #tpu.memory_space<vmem>>) dst(%dma_wait3A_157 : memref<4096xf32, #tpu.memory_space<vmem_shared>>)
      tpu.yield
    }) : () -> ()
    %mul3A_28 = arith.constant 65536 : i32
    %mul3A_29 = arith.muli %arg1, %mul3A_28 : i32
    %add3A_30 = arith.constant 16384 : i32
    %add3A_31 = arith.addi %mul3A_29, %add3A_30 : i32
    %run_scoped3A_32 = arith.constant 0 : i32
    "tpu.region"() ({
      %run_scoped3A_144 = tpu.sem_alloc : memref<!tpu.dma_semaphore, #tpu.memory_space<semaphore_mem>>
      %dma_start3A_145 = arith.constant 0 : i32
      %dma_start3A_146 = tpu.memref_slice %arg7[%run_scoped3A_32, %dma_start3A_145] : memref<3x4096xf32, #tpu.memory_space<vmem>> -> memref<1x4096xf32, #tpu.memory_space<vmem>>
      %dma_start3A_147 = tpu.memref_squeeze %dma_start3A_146 : memref<1x4096xf32, #tpu.memory_space<vmem>> -> memref<4096xf32, #tpu.memory_space<vmem>>
      %dma_start3A_148 = tpu.memref_slice %arg5[%add3A_31] : memref<1081344xf32, #tpu.memory_space<vmem_shared>> -> memref<4096xf32, #tpu.memory_space<vmem_shared>>
      %dma_start3A_149 = tpu.memref_slice %arg5[%add3A_31] : memref<1081344xf32, #tpu.memory_space<vmem_shared>> -> memref<4096xf32, #tpu.memory_space<vmem_shared>>
      %dma_start3A_150 = arith.constant 0 : i32
      %dma_start3A_151 = tpu.memref_slice %arg7[%run_scoped3A_32, %dma_start3A_150] : memref<3x4096xf32, #tpu.memory_space<vmem>> -> memref<1x4096xf32, #tpu.memory_space<vmem>>
      %dma_start3A_152 = tpu.memref_squeeze %dma_start3A_151 : memref<1x4096xf32, #tpu.memory_space<vmem>> -> memref<4096xf32, #tpu.memory_space<vmem>>
      tpu.enqueue_dma source(%dma_start3A_152 : memref<4096xf32, #tpu.memory_space<vmem>>) target(%dma_start3A_149 : memref<4096xf32, #tpu.memory_space<vmem_shared>>) target_semaphore(%run_scoped3A_144 : memref<!tpu.dma_semaphore, #tpu.memory_space<semaphore_mem>>)
      %dma_wait3A_153 = arith.constant 0 : i32
      %dma_wait3A_154 = tpu.memref_slice %arg7[%run_scoped3A_32, %dma_wait3A_153] : memref<3x4096xf32, #tpu.memory_space<vmem>> -> memref<1x4096xf32, #tpu.memory_space<vmem>>
      %dma_wait3A_155 = tpu.memref_squeeze %dma_wait3A_154 : memref<1x4096xf32, #tpu.memory_space<vmem>> -> memref<4096xf32, #tpu.memory_space<vmem>>
      %dma_wait3A_156 = tpu.memref_slice %arg5[%add3A_31] : memref<1081344xf32, #tpu.memory_space<vmem_shared>> -> memref<4096xf32, #tpu.memory_space<vmem_shared>>
      %dma_wait3A_157 = tpu.memref_slice %arg5[%add3A_31] : memref<1081344xf32, #tpu.memory_space<vmem_shared>> -> memref<4096xf32, #tpu.memory_space<vmem_shared>>
      %dma_wait3A_158 = arith.constant 0 : i32
      %dma_wait3A_159 = tpu.memref_slice %arg7[%run_scoped3A_32, %dma_wait3A_158] : memref<3x4096xf32, #tpu.memory_space<vmem>> -> memref<1x4096xf32, #tpu.memory_space<vmem>>
      %dma_wait3A_160 = tpu.memref_squeeze %dma_wait3A_159 : memref<1x4096xf32, #tpu.memory_space<vmem>> -> memref<4096xf32, #tpu.memory_space<vmem>>
      tpu.wait_dma2 semaphore(%run_scoped3A_144 : memref<!tpu.dma_semaphore, #tpu.memory_space<semaphore_mem>>) src(%dma_wait3A_160 : memref<4096xf32, #tpu.memory_space<vmem>>) dst(%dma_wait3A_157 : memref<4096xf32, #tpu.memory_space<vmem_shared>>)
      tpu.yield
    }) : () -> ()
    %mul3A_33 = arith.constant 65536 : i32
    %mul3A_34 = arith.muli %arg1, %mul3A_33 : i32
    %add3A_35 = arith.constant 20480 : i32
    %add3A_36 = arith.addi %mul3A_34, %add3A_35 : i32
    %run_scoped3A_37 = arith.constant 0 : i32
    "tpu.region"() ({
      %run_scoped3A_144 = tpu.sem_alloc : memref<!tpu.dma_semaphore, #tpu.memory_space<semaphore_mem>>
      %dma_start3A_145 = arith.constant 0 : i32
      %dma_start3A_146 = tpu.memref_slice %arg7[%run_scoped3A_37, %dma_start3A_145] : memref<3x4096xf32, #tpu.memory_space<vmem>> -> memref<1x4096xf32, #tpu.memory_space<vmem>>
      %dma_start3A_147 = tpu.memref_squeeze %dma_start3A_146 : memref<1x4096xf32, #tpu.memory_space<vmem>> -> memref<4096xf32, #tpu.memory_space<vmem>>
      %dma_start3A_148 = tpu.memref_slice %arg5[%add3A_36] : memref<1081344xf32, #tpu.memory_space<vmem_shared>> -> memref<4096xf32, #tpu.memory_space<vmem_shared>>
      %dma_start3A_149 = tpu.memref_slice %arg5[%add3A_36] : memref<1081344xf32, #tpu.memory_space<vmem_shared>> -> memref<4096xf32, #tpu.memory_space<vmem_shared>>
      %dma_start3A_150 = arith.constant 0 : i32
      %dma_start3A_151 = tpu.memref_slice %arg7[%run_scoped3A_37, %dma_start3A_150] : memref<3x4096xf32, #tpu.memory_space<vmem>> -> memref<1x4096xf32, #tpu.memory_space<vmem>>
      %dma_start3A_152 = tpu.memref_squeeze %dma_start3A_151 : memref<1x4096xf32, #tpu.memory_space<vmem>> -> memref<4096xf32, #tpu.memory_space<vmem>>
      tpu.enqueue_dma source(%dma_start3A_152 : memref<4096xf32, #tpu.memory_space<vmem>>) target(%dma_start3A_149 : memref<4096xf32, #tpu.memory_space<vmem_shared>>) target_semaphore(%run_scoped3A_144 : memref<!tpu.dma_semaphore, #tpu.memory_space<semaphore_mem>>)
      %dma_wait3A_153 = arith.constant 0 : i32
      %dma_wait3A_154 = tpu.memref_slice %arg7[%run_scoped3A_37, %dma_wait3A_153] : memref<3x4096xf32, #tpu.memory_space<vmem>> -> memref<1x4096xf32, #tpu.memory_space<vmem>>
      %dma_wait3A_155 = tpu.memref_squeeze %dma_wait3A_154 : memref<1x4096xf32, #tpu.memory_space<vmem>> -> memref<4096xf32, #tpu.memory_space<vmem>>
      %dma_wait3A_156 = tpu.memref_slice %arg5[%add3A_36] : memref<1081344xf32, #tpu.memory_space<vmem_shared>> -> memref<4096xf32, #tpu.memory_space<vmem_shared>>
      %dma_wait3A_157 = tpu.memref_slice %arg5[%add3A_36] : memref<1081344xf32, #tpu.memory_space<vmem_shared>> -> memref<4096xf32, #tpu.memory_space<vmem_shared>>
      %dma_wait3A_158 = arith.constant 0 : i32
      %dma_wait3A_159 = tpu.memref_slice %arg7[%run_scoped3A_37, %dma_wait3A_158] : memref<3x4096xf32, #tpu.memory_space<vmem>> -> memref<1x4096xf32, #tpu.memory_space<vmem>>
      %dma_wait3A_160 = tpu.memref_squeeze %dma_wait3A_159 : memref<1x4096xf32, #tpu.memory_space<vmem>> -> memref<4096xf32, #tpu.memory_space<vmem>>
      tpu.wait_dma2 semaphore(%run_scoped3A_144 : memref<!tpu.dma_semaphore, #tpu.memory_space<semaphore_mem>>) src(%dma_wait3A_160 : memref<4096xf32, #tpu.memory_space<vmem>>) dst(%dma_wait3A_157 : memref<4096xf32, #tpu.memory_space<vmem_shared>>)
      tpu.yield
    }) : () -> ()
    %mul3A_38 = arith.constant 65536 : i32
    %mul3A_39 = arith.muli %arg1, %mul3A_38 : i32
    %add3A_40 = arith.constant 24576 : i32
    %add3A_41 = arith.addi %mul3A_39, %add3A_40 : i32
    %run_scoped3A_42 = arith.constant 0 : i32
    "tpu.region"() ({
      %run_scoped3A_144 = tpu.sem_alloc : memref<!tpu.dma_semaphore, #tpu.memory_space<semaphore_mem>>
      %dma_start3A_145 = arith.constant 0 : i32
      %dma_start3A_146 = tpu.memref_slice %arg7[%run_scoped3A_42, %dma_start3A_145] : memref<3x4096xf32, #tpu.memory_space<vmem>> -> memref<1x4096xf32, #tpu.memory_space<vmem>>
      %dma_start3A_147 = tpu.memref_squeeze %dma_start3A_146 : memref<1x4096xf32, #tpu.memory_space<vmem>> -> memref<4096xf32, #tpu.memory_space<vmem>>
      %dma_start3A_148 = tpu.memref_slice %arg5[%add3A_41] : memref<1081344xf32, #tpu.memory_space<vmem_shared>> -> memref<4096xf32, #tpu.memory_space<vmem_shared>>
      %dma_start3A_149 = tpu.memref_slice %arg5[%add3A_41] : memref<1081344xf32, #tpu.memory_space<vmem_shared>> -> memref<4096xf32, #tpu.memory_space<vmem_shared>>
      %dma_start3A_150 = arith.constant 0 : i32
      %dma_start3A_151 = tpu.memref_slice %arg7[%run_scoped3A_42, %dma_start3A_150] : memref<3x4096xf32, #tpu.memory_space<vmem>> -> memref<1x4096xf32, #tpu.memory_space<vmem>>
      %dma_start3A_152 = tpu.memref_squeeze %dma_start3A_151 : memref<1x4096xf32, #tpu.memory_space<vmem>> -> memref<4096xf32, #tpu.memory_space<vmem>>
      tpu.enqueue_dma source(%dma_start3A_152 : memref<4096xf32, #tpu.memory_space<vmem>>) target(%dma_start3A_149 : memref<4096xf32, #tpu.memory_space<vmem_shared>>) target_semaphore(%run_scoped3A_144 : memref<!tpu.dma_semaphore, #tpu.memory_space<semaphore_mem>>)
      %dma_wait3A_153 = arith.constant 0 : i32
      %dma_wait3A_154 = tpu.memref_slice %arg7[%run_scoped3A_42, %dma_wait3A_153] : memref<3x4096xf32, #tpu.memory_space<vmem>> -> memref<1x4096xf32, #tpu.memory_space<vmem>>
      %dma_wait3A_155 = tpu.memref_squeeze %dma_wait3A_154 : memref<1x4096xf32, #tpu.memory_space<vmem>> -> memref<4096xf32, #tpu.memory_space<vmem>>
      %dma_wait3A_156 = tpu.memref_slice %arg5[%add3A_41] : memref<1081344xf32, #tpu.memory_space<vmem_shared>> -> memref<4096xf32, #tpu.memory_space<vmem_shared>>
      %dma_wait3A_157 = tpu.memref_slice %arg5[%add3A_41] : memref<1081344xf32, #tpu.memory_space<vmem_shared>> -> memref<4096xf32, #tpu.memory_space<vmem_shared>>
      %dma_wait3A_158 = arith.constant 0 : i32
      %dma_wait3A_159 = tpu.memref_slice %arg7[%run_scoped3A_42, %dma_wait3A_158] : memref<3x4096xf32, #tpu.memory_space<vmem>> -> memref<1x4096xf32, #tpu.memory_space<vmem>>
      %dma_wait3A_160 = tpu.memref_squeeze %dma_wait3A_159 : memref<1x4096xf32, #tpu.memory_space<vmem>> -> memref<4096xf32, #tpu.memory_space<vmem>>
      tpu.wait_dma2 semaphore(%run_scoped3A_144 : memref<!tpu.dma_semaphore, #tpu.memory_space<semaphore_mem>>) src(%dma_wait3A_160 : memref<4096xf32, #tpu.memory_space<vmem>>) dst(%dma_wait3A_157 : memref<4096xf32, #tpu.memory_space<vmem_shared>>)
      tpu.yield
    }) : () -> ()
    %mul3A_43 = arith.constant 65536 : i32
    %mul3A_44 = arith.muli %arg1, %mul3A_43 : i32
    %add3A_45 = arith.constant 28672 : i32
    %add3A_46 = arith.addi %mul3A_44, %add3A_45 : i32
    %run_scoped3A_47 = arith.constant 0 : i32
    "tpu.region"() ({
      %run_scoped3A_144 = tpu.sem_alloc : memref<!tpu.dma_semaphore, #tpu.memory_space<semaphore_mem>>
      %dma_start3A_145 = arith.constant 0 : i32
      %dma_start3A_146 = tpu.memref_slice %arg7[%run_scoped3A_47, %dma_start3A_145] : memref<3x4096xf32, #tpu.memory_space<vmem>> -> memref<1x4096xf32, #tpu.memory_space<vmem>>
      %dma_start3A_147 = tpu.memref_squeeze %dma_start3A_146 : memref<1x4096xf32, #tpu.memory_space<vmem>> -> memref<4096xf32, #tpu.memory_space<vmem>>
      %dma_start3A_148 = tpu.memref_slice %arg5[%add3A_46] : memref<1081344xf32, #tpu.memory_space<vmem_shared>> -> memref<4096xf32, #tpu.memory_space<vmem_shared>>
      %dma_start3A_149 = tpu.memref_slice %arg5[%add3A_46] : memref<1081344xf32, #tpu.memory_space<vmem_shared>> -> memref<4096xf32, #tpu.memory_space<vmem_shared>>
      %dma_start3A_150 = arith.constant 0 : i32
      %dma_start3A_151 = tpu.memref_slice %arg7[%run_scoped3A_47, %dma_start3A_150] : memref<3x4096xf32, #tpu.memory_space<vmem>> -> memref<1x4096xf32, #tpu.memory_space<vmem>>
      %dma_start3A_152 = tpu.memref_squeeze %dma_start3A_151 : memref<1x4096xf32, #tpu.memory_space<vmem>> -> memref<4096xf32, #tpu.memory_space<vmem>>
      tpu.enqueue_dma source(%dma_start3A_152 : memref<4096xf32, #tpu.memory_space<vmem>>) target(%dma_start3A_149 : memref<4096xf32, #tpu.memory_space<vmem_shared>>) target_semaphore(%run_scoped3A_144 : memref<!tpu.dma_semaphore, #tpu.memory_space<semaphore_mem>>)
      %dma_wait3A_153 = arith.constant 0 : i32
      %dma_wait3A_154 = tpu.memref_slice %arg7[%run_scoped3A_47, %dma_wait3A_153] : memref<3x4096xf32, #tpu.memory_space<vmem>> -> memref<1x4096xf32, #tpu.memory_space<vmem>>
      %dma_wait3A_155 = tpu.memref_squeeze %dma_wait3A_154 : memref<1x4096xf32, #tpu.memory_space<vmem>> -> memref<4096xf32, #tpu.memory_space<vmem>>
      %dma_wait3A_156 = tpu.memref_slice %arg5[%add3A_46] : memref<1081344xf32, #tpu.memory_space<vmem_shared>> -> memref<4096xf32, #tpu.memory_space<vmem_shared>>
      %dma_wait3A_157 = tpu.memref_slice %arg5[%add3A_46] : memref<1081344xf32, #tpu.memory_space<vmem_shared>> -> memref<4096xf32, #tpu.memory_space<vmem_shared>>
      %dma_wait3A_158 = arith.constant 0 : i32
      %dma_wait3A_159 = tpu.memref_slice %arg7[%run_scoped3A_47, %dma_wait3A_158] : memref<3x4096xf32, #tpu.memory_space<vmem>> -> memref<1x4096xf32, #tpu.memory_space<vmem>>
      %dma_wait3A_160 = tpu.memref_squeeze %dma_wait3A_159 : memref<1x4096xf32, #tpu.memory_space<vmem>> -> memref<4096xf32, #tpu.memory_space<vmem>>
      tpu.wait_dma2 semaphore(%run_scoped3A_144 : memref<!tpu.dma_semaphore, #tpu.memory_space<semaphore_mem>>) src(%dma_wait3A_160 : memref<4096xf32, #tpu.memory_space<vmem>>) dst(%dma_wait3A_157 : memref<4096xf32, #tpu.memory_space<vmem_shared>>)
      tpu.yield
    }) : () -> ()
    %mul3A_48 = arith.constant 65536 : i32
    %mul3A_49 = arith.muli %arg1, %mul3A_48 : i32
    %add3A_50 = arith.constant 32768 : i32
    %add3A_51 = arith.addi %mul3A_49, %add3A_50 : i32
    %run_scoped3A_52 = arith.constant 0 : i32
    "tpu.region"() ({
      %run_scoped3A_144 = tpu.sem_alloc : memref<!tpu.dma_semaphore, #tpu.memory_space<semaphore_mem>>
      %dma_start3A_145 = arith.constant 0 : i32
      %dma_start3A_146 = tpu.memref_slice %arg7[%run_scoped3A_52, %dma_start3A_145] : memref<3x4096xf32, #tpu.memory_space<vmem>> -> memref<1x4096xf32, #tpu.memory_space<vmem>>
      %dma_start3A_147 = tpu.memref_squeeze %dma_start3A_146 : memref<1x4096xf32, #tpu.memory_space<vmem>> -> memref<4096xf32, #tpu.memory_space<vmem>>
      %dma_start3A_148 = tpu.memref_slice %arg5[%add3A_51] : memref<1081344xf32, #tpu.memory_space<vmem_shared>> -> memref<4096xf32, #tpu.memory_space<vmem_shared>>
      %dma_start3A_149 = tpu.memref_slice %arg5[%add3A_51] : memref<1081344xf32, #tpu.memory_space<vmem_shared>> -> memref<4096xf32, #tpu.memory_space<vmem_shared>>
      %dma_start3A_150 = arith.constant 0 : i32
      %dma_start3A_151 = tpu.memref_slice %arg7[%run_scoped3A_52, %dma_start3A_150] : memref<3x4096xf32, #tpu.memory_space<vmem>> -> memref<1x4096xf32, #tpu.memory_space<vmem>>
      %dma_start3A_152 = tpu.memref_squeeze %dma_start3A_151 : memref<1x4096xf32, #tpu.memory_space<vmem>> -> memref<4096xf32, #tpu.memory_space<vmem>>
      tpu.enqueue_dma source(%dma_start3A_152 : memref<4096xf32, #tpu.memory_space<vmem>>) target(%dma_start3A_149 : memref<4096xf32, #tpu.memory_space<vmem_shared>>) target_semaphore(%run_scoped3A_144 : memref<!tpu.dma_semaphore, #tpu.memory_space<semaphore_mem>>)
      %dma_wait3A_153 = arith.constant 0 : i32
      %dma_wait3A_154 = tpu.memref_slice %arg7[%run_scoped3A_52, %dma_wait3A_153] : memref<3x4096xf32, #tpu.memory_space<vmem>> -> memref<1x4096xf32, #tpu.memory_space<vmem>>
      %dma_wait3A_155 = tpu.memref_squeeze %dma_wait3A_154 : memref<1x4096xf32, #tpu.memory_space<vmem>> -> memref<4096xf32, #tpu.memory_space<vmem>>
      %dma_wait3A_156 = tpu.memref_slice %arg5[%add3A_51] : memref<1081344xf32, #tpu.memory_space<vmem_shared>> -> memref<4096xf32, #tpu.memory_space<vmem_shared>>
      %dma_wait3A_157 = tpu.memref_slice %arg5[%add3A_51] : memref<1081344xf32, #tpu.memory_space<vmem_shared>> -> memref<4096xf32, #tpu.memory_space<vmem_shared>>
      %dma_wait3A_158 = arith.constant 0 : i32
      %dma_wait3A_159 = tpu.memref_slice %arg7[%run_scoped3A_52, %dma_wait3A_158] : memref<3x4096xf32, #tpu.memory_space<vmem>> -> memref<1x4096xf32, #tpu.memory_space<vmem>>
      %dma_wait3A_160 = tpu.memref_squeeze %dma_wait3A_159 : memref<1x4096xf32, #tpu.memory_space<vmem>> -> memref<4096xf32, #tpu.memory_space<vmem>>
      tpu.wait_dma2 semaphore(%run_scoped3A_144 : memref<!tpu.dma_semaphore, #tpu.memory_space<semaphore_mem>>) src(%dma_wait3A_160 : memref<4096xf32, #tpu.memory_space<vmem>>) dst(%dma_wait3A_157 : memref<4096xf32, #tpu.memory_space<vmem_shared>>)
      tpu.yield
    }) : () -> ()
    %mul3A_53 = arith.constant 65536 : i32
    %mul3A_54 = arith.muli %arg1, %mul3A_53 : i32
    %add3A_55 = arith.constant 36864 : i32
    %add3A_56 = arith.addi %mul3A_54, %add3A_55 : i32
    %run_scoped3A_57 = arith.constant 0 : i32
    "tpu.region"() ({
      %run_scoped3A_144 = tpu.sem_alloc : memref<!tpu.dma_semaphore, #tpu.memory_space<semaphore_mem>>
      %dma_start3A_145 = arith.constant 0 : i32
      %dma_start3A_146 = tpu.memref_slice %arg7[%run_scoped3A_57, %dma_start3A_145] : memref<3x4096xf32, #tpu.memory_space<vmem>> -> memref<1x4096xf32, #tpu.memory_space<vmem>>
      %dma_start3A_147 = tpu.memref_squeeze %dma_start3A_146 : memref<1x4096xf32, #tpu.memory_space<vmem>> -> memref<4096xf32, #tpu.memory_space<vmem>>
      %dma_start3A_148 = tpu.memref_slice %arg5[%add3A_56] : memref<1081344xf32, #tpu.memory_space<vmem_shared>> -> memref<4096xf32, #tpu.memory_space<vmem_shared>>
      %dma_start3A_149 = tpu.memref_slice %arg5[%add3A_56] : memref<1081344xf32, #tpu.memory_space<vmem_shared>> -> memref<4096xf32, #tpu.memory_space<vmem_shared>>
      %dma_start3A_150 = arith.constant 0 : i32
      %dma_start3A_151 = tpu.memref_slice %arg7[%run_scoped3A_57, %dma_start3A_150] : memref<3x4096xf32, #tpu.memory_space<vmem>> -> memref<1x4096xf32, #tpu.memory_space<vmem>>
      %dma_start3A_152 = tpu.memref_squeeze %dma_start3A_151 : memref<1x4096xf32, #tpu.memory_space<vmem>> -> memref<4096xf32, #tpu.memory_space<vmem>>
      tpu.enqueue_dma source(%dma_start3A_152 : memref<4096xf32, #tpu.memory_space<vmem>>) target(%dma_start3A_149 : memref<4096xf32, #tpu.memory_space<vmem_shared>>) target_semaphore(%run_scoped3A_144 : memref<!tpu.dma_semaphore, #tpu.memory_space<semaphore_mem>>)
      %dma_wait3A_153 = arith.constant 0 : i32
      %dma_wait3A_154 = tpu.memref_slice %arg7[%run_scoped3A_57, %dma_wait3A_153] : memref<3x4096xf32, #tpu.memory_space<vmem>> -> memref<1x4096xf32, #tpu.memory_space<vmem>>
      %dma_wait3A_155 = tpu.memref_squeeze %dma_wait3A_154 : memref<1x4096xf32, #tpu.memory_space<vmem>> -> memref<4096xf32, #tpu.memory_space<vmem>>
      %dma_wait3A_156 = tpu.memref_slice %arg5[%add3A_56] : memref<1081344xf32, #tpu.memory_space<vmem_shared>> -> memref<4096xf32, #tpu.memory_space<vmem_shared>>
      %dma_wait3A_157 = tpu.memref_slice %arg5[%add3A_56] : memref<1081344xf32, #tpu.memory_space<vmem_shared>> -> memref<4096xf32, #tpu.memory_space<vmem_shared>>
      %dma_wait3A_158 = arith.constant 0 : i32
      %dma_wait3A_159 = tpu.memref_slice %arg7[%run_scoped3A_57, %dma_wait3A_158] : memref<3x4096xf32, #tpu.memory_space<vmem>> -> memref<1x4096xf32, #tpu.memory_space<vmem>>
      %dma_wait3A_160 = tpu.memref_squeeze %dma_wait3A_159 : memref<1x4096xf32, #tpu.memory_space<vmem>> -> memref<4096xf32, #tpu.memory_space<vmem>>
      tpu.wait_dma2 semaphore(%run_scoped3A_144 : memref<!tpu.dma_semaphore, #tpu.memory_space<semaphore_mem>>) src(%dma_wait3A_160 : memref<4096xf32, #tpu.memory_space<vmem>>) dst(%dma_wait3A_157 : memref<4096xf32, #tpu.memory_space<vmem_shared>>)
      tpu.yield
    }) : () -> ()
    %mul3A_58 = arith.constant 65536 : i32
    %mul3A_59 = arith.muli %arg1, %mul3A_58 : i32
    %add3A_60 = arith.constant 40960 : i32
    %add3A_61 = arith.addi %mul3A_59, %add3A_60 : i32
    %run_scoped3A_62 = arith.constant 0 : i32
    "tpu.region"() ({
      %run_scoped3A_144 = tpu.sem_alloc : memref<!tpu.dma_semaphore, #tpu.memory_space<semaphore_mem>>
      %dma_start3A_145 = arith.constant 0 : i32
      %dma_start3A_146 = tpu.memref_slice %arg7[%run_scoped3A_62, %dma_start3A_145] : memref<3x4096xf32, #tpu.memory_space<vmem>> -> memref<1x4096xf32, #tpu.memory_space<vmem>>
      %dma_start3A_147 = tpu.memref_squeeze %dma_start3A_146 : memref<1x4096xf32, #tpu.memory_space<vmem>> -> memref<4096xf32, #tpu.memory_space<vmem>>
      %dma_start3A_148 = tpu.memref_slice %arg5[%add3A_61] : memref<1081344xf32, #tpu.memory_space<vmem_shared>> -> memref<4096xf32, #tpu.memory_space<vmem_shared>>
      %dma_start3A_149 = tpu.memref_slice %arg5[%add3A_61] : memref<1081344xf32, #tpu.memory_space<vmem_shared>> -> memref<4096xf32, #tpu.memory_space<vmem_shared>>
      %dma_start3A_150 = arith.constant 0 : i32
      %dma_start3A_151 = tpu.memref_slice %arg7[%run_scoped3A_62, %dma_start3A_150] : memref<3x4096xf32, #tpu.memory_space<vmem>> -> memref<1x4096xf32, #tpu.memory_space<vmem>>
      %dma_start3A_152 = tpu.memref_squeeze %dma_start3A_151 : memref<1x4096xf32, #tpu.memory_space<vmem>> -> memref<4096xf32, #tpu.memory_space<vmem>>
      tpu.enqueue_dma source(%dma_start3A_152 : memref<4096xf32, #tpu.memory_space<vmem>>) target(%dma_start3A_149 : memref<4096xf32, #tpu.memory_space<vmem_shared>>) target_semaphore(%run_scoped3A_144 : memref<!tpu.dma_semaphore, #tpu.memory_space<semaphore_mem>>)
      %dma_wait3A_153 = arith.constant 0 : i32
      %dma_wait3A_154 = tpu.memref_slice %arg7[%run_scoped3A_62, %dma_wait3A_153] : memref<3x4096xf32, #tpu.memory_space<vmem>> -> memref<1x4096xf32, #tpu.memory_space<vmem>>
      %dma_wait3A_155 = tpu.memref_squeeze %dma_wait3A_154 : memref<1x4096xf32, #tpu.memory_space<vmem>> -> memref<4096xf32, #tpu.memory_space<vmem>>
      %dma_wait3A_156 = tpu.memref_slice %arg5[%add3A_61] : memref<1081344xf32, #tpu.memory_space<vmem_shared>> -> memref<4096xf32, #tpu.memory_space<vmem_shared>>
      %dma_wait3A_157 = tpu.memref_slice %arg5[%add3A_61] : memref<1081344xf32, #tpu.memory_space<vmem_shared>> -> memref<4096xf32, #tpu.memory_space<vmem_shared>>
      %dma_wait3A_158 = arith.constant 0 : i32
      %dma_wait3A_159 = tpu.memref_slice %arg7[%run_scoped3A_62, %dma_wait3A_158] : memref<3x4096xf32, #tpu.memory_space<vmem>> -> memref<1x4096xf32, #tpu.memory_space<vmem>>
      %dma_wait3A_160 = tpu.memref_squeeze %dma_wait3A_159 : memref<1x4096xf32, #tpu.memory_space<vmem>> -> memref<4096xf32, #tpu.memory_space<vmem>>
      tpu.wait_dma2 semaphore(%run_scoped3A_144 : memref<!tpu.dma_semaphore, #tpu.memory_space<semaphore_mem>>) src(%dma_wait3A_160 : memref<4096xf32, #tpu.memory_space<vmem>>) dst(%dma_wait3A_157 : memref<4096xf32, #tpu.memory_space<vmem_shared>>)
      tpu.yield
    }) : () -> ()
    %mul3A_63 = arith.constant 65536 : i32
    %mul3A_64 = arith.muli %arg1, %mul3A_63 : i32
    %add3A_65 = arith.constant 45056 : i32
    %add3A_66 = arith.addi %mul3A_64, %add3A_65 : i32
    %run_scoped3A_67 = arith.constant 0 : i32
    "tpu.region"() ({
      %run_scoped3A_144 = tpu.sem_alloc : memref<!tpu.dma_semaphore, #tpu.memory_space<semaphore_mem>>
      %dma_start3A_145 = arith.constant 0 : i32
      %dma_start3A_146 = tpu.memref_slice %arg7[%run_scoped3A_67, %dma_start3A_145] : memref<3x4096xf32, #tpu.memory_space<vmem>> -> memref<1x4096xf32, #tpu.memory_space<vmem>>
      %dma_start3A_147 = tpu.memref_squeeze %dma_start3A_146 : memref<1x4096xf32, #tpu.memory_space<vmem>> -> memref<4096xf32, #tpu.memory_space<vmem>>
      %dma_start3A_148 = tpu.memref_slice %arg5[%add3A_66] : memref<1081344xf32, #tpu.memory_space<vmem_shared>> -> memref<4096xf32, #tpu.memory_space<vmem_shared>>
      %dma_start3A_149 = tpu.memref_slice %arg5[%add3A_66] : memref<1081344xf32, #tpu.memory_space<vmem_shared>> -> memref<4096xf32, #tpu.memory_space<vmem_shared>>
      %dma_start3A_150 = arith.constant 0 : i32
      %dma_start3A_151 = tpu.memref_slice %arg7[%run_scoped3A_67, %dma_start3A_150] : memref<3x4096xf32, #tpu.memory_space<vmem>> -> memref<1x4096xf32, #tpu.memory_space<vmem>>
      %dma_start3A_152 = tpu.memref_squeeze %dma_start3A_151 : memref<1x4096xf32, #tpu.memory_space<vmem>> -> memref<4096xf32, #tpu.memory_space<vmem>>
      tpu.enqueue_dma source(%dma_start3A_152 : memref<4096xf32, #tpu.memory_space<vmem>>) target(%dma_start3A_149 : memref<4096xf32, #tpu.memory_space<vmem_shared>>) target_semaphore(%run_scoped3A_144 : memref<!tpu.dma_semaphore, #tpu.memory_space<semaphore_mem>>)
      %dma_wait3A_153 = arith.constant 0 : i32
      %dma_wait3A_154 = tpu.memref_slice %arg7[%run_scoped3A_67, %dma_wait3A_153] : memref<3x4096xf32, #tpu.memory_space<vmem>> -> memref<1x4096xf32, #tpu.memory_space<vmem>>
      %dma_wait3A_155 = tpu.memref_squeeze %dma_wait3A_154 : memref<1x4096xf32, #tpu.memory_space<vmem>> -> memref<4096xf32, #tpu.memory_space<vmem>>
      %dma_wait3A_156 = tpu.memref_slice %arg5[%add3A_66] : memref<1081344xf32, #tpu.memory_space<vmem_shared>> -> memref<4096xf32, #tpu.memory_space<vmem_shared>>
      %dma_wait3A_157 = tpu.memref_slice %arg5[%add3A_66] : memref<1081344xf32, #tpu.memory_space<vmem_shared>> -> memref<4096xf32, #tpu.memory_space<vmem_shared>>
      %dma_wait3A_158 = arith.constant 0 : i32
      %dma_wait3A_159 = tpu.memref_slice %arg7[%run_scoped3A_67, %dma_wait3A_158] : memref<3x4096xf32, #tpu.memory_space<vmem>> -> memref<1x4096xf32, #tpu.memory_space<vmem>>
      %dma_wait3A_160 = tpu.memref_squeeze %dma_wait3A_159 : memref<1x4096xf32, #tpu.memory_space<vmem>> -> memref<4096xf32, #tpu.memory_space<vmem>>
      tpu.wait_dma2 semaphore(%run_scoped3A_144 : memref<!tpu.dma_semaphore, #tpu.memory_space<semaphore_mem>>) src(%dma_wait3A_160 : memref<4096xf32, #tpu.memory_space<vmem>>) dst(%dma_wait3A_157 : memref<4096xf32, #tpu.memory_space<vmem_shared>>)
      tpu.yield
    }) : () -> ()
    %mul3A_68 = arith.constant 65536 : i32
    %mul3A_69 = arith.muli %arg1, %mul3A_68 : i32
    %add3A_70 = arith.constant 49152 : i32
    %add3A_71 = arith.addi %mul3A_69, %add3A_70 : i32
    %run_scoped3A_72 = arith.constant 0 : i32
    "tpu.region"() ({
      %run_scoped3A_144 = tpu.sem_alloc : memref<!tpu.dma_semaphore, #tpu.memory_space<semaphore_mem>>
      %dma_start3A_145 = arith.constant 0 : i32
      %dma_start3A_146 = tpu.memref_slice %arg7[%run_scoped3A_72, %dma_start3A_145] : memref<3x4096xf32, #tpu.memory_space<vmem>> -> memref<1x4096xf32, #tpu.memory_space<vmem>>
      %dma_start3A_147 = tpu.memref_squeeze %dma_start3A_146 : memref<1x4096xf32, #tpu.memory_space<vmem>> -> memref<4096xf32, #tpu.memory_space<vmem>>
      %dma_start3A_148 = tpu.memref_slice %arg5[%add3A_71] : memref<1081344xf32, #tpu.memory_space<vmem_shared>> -> memref<4096xf32, #tpu.memory_space<vmem_shared>>
      %dma_start3A_149 = tpu.memref_slice %arg5[%add3A_71] : memref<1081344xf32, #tpu.memory_space<vmem_shared>> -> memref<4096xf32, #tpu.memory_space<vmem_shared>>
      %dma_start3A_150 = arith.constant 0 : i32
      %dma_start3A_151 = tpu.memref_slice %arg7[%run_scoped3A_72, %dma_start3A_150] : memref<3x4096xf32, #tpu.memory_space<vmem>> -> memref<1x4096xf32, #tpu.memory_space<vmem>>
      %dma_start3A_152 = tpu.memref_squeeze %dma_start3A_151 : memref<1x4096xf32, #tpu.memory_space<vmem>> -> memref<4096xf32, #tpu.memory_space<vmem>>
      tpu.enqueue_dma source(%dma_start3A_152 : memref<4096xf32, #tpu.memory_space<vmem>>) target(%dma_start3A_149 : memref<4096xf32, #tpu.memory_space<vmem_shared>>) target_semaphore(%run_scoped3A_144 : memref<!tpu.dma_semaphore, #tpu.memory_space<semaphore_mem>>)
      %dma_wait3A_153 = arith.constant 0 : i32
      %dma_wait3A_154 = tpu.memref_slice %arg7[%run_scoped3A_72, %dma_wait3A_153] : memref<3x4096xf32, #tpu.memory_space<vmem>> -> memref<1x4096xf32, #tpu.memory_space<vmem>>
      %dma_wait3A_155 = tpu.memref_squeeze %dma_wait3A_154 : memref<1x4096xf32, #tpu.memory_space<vmem>> -> memref<4096xf32, #tpu.memory_space<vmem>>
      %dma_wait3A_156 = tpu.memref_slice %arg5[%add3A_71] : memref<1081344xf32, #tpu.memory_space<vmem_shared>> -> memref<4096xf32, #tpu.memory_space<vmem_shared>>
      %dma_wait3A_157 = tpu.memref_slice %arg5[%add3A_71] : memref<1081344xf32, #tpu.memory_space<vmem_shared>> -> memref<4096xf32, #tpu.memory_space<vmem_shared>>
      %dma_wait3A_158 = arith.constant 0 : i32
      %dma_wait3A_159 = tpu.memref_slice %arg7[%run_scoped3A_72, %dma_wait3A_158] : memref<3x4096xf32, #tpu.memory_space<vmem>> -> memref<1x4096xf32, #tpu.memory_space<vmem>>
      %dma_wait3A_160 = tpu.memref_squeeze %dma_wait3A_159 : memref<1x4096xf32, #tpu.memory_space<vmem>> -> memref<4096xf32, #tpu.memory_space<vmem>>
      tpu.wait_dma2 semaphore(%run_scoped3A_144 : memref<!tpu.dma_semaphore, #tpu.memory_space<semaphore_mem>>) src(%dma_wait3A_160 : memref<4096xf32, #tpu.memory_space<vmem>>) dst(%dma_wait3A_157 : memref<4096xf32, #tpu.memory_space<vmem_shared>>)
      tpu.yield
    }) : () -> ()
    %mul3A_73 = arith.constant 65536 : i32
    %mul3A_74 = arith.muli %arg1, %mul3A_73 : i32
    %add3A_75 = arith.constant 53248 : i32
    %add3A_76 = arith.addi %mul3A_74, %add3A_75 : i32
    %run_scoped3A_77 = arith.constant 0 : i32
    "tpu.region"() ({
      %run_scoped3A_144 = tpu.sem_alloc : memref<!tpu.dma_semaphore, #tpu.memory_space<semaphore_mem>>
      %dma_start3A_145 = arith.constant 0 : i32
      %dma_start3A_146 = tpu.memref_slice %arg7[%run_scoped3A_77, %dma_start3A_145] : memref<3x4096xf32, #tpu.memory_space<vmem>> -> memref<1x4096xf32, #tpu.memory_space<vmem>>
      %dma_start3A_147 = tpu.memref_squeeze %dma_start3A_146 : memref<1x4096xf32, #tpu.memory_space<vmem>> -> memref<4096xf32, #tpu.memory_space<vmem>>
      %dma_start3A_148 = tpu.memref_slice %arg5[%add3A_76] : memref<1081344xf32, #tpu.memory_space<vmem_shared>> -> memref<4096xf32, #tpu.memory_space<vmem_shared>>
      %dma_start3A_149 = tpu.memref_slice %arg5[%add3A_76] : memref<1081344xf32, #tpu.memory_space<vmem_shared>> -> memref<4096xf32, #tpu.memory_space<vmem_shared>>
      %dma_start3A_150 = arith.constant 0 : i32
      %dma_start3A_151 = tpu.memref_slice %arg7[%run_scoped3A_77, %dma_start3A_150] : memref<3x4096xf32, #tpu.memory_space<vmem>> -> memref<1x4096xf32, #tpu.memory_space<vmem>>
      %dma_start3A_152 = tpu.memref_squeeze %dma_start3A_151 : memref<1x4096xf32, #tpu.memory_space<vmem>> -> memref<4096xf32, #tpu.memory_space<vmem>>
      tpu.enqueue_dma source(%dma_start3A_152 : memref<4096xf32, #tpu.memory_space<vmem>>) target(%dma_start3A_149 : memref<4096xf32, #tpu.memory_space<vmem_shared>>) target_semaphore(%run_scoped3A_144 : memref<!tpu.dma_semaphore, #tpu.memory_space<semaphore_mem>>)
      %dma_wait3A_153 = arith.constant 0 : i32
      %dma_wait3A_154 = tpu.memref_slice %arg7[%run_scoped3A_77, %dma_wait3A_153] : memref<3x4096xf32, #tpu.memory_space<vmem>> -> memref<1x4096xf32, #tpu.memory_space<vmem>>
      %dma_wait3A_155 = tpu.memref_squeeze %dma_wait3A_154 : memref<1x4096xf32, #tpu.memory_space<vmem>> -> memref<4096xf32, #tpu.memory_space<vmem>>
      %dma_wait3A_156 = tpu.memref_slice %arg5[%add3A_76] : memref<1081344xf32, #tpu.memory_space<vmem_shared>> -> memref<4096xf32, #tpu.memory_space<vmem_shared>>
      %dma_wait3A_157 = tpu.memref_slice %arg5[%add3A_76] : memref<1081344xf32, #tpu.memory_space<vmem_shared>> -> memref<4096xf32, #tpu.memory_space<vmem_shared>>
      %dma_wait3A_158 = arith.constant 0 : i32
      %dma_wait3A_159 = tpu.memref_slice %arg7[%run_scoped3A_77, %dma_wait3A_158] : memref<3x4096xf32, #tpu.memory_space<vmem>> -> memref<1x4096xf32, #tpu.memory_space<vmem>>
      %dma_wait3A_160 = tpu.memref_squeeze %dma_wait3A_159 : memref<1x4096xf32, #tpu.memory_space<vmem>> -> memref<4096xf32, #tpu.memory_space<vmem>>
      tpu.wait_dma2 semaphore(%run_scoped3A_144 : memref<!tpu.dma_semaphore, #tpu.memory_space<semaphore_mem>>) src(%dma_wait3A_160 : memref<4096xf32, #tpu.memory_space<vmem>>) dst(%dma_wait3A_157 : memref<4096xf32, #tpu.memory_space<vmem_shared>>)
      tpu.yield
    }) : () -> ()
    %mul3A_78 = arith.constant 65536 : i32
    %mul3A_79 = arith.muli %arg1, %mul3A_78 : i32
    %add3A_80 = arith.constant 57344 : i32
    %add3A_81 = arith.addi %mul3A_79, %add3A_80 : i32
    %run_scoped3A_82 = arith.constant 0 : i32
    "tpu.region"() ({
      %run_scoped3A_144 = tpu.sem_alloc : memref<!tpu.dma_semaphore, #tpu.memory_space<semaphore_mem>>
      %dma_start3A_145 = arith.constant 0 : i32
      %dma_start3A_146 = tpu.memref_slice %arg7[%run_scoped3A_82, %dma_start3A_145] : memref<3x4096xf32, #tpu.memory_space<vmem>> -> memref<1x4096xf32, #tpu.memory_space<vmem>>
      %dma_start3A_147 = tpu.memref_squeeze %dma_start3A_146 : memref<1x4096xf32, #tpu.memory_space<vmem>> -> memref<4096xf32, #tpu.memory_space<vmem>>
      %dma_start3A_148 = tpu.memref_slice %arg5[%add3A_81] : memref<1081344xf32, #tpu.memory_space<vmem_shared>> -> memref<4096xf32, #tpu.memory_space<vmem_shared>>
      %dma_start3A_149 = tpu.memref_slice %arg5[%add3A_81] : memref<1081344xf32, #tpu.memory_space<vmem_shared>> -> memref<4096xf32, #tpu.memory_space<vmem_shared>>
      %dma_start3A_150 = arith.constant 0 : i32
      %dma_start3A_151 = tpu.memref_slice %arg7[%run_scoped3A_82, %dma_start3A_150] : memref<3x4096xf32, #tpu.memory_space<vmem>> -> memref<1x4096xf32, #tpu.memory_space<vmem>>
      %dma_start3A_152 = tpu.memref_squeeze %dma_start3A_151 : memref<1x4096xf32, #tpu.memory_space<vmem>> -> memref<4096xf32, #tpu.memory_space<vmem>>
      tpu.enqueue_dma source(%dma_start3A_152 : memref<4096xf32, #tpu.memory_space<vmem>>) target(%dma_start3A_149 : memref<4096xf32, #tpu.memory_space<vmem_shared>>) target_semaphore(%run_scoped3A_144 : memref<!tpu.dma_semaphore, #tpu.memory_space<semaphore_mem>>)
      %dma_wait3A_153 = arith.constant 0 : i32
      %dma_wait3A_154 = tpu.memref_slice %arg7[%run_scoped3A_82, %dma_wait3A_153] : memref<3x4096xf32, #tpu.memory_space<vmem>> -> memref<1x4096xf32, #tpu.memory_space<vmem>>
      %dma_wait3A_155 = tpu.memref_squeeze %dma_wait3A_154 : memref<1x4096xf32, #tpu.memory_space<vmem>> -> memref<4096xf32, #tpu.memory_space<vmem>>
      %dma_wait3A_156 = tpu.memref_slice %arg5[%add3A_81] : memref<1081344xf32, #tpu.memory_space<vmem_shared>> -> memref<4096xf32, #tpu.memory_space<vmem_shared>>
      %dma_wait3A_157 = tpu.memref_slice %arg5[%add3A_81] : memref<1081344xf32, #tpu.memory_space<vmem_shared>> -> memref<4096xf32, #tpu.memory_space<vmem_shared>>
      %dma_wait3A_158 = arith.constant 0 : i32
      %dma_wait3A_159 = tpu.memref_slice %arg7[%run_scoped3A_82, %dma_wait3A_158] : memref<3x4096xf32, #tpu.memory_space<vmem>> -> memref<1x4096xf32, #tpu.memory_space<vmem>>
      %dma_wait3A_160 = tpu.memref_squeeze %dma_wait3A_159 : memref<1x4096xf32, #tpu.memory_space<vmem>> -> memref<4096xf32, #tpu.memory_space<vmem>>
      tpu.wait_dma2 semaphore(%run_scoped3A_144 : memref<!tpu.dma_semaphore, #tpu.memory_space<semaphore_mem>>) src(%dma_wait3A_160 : memref<4096xf32, #tpu.memory_space<vmem>>) dst(%dma_wait3A_157 : memref<4096xf32, #tpu.memory_space<vmem_shared>>)
      tpu.yield
    }) : () -> ()
    %mul3A_83 = arith.constant 65536 : i32
    %mul3A_84 = arith.muli %arg1, %mul3A_83 : i32
    %add3A_85 = arith.constant 61440 : i32
    %add3A_86 = arith.addi %mul3A_84, %add3A_85 : i32
    %run_scoped3A_87 = arith.constant 0 : i32
    "tpu.region"() ({
      %run_scoped3A_144 = tpu.sem_alloc : memref<!tpu.dma_semaphore, #tpu.memory_space<semaphore_mem>>
      %dma_start3A_145 = arith.constant 0 : i32
      %dma_start3A_146 = tpu.memref_slice %arg7[%run_scoped3A_87, %dma_start3A_145] : memref<3x4096xf32, #tpu.memory_space<vmem>> -> memref<1x4096xf32, #tpu.memory_space<vmem>>
      %dma_start3A_147 = tpu.memref_squeeze %dma_start3A_146 : memref<1x4096xf32, #tpu.memory_space<vmem>> -> memref<4096xf32, #tpu.memory_space<vmem>>
      %dma_start3A_148 = tpu.memref_slice %arg5[%add3A_86] : memref<1081344xf32, #tpu.memory_space<vmem_shared>> -> memref<4096xf32, #tpu.memory_space<vmem_shared>>
      %dma_start3A_149 = tpu.memref_slice %arg5[%add3A_86] : memref<1081344xf32, #tpu.memory_space<vmem_shared>> -> memref<4096xf32, #tpu.memory_space<vmem_shared>>
      %dma_start3A_150 = arith.constant 0 : i32
      %dma_start3A_151 = tpu.memref_slice %arg7[%run_scoped3A_87, %dma_start3A_150] : memref<3x4096xf32, #tpu.memory_space<vmem>> -> memref<1x4096xf32, #tpu.memory_space<vmem>>
      %dma_start3A_152 = tpu.memref_squeeze %dma_start3A_151 : memref<1x4096xf32, #tpu.memory_space<vmem>> -> memref<4096xf32, #tpu.memory_space<vmem>>
      tpu.enqueue_dma source(%dma_start3A_152 : memref<4096xf32, #tpu.memory_space<vmem>>) target(%dma_start3A_149 : memref<4096xf32, #tpu.memory_space<vmem_shared>>) target_semaphore(%run_scoped3A_144 : memref<!tpu.dma_semaphore, #tpu.memory_space<semaphore_mem>>)
      %dma_wait3A_153 = arith.constant 0 : i32
      %dma_wait3A_154 = tpu.memref_slice %arg7[%run_scoped3A_87, %dma_wait3A_153] : memref<3x4096xf32, #tpu.memory_space<vmem>> -> memref<1x4096xf32, #tpu.memory_space<vmem>>
      %dma_wait3A_155 = tpu.memref_squeeze %dma_wait3A_154 : memref<1x4096xf32, #tpu.memory_space<vmem>> -> memref<4096xf32, #tpu.memory_space<vmem>>
      %dma_wait3A_156 = tpu.memref_slice %arg5[%add3A_86] : memref<1081344xf32, #tpu.memory_space<vmem_shared>> -> memref<4096xf32, #tpu.memory_space<vmem_shared>>
      %dma_wait3A_157 = tpu.memref_slice %arg5[%add3A_86] : memref<1081344xf32, #tpu.memory_space<vmem_shared>> -> memref<4096xf32, #tpu.memory_space<vmem_shared>>
      %dma_wait3A_158 = arith.constant 0 : i32
      %dma_wait3A_159 = tpu.memref_slice %arg7[%run_scoped3A_87, %dma_wait3A_158] : memref<3x4096xf32, #tpu.memory_space<vmem>> -> memref<1x4096xf32, #tpu.memory_space<vmem>>
      %dma_wait3A_160 = tpu.memref_squeeze %dma_wait3A_159 : memref<1x4096xf32, #tpu.memory_space<vmem>> -> memref<4096xf32, #tpu.memory_space<vmem>>
      tpu.wait_dma2 semaphore(%run_scoped3A_144 : memref<!tpu.dma_semaphore, #tpu.memory_space<semaphore_mem>>) src(%dma_wait3A_160 : memref<4096xf32, #tpu.memory_space<vmem>>) dst(%dma_wait3A_157 : memref<4096xf32, #tpu.memory_space<vmem_shared>>)
      tpu.yield
    }) : () -> ()
    %barrier3A = arith.constant 0 : index
    tpu.barrier barrier_id(%barrier3A)
    %add3A_88 = arith.constant 0 : i32
    %add3A_89 = arith.addi %mul3A_1, %add3A_88 : i32
    %dma_start3A = arith.constant 0 : i32
    %dma_start3A_90 = arith.constant 0 : i32
    %dma_start3A_91 = tpu.memref_slice %arg6[%dma_start3A, %dma_start3A_90] : memref<2x4096xi32, #tpu.memory_space<vmem>> -> memref<1x4096xi32, #tpu.memory_space<vmem>>
    %dma_start3A_92 = tpu.memref_squeeze %dma_start3A_91 : memref<1x4096xi32, #tpu.memory_space<vmem>> -> memref<4096xi32, #tpu.memory_space<vmem>>
    %dma_start3A_93 = tpu.memref_slice %arg2[%add3A_89] : memref<2097152xi32, #tpu.memory_space<hbm>> -> memref<4096xi32, #tpu.memory_space<hbm>>
    %dma_start3A_94 = arith.constant 0 : i32
    %dma_start3A_95 = tpu.memref_slice %arg6[%dma_start3A, %dma_start3A_94] : memref<2x4096xi32, #tpu.memory_space<vmem>> -> memref<1x4096xi32, #tpu.memory_space<vmem>>
    %dma_start3A_96 = tpu.memref_squeeze %dma_start3A_95 : memref<1x4096xi32, #tpu.memory_space<vmem>> -> memref<4096xi32, #tpu.memory_space<vmem>>
    %dma_start3A_97 = tpu.memref_slice %arg2[%add3A_89] : memref<2097152xi32, #tpu.memory_space<hbm>> -> memref<4096xi32, #tpu.memory_space<hbm>>
    tpu.enqueue_dma source(%dma_start3A_97 : memref<4096xi32, #tpu.memory_space<hbm>>) target(%dma_start3A_96 : memref<4096xi32, #tpu.memory_space<vmem>>) target_semaphore(%arg10 : memref<!tpu.dma_semaphore, #tpu.memory_space<semaphore_mem>>)
    %dma_start3A_98 = arith.constant 0 : i32
    %dma_start3A_99 = arith.constant 0 : i32
    %dma_start3A_100 = tpu.memref_slice %arg7[%dma_start3A_98, %dma_start3A_99] : memref<3x4096xf32, #tpu.memory_space<vmem>> -> memref<1x4096xf32, #tpu.memory_space<vmem>>
    %dma_start3A_101 = tpu.memref_squeeze %dma_start3A_100 : memref<1x4096xf32, #tpu.memory_space<vmem>> -> memref<4096xf32, #tpu.memory_space<vmem>>
    %dma_start3A_102 = tpu.memref_slice %arg3[%add3A_89] : memref<2097152xf32, #tpu.memory_space<hbm>> -> memref<4096xf32, #tpu.memory_space<hbm>>
    %dma_start3A_103 = arith.constant 0 : i32
    %dma_start3A_104 = tpu.memref_slice %arg7[%dma_start3A_98, %dma_start3A_103] : memref<3x4096xf32, #tpu.memory_space<vmem>> -> memref<1x4096xf32, #tpu.memory_space<vmem>>
    %dma_start3A_105 = tpu.memref_squeeze %dma_start3A_104 : memref<1x4096xf32, #tpu.memory_space<vmem>> -> memref<4096xf32, #tpu.memory_space<vmem>>
    %dma_start3A_106 = tpu.memref_slice %arg3[%add3A_89] : memref<2097152xf32, #tpu.memory_space<hbm>> -> memref<4096xf32, #tpu.memory_space<hbm>>
    tpu.enqueue_dma source(%dma_start3A_106 : memref<4096xf32, #tpu.memory_space<hbm>>) target(%dma_start3A_105 : memref<4096xf32, #tpu.memory_space<vmem>>) target_semaphore(%arg10 : memref<!tpu.dma_semaphore, #tpu.memory_space<semaphore_mem>>)
    %scan3A_107 = arith.constant 0 : i32
    %scan3A_108 = arith.constant 0 : i32
    %scan3A_109 = arith.constant 32 : i32
    %scan3A_110 = arith.addi %scan3A_108, %scan3A_109 : i32
    %scan3A_111 = arith.constant 1 : i32
    %scan3A_112 = scf.for %scan3A_144 = %scan3A_108 to %scan3A_110 step %scan3A_111 iter_args(%scan3A_145 = %scan3A_107) -> (i32)  : i32 {
      %jit3A = arith.constant 2 : i32
      %eq3A = arith.constant 0 : i32
      %eq3A_146 = arith.cmpi eq, %jit3A, %eq3A : i32
      %jit3A_147 = arith.constant 1 : i32
      %select_n3A = arith.select %eq3A_146, %jit3A_147, %jit3A : i32
      %rem3A = arith.remsi %scan3A_144, %select_n3A : i32
      %ne3A = arith.constant 0 : i32
      %ne3A_148 = arith.cmpi ne, %rem3A, %ne3A : i32
      %lt3A = arith.constant 0 : i32
      %lt3A_149 = arith.cmpi slt, %rem3A, %lt3A : i32
      %lt3A_150 = arith.constant 0 : i32
      %lt3A_151 = arith.cmpi slt, %select_n3A, %lt3A_150 : i32
      %ne3A_152 = arith.xori %lt3A_149, %lt3A_151 : i1
      %and3A = arith.andi %ne3A_152, %ne3A_148 : i1
      %add3A_153 = arith.addi %rem3A, %select_n3A : i32
      %select_n3A_154 = arith.select %and3A, %add3A_153, %rem3A : i32
      %jit3A_155 = arith.constant 3 : i32
      %eq3A_156 = arith.constant 0 : i32
      %eq3A_157 = arith.cmpi eq, %jit3A_155, %eq3A_156 : i32
      %jit3A_158 = arith.constant 1 : i32
      %select_n3A_159 = arith.select %eq3A_157, %jit3A_158, %jit3A_155 : i32
      %rem3A_160 = arith.remsi %scan3A_144, %select_n3A_159 : i32
      %ne3A_161 = arith.constant 0 : i32
      %ne3A_162 = arith.cmpi ne, %rem3A_160, %ne3A_161 : i32
      %lt3A_163 = arith.constant 0 : i32
      %lt3A_164 = arith.cmpi slt, %rem3A_160, %lt3A_163 : i32
      %lt3A_165 = arith.constant 0 : i32
      %lt3A_166 = arith.cmpi slt, %select_n3A_159, %lt3A_165 : i32
      %ne3A_167 = arith.xori %lt3A_164, %lt3A_166 : i1
      %and3A_168 = arith.andi %ne3A_167, %ne3A_162 : i1
      %add3A_169 = arith.addi %rem3A_160, %select_n3A_159 : i32
      %select_n3A_170 = arith.select %and3A_168, %add3A_169, %rem3A_160 : i32
      %ge3A = arith.constant 2 : i32
      %ge3A_171 = arith.cmpi sge, %scan3A_144, %ge3A : i32
      %convert_element_type3A = arith.extui %ge3A_171 : i1 to i32
      %cond3A = arith.constant 0 : i32
      %cond3A_172 = arith.cmpi ne, %convert_element_type3A, %cond3A : i32
      scf.if %cond3A_172 {
        %add3A_214 = arith.constant 1 : i32
        %add3A_215 = arith.addi %scan3A_144, %add3A_214 : i32
        %jit3A_216 = arith.constant 3 : i32
        %eq3A_217 = arith.constant 0 : i32
        %eq3A_218 = arith.cmpi eq, %jit3A_216, %eq3A_217 : i32
        %jit3A_219 = arith.constant 1 : i32
        %select_n3A_220 = arith.select %eq3A_218, %jit3A_219, %jit3A_216 : i32
        %rem3A_221 = arith.remsi %add3A_215, %select_n3A_220 : i32
        %ne3A_222 = arith.constant 0 : i32
        %ne3A_223 = arith.cmpi ne, %rem3A_221, %ne3A_222 : i32
        %lt3A_224 = arith.constant 0 : i32
        %lt3A_225 = arith.cmpi slt, %rem3A_221, %lt3A_224 : i32
        %lt3A_226 = arith.constant 0 : i32
        %lt3A_227 = arith.cmpi slt, %select_n3A_220, %lt3A_226 : i32
        %ne3A_228 = arith.xori %lt3A_225, %lt3A_227 : i1
        %and3A_229 = arith.andi %ne3A_228, %ne3A_223 : i1
        %add3A_230 = arith.addi %rem3A_221, %select_n3A_220 : i32
        %select_n3A_231 = arith.select %and3A_229, %add3A_230, %rem3A_221 : i32
        %dma_wait3A_232 = arith.constant 0 : i32
        %dma_wait3A_233 = tpu.memref_slice %arg7[%select_n3A_231, %dma_wait3A_232] : memref<3x4096xf32, #tpu.memory_space<vmem>> -> memref<1x4096xf32, #tpu.memory_space<vmem>>
        %dma_wait3A_234 = tpu.memref_squeeze %dma_wait3A_233 : memref<1x4096xf32, #tpu.memory_space<vmem>> -> memref<4096xf32, #tpu.memory_space<vmem>>
        %dma_wait3A_235 = arith.constant 0 : i32
        %dma_wait3A_236 = tpu.memref_slice %arg3[%dma_wait3A_235] : memref<2097152xf32, #tpu.memory_space<hbm>> -> memref<4096xf32, #tpu.memory_space<hbm>>
        %dma_wait3A_237 = arith.constant 0 : i32
        %dma_wait3A_238 = tpu.memref_slice %arg7[%select_n3A_231, %dma_wait3A_237] : memref<3x4096xf32, #tpu.memory_space<vmem>> -> memref<1x4096xf32, #tpu.memory_space<vmem>>
        %dma_wait3A_239 = tpu.memref_squeeze %dma_wait3A_238 : memref<1x4096xf32, #tpu.memory_space<vmem>> -> memref<4096xf32, #tpu.memory_space<vmem>>
        %dma_wait3A_240 = arith.constant 0 : i32
        %dma_wait3A_241 = tpu.memref_slice %arg3[%dma_wait3A_240] : memref<2097152xf32, #tpu.memory_space<hbm>> -> memref<4096xf32, #tpu.memory_space<hbm>>
        tpu.wait_dma2 semaphore(%arg9 : memref<!tpu.dma_semaphore, #tpu.memory_space<semaphore_mem>>) src(%dma_wait3A_241 : memref<4096xf32, #tpu.memory_space<hbm>>) dst(%dma_wait3A_239 : memref<4096xf32, #tpu.memory_space<vmem>>)
      } else {
      }
      %add3A_173 = arith.constant 1 : i32
      %add3A_174 = arith.addi %scan3A_144, %add3A_173 : i32
      %lt3A_175 = arith.constant 32 : i32
      %lt3A_176 = arith.cmpi slt, %add3A_174, %lt3A_175 : i32
      %convert_element_type3A_177 = arith.extui %lt3A_176 : i1 to i32
      %cond3A_178 = arith.constant 0 : i32
      %cond3A_179 = arith.cmpi ne, %convert_element_type3A_177, %cond3A_178 : i32
      scf.if %cond3A_179 {
        %add3A_214 = arith.constant 1 : i32
        %add3A_215 = arith.addi %scan3A_144, %add3A_214 : i32
        %mul3A_216 = arith.constant 4096 : i32
        %mul3A_217 = arith.muli %add3A_215, %mul3A_216 : i32
        %add3A_218 = arith.addi %mul3A_1, %mul3A_217 : i32
        %jit3A_219 = arith.constant 2 : i32
        %eq3A_220 = arith.constant 0 : i32
        %eq3A_221 = arith.cmpi eq, %jit3A_219, %eq3A_220 : i32
        %jit3A_222 = arith.constant 1 : i32
        %select_n3A_223 = arith.select %eq3A_221, %jit3A_222, %jit3A_219 : i32
        %rem3A_224 = arith.remsi %add3A_215, %select_n3A_223 : i32
        %ne3A_225 = arith.constant 0 : i32
        %ne3A_226 = arith.cmpi ne, %rem3A_224, %ne3A_225 : i32
        %lt3A_227 = arith.constant 0 : i32
        %lt3A_228 = arith.cmpi slt, %rem3A_224, %lt3A_227 : i32
        %lt3A_229 = arith.constant 0 : i32
        %lt3A_230 = arith.cmpi slt, %select_n3A_223, %lt3A_229 : i32
        %ne3A_231 = arith.xori %lt3A_228, %lt3A_230 : i1
        %and3A_232 = arith.andi %ne3A_231, %ne3A_226 : i1
        %add3A_233 = arith.addi %rem3A_224, %select_n3A_223 : i32
        %select_n3A_234 = arith.select %and3A_232, %add3A_233, %rem3A_224 : i32
        %dma_start3A_235 = arith.constant 0 : i32
        %dma_start3A_236 = tpu.memref_slice %arg6[%select_n3A_234, %dma_start3A_235] : memref<2x4096xi32, #tpu.memory_space<vmem>> -> memref<1x4096xi32, #tpu.memory_space<vmem>>
        %dma_start3A_237 = tpu.memref_squeeze %dma_start3A_236 : memref<1x4096xi32, #tpu.memory_space<vmem>> -> memref<4096xi32, #tpu.memory_space<vmem>>
        %dma_start3A_238 = tpu.memref_slice %arg2[%add3A_218] : memref<2097152xi32, #tpu.memory_space<hbm>> -> memref<4096xi32, #tpu.memory_space<hbm>>
        %dma_start3A_239 = arith.constant 0 : i32
        %dma_start3A_240 = tpu.memref_slice %arg6[%select_n3A_234, %dma_start3A_239] : memref<2x4096xi32, #tpu.memory_space<vmem>> -> memref<1x4096xi32, #tpu.memory_space<vmem>>
        %dma_start3A_241 = tpu.memref_squeeze %dma_start3A_240 : memref<1x4096xi32, #tpu.memory_space<vmem>> -> memref<4096xi32, #tpu.memory_space<vmem>>
        %dma_start3A_242 = tpu.memref_slice %arg2[%add3A_218] : memref<2097152xi32, #tpu.memory_space<hbm>> -> memref<4096xi32, #tpu.memory_space<hbm>>
        tpu.enqueue_dma source(%dma_start3A_242 : memref<4096xi32, #tpu.memory_space<hbm>>) target(%dma_start3A_241 : memref<4096xi32, #tpu.memory_space<vmem>>) target_semaphore(%arg10 : memref<!tpu.dma_semaphore, #tpu.memory_space<semaphore_mem>>)
        %jit3A_243 = arith.constant 3 : i32
        %eq3A_244 = arith.constant 0 : i32
        %eq3A_245 = arith.cmpi eq, %jit3A_243, %eq3A_244 : i32
        %jit3A_246 = arith.constant 1 : i32
        %select_n3A_247 = arith.select %eq3A_245, %jit3A_246, %jit3A_243 : i32
        %rem3A_248 = arith.remsi %add3A_215, %select_n3A_247 : i32
        %ne3A_249 = arith.constant 0 : i32
        %ne3A_250 = arith.cmpi ne, %rem3A_248, %ne3A_249 : i32
        %lt3A_251 = arith.constant 0 : i32
        %lt3A_252 = arith.cmpi slt, %rem3A_248, %lt3A_251 : i32
        %lt3A_253 = arith.constant 0 : i32
        %lt3A_254 = arith.cmpi slt, %select_n3A_247, %lt3A_253 : i32
        %ne3A_255 = arith.xori %lt3A_252, %lt3A_254 : i1
        %and3A_256 = arith.andi %ne3A_255, %ne3A_250 : i1
        %add3A_257 = arith.addi %rem3A_248, %select_n3A_247 : i32
        %select_n3A_258 = arith.select %and3A_256, %add3A_257, %rem3A_248 : i32
        %dma_start3A_259 = arith.constant 0 : i32
        %dma_start3A_260 = tpu.memref_slice %arg7[%select_n3A_258, %dma_start3A_259] : memref<3x4096xf32, #tpu.memory_space<vmem>> -> memref<1x4096xf32, #tpu.memory_space<vmem>>
        %dma_start3A_261 = tpu.memref_squeeze %dma_start3A_260 : memref<1x4096xf32, #tpu.memory_space<vmem>> -> memref<4096xf32, #tpu.memory_space<vmem>>
        %dma_start3A_262 = tpu.memref_slice %arg3[%add3A_218] : memref<2097152xf32, #tpu.memory_space<hbm>> -> memref<4096xf32, #tpu.memory_space<hbm>>
        %dma_start3A_263 = arith.constant 0 : i32
        %dma_start3A_264 = tpu.memref_slice %arg7[%select_n3A_258, %dma_start3A_263] : memref<3x4096xf32, #tpu.memory_space<vmem>> -> memref<1x4096xf32, #tpu.memory_space<vmem>>
        %dma_start3A_265 = tpu.memref_squeeze %dma_start3A_264 : memref<1x4096xf32, #tpu.memory_space<vmem>> -> memref<4096xf32, #tpu.memory_space<vmem>>
        %dma_start3A_266 = tpu.memref_slice %arg3[%add3A_218] : memref<2097152xf32, #tpu.memory_space<hbm>> -> memref<4096xf32, #tpu.memory_space<hbm>>
        tpu.enqueue_dma source(%dma_start3A_266 : memref<4096xf32, #tpu.memory_space<hbm>>) target(%dma_start3A_265 : memref<4096xf32, #tpu.memory_space<vmem>>) target_semaphore(%arg10 : memref<!tpu.dma_semaphore, #tpu.memory_space<semaphore_mem>>)
      } else {
      }
      %mul3A_180 = arith.constant 4096 : i32
      %mul3A_181 = arith.muli %scan3A_144, %mul3A_180 : i32
      %add3A_182 = arith.addi %mul3A_1, %mul3A_181 : i32
      %dma_wait3A_183 = arith.constant 0 : i32
      %dma_wait3A_184 = tpu.memref_slice %arg6[%select_n3A_154, %dma_wait3A_183] : memref<2x4096xi32, #tpu.memory_space<vmem>> -> memref<1x4096xi32, #tpu.memory_space<vmem>>
      %dma_wait3A_185 = tpu.memref_squeeze %dma_wait3A_184 : memref<1x4096xi32, #tpu.memory_space<vmem>> -> memref<4096xi32, #tpu.memory_space<vmem>>
      %dma_wait3A_186 = tpu.memref_slice %arg2[%add3A_182] : memref<2097152xi32, #tpu.memory_space<hbm>> -> memref<4096xi32, #tpu.memory_space<hbm>>
      %dma_wait3A_187 = arith.constant 0 : i32
      %dma_wait3A_188 = tpu.memref_slice %arg6[%select_n3A_154, %dma_wait3A_187] : memref<2x4096xi32, #tpu.memory_space<vmem>> -> memref<1x4096xi32, #tpu.memory_space<vmem>>
      %dma_wait3A_189 = tpu.memref_squeeze %dma_wait3A_188 : memref<1x4096xi32, #tpu.memory_space<vmem>> -> memref<4096xi32, #tpu.memory_space<vmem>>
      %dma_wait3A_190 = tpu.memref_slice %arg2[%add3A_182] : memref<2097152xi32, #tpu.memory_space<hbm>> -> memref<4096xi32, #tpu.memory_space<hbm>>
      tpu.wait_dma2 semaphore(%arg10 : memref<!tpu.dma_semaphore, #tpu.memory_space<semaphore_mem>>) src(%dma_wait3A_190 : memref<4096xi32, #tpu.memory_space<hbm>>) dst(%dma_wait3A_189 : memref<4096xi32, #tpu.memory_space<vmem>>)
      %dma_wait3A_191 = arith.constant 0 : i32
      %dma_wait3A_192 = tpu.memref_slice %arg7[%select_n3A_170, %dma_wait3A_191] : memref<3x4096xf32, #tpu.memory_space<vmem>> -> memref<1x4096xf32, #tpu.memory_space<vmem>>
      %dma_wait3A_193 = tpu.memref_squeeze %dma_wait3A_192 : memref<1x4096xf32, #tpu.memory_space<vmem>> -> memref<4096xf32, #tpu.memory_space<vmem>>
      %dma_wait3A_194 = tpu.memref_slice %arg3[%add3A_182] : memref<2097152xf32, #tpu.memory_space<hbm>> -> memref<4096xf32, #tpu.memory_space<hbm>>
      %dma_wait3A_195 = arith.constant 0 : i32
      %dma_wait3A_196 = tpu.memref_slice %arg7[%select_n3A_170, %dma_wait3A_195] : memref<3x4096xf32, #tpu.memory_space<vmem>> -> memref<1x4096xf32, #tpu.memory_space<vmem>>
      %dma_wait3A_197 = tpu.memref_squeeze %dma_wait3A_196 : memref<1x4096xf32, #tpu.memory_space<vmem>> -> memref<4096xf32, #tpu.memory_space<vmem>>
      %dma_wait3A_198 = tpu.memref_slice %arg3[%add3A_182] : memref<2097152xf32, #tpu.memory_space<hbm>> -> memref<4096xf32, #tpu.memory_space<hbm>>
      tpu.wait_dma2 semaphore(%arg10 : memref<!tpu.dma_semaphore, #tpu.memory_space<semaphore_mem>>) src(%dma_wait3A_198 : memref<4096xf32, #tpu.memory_space<hbm>>) dst(%dma_wait3A_197 : memref<4096xf32, #tpu.memory_space<vmem>>)
      %scan3A_199 = arith.constant 0 : i32
      %scan3A_200 = arith.constant 0 : i32
      %scan3A_201 = arith.constant 32 : i32
      %scan3A_202 = arith.addi %scan3A_200, %scan3A_201 : i32
      %scan3A_203 = arith.constant 1 : i32
      %scan3A_204 = scf.for %scan3A_214 = %scan3A_200 to %scan3A_202 step %scan3A_203 iter_args(%scan3A_215 = %scan3A_199) -> (i32)  : i32 {
        %mul3A_216 = arith.constant 128 : i32
        %mul3A_217 = arith.muli %scan3A_214, %mul3A_216 : i32
        %add3A_218 = arith.constant 0 : i32
        %add3A_219 = arith.addi %mul3A_217, %add3A_218 : i32
        %get3A = arith.index_cast %select_n3A_154 : i32 to index
        %get3A_220 = arith.index_cast %add3A_219 : i32 to index
        %get3A_221 = tpu.vector_load %arg6[%get3A, %get3A_220] {strides = array<i32>} : memref<2x4096xi32, #tpu.memory_space<vmem>>, vector<16xi32>,
        %shift_right_arithmetic3A = arith.constant 11 : i32
        %shift_right_arithmetic3A_222 = vector.broadcast %shift_right_arithmetic3A : i32 to vector<16xi32>
        %shift_right_arithmetic3A_223 = arith.shrsi %get3A_221, %shift_right_arithmetic3A_222 : vector<16xi32>
        %sub3A = vector.broadcast %mul3A_3 : i32 to vector<16xi32>
        %sub3A_224 = arith.subi %shift_right_arithmetic3A_223, %sub3A : vector<16xi32>
        %and3A_225 = arith.constant 2047 : i32
        %and3A_226 = vector.broadcast %and3A_225 : i32 to vector<16xi32>
        %and3A_227 = arith.andi %get3A_221, %and3A_226 : vector<16xi32>
        %sub3A_228 = arith.constant 0 : i32
        %sub3A_229 = vector.broadcast %sub3A_228 : i32 to vector<16xi32>
        %sub3A_230 = arith.subi %and3A_227, %sub3A_229 : vector<16xi32>
        %lt3A_231 = arith.constant 1024 : i32
        %lt3A_232 = vector.broadcast %lt3A_231 : i32 to vector<16xi32>
        %lt3A_233 = arith.cmpi ult, %sub3A_224, %lt3A_232 : vector<16xi32>
        %lt3A_234 = arith.constant 1024 : i32
        %lt3A_235 = vector.broadcast %lt3A_234 : i32 to vector<16xi32>
        %lt3A_236 = arith.cmpi ult, %sub3A_230, %lt3A_235 : vector<16xi32>
        %and3A_237 = arith.andi %lt3A_233, %lt3A_236 : vector<16xi1>
        %mul3A_238 = arith.constant 1024 : i32
        %mul3A_239 = vector.broadcast %mul3A_238 : i32 to vector<16xi32>
        %mul3A_240 = arith.muli %sub3A_224, %mul3A_239 : vector<16xi32>
        %add3A_241 = arith.addi %mul3A_240, %sub3A_230 : vector<16xi32>
        %and3A_242 = arith.constant 32767 : i32
        %and3A_243 = vector.broadcast %and3A_242 : i32 to vector<16xi32>
        %and3A_244 = arith.andi %get3A_221, %and3A_243 : vector<16xi32>
        %add3A_245 = arith.constant 1048576 : i32
        %add3A_246 = vector.broadcast %add3A_245 : i32 to vector<16xi32>
        %add3A_247 = arith.addi %add3A_246, %and3A_244 : vector<16xi32>
        %select_n3A_248 = arith.select %and3A_237, %add3A_241, %add3A_247 : vector<16xi1>, vector<16xi32>
        %swap3A = arith.index_cast %select_n3A_170 : i32 to index
        %swap3A_249 = arith.index_cast %scan3A_214 : i32 to index
        %swap3A_250 = arith.constant 0 : index
        %swap3A_251 = tpu.vector_load %arg8[%swap3A, %swap3A_249, %swap3A_250] {strides = array<i32>} : memref<3x32x128xi32, #tpu.memory_space<vmem>>, vector<16xi32>,
        tpu.vector_store %arg8[%swap3A, %swap3A_249, %swap3A_250], %select_n3A_248 {strides = array<i32>} : memref<3x32x128xi32, #tpu.memory_space<vmem>>, vector<16xi32>,
        %mul3A_252 = arith.constant 128 : i32
        %mul3A_253 = arith.muli %scan3A_214, %mul3A_252 : i32
        %add3A_254 = arith.constant 16 : i32
        %add3A_255 = arith.addi %mul3A_253, %add3A_254 : i32
        %get3A_256 = arith.index_cast %select_n3A_154 : i32 to index
        %get3A_257 = arith.index_cast %add3A_255 : i32 to index
        %get3A_258 = tpu.vector_load %arg6[%get3A_256, %get3A_257] {strides = array<i32>} : memref<2x4096xi32, #tpu.memory_space<vmem>>, vector<16xi32>,
        %shift_right_arithmetic3A_259 = arith.constant 11 : i32
        %shift_right_arithmetic3A_260 = vector.broadcast %shift_right_arithmetic3A_259 : i32 to vector<16xi32>
        %shift_right_arithmetic3A_261 = arith.shrsi %get3A_258, %shift_right_arithmetic3A_260 : vector<16xi32>
        %sub3A_262 = vector.broadcast %mul3A_3 : i32 to vector<16xi32>
        %sub3A_263 = arith.subi %shift_right_arithmetic3A_261, %sub3A_262 : vector<16xi32>
        %and3A_264 = arith.constant 2047 : i32
        %and3A_265 = vector.broadcast %and3A_264 : i32 to vector<16xi32>
        %and3A_266 = arith.andi %get3A_258, %and3A_265 : vector<16xi32>
        %sub3A_267 = arith.constant 0 : i32
        %sub3A_268 = vector.broadcast %sub3A_267 : i32 to vector<16xi32>
        %sub3A_269 = arith.subi %and3A_266, %sub3A_268 : vector<16xi32>
        %lt3A_270 = arith.constant 1024 : i32
        %lt3A_271 = vector.broadcast %lt3A_270 : i32 to vector<16xi32>
        %lt3A_272 = arith.cmpi ult, %sub3A_263, %lt3A_271 : vector<16xi32>
        %lt3A_273 = arith.constant 1024 : i32
        %lt3A_274 = vector.broadcast %lt3A_273 : i32 to vector<16xi32>
        %lt3A_275 = arith.cmpi ult, %sub3A_269, %lt3A_274 : vector<16xi32>
        %and3A_276 = arith.andi %lt3A_272, %lt3A_275 : vector<16xi1>
        %mul3A_277 = arith.constant 1024 : i32
        %mul3A_278 = vector.broadcast %mul3A_277 : i32 to vector<16xi32>
        %mul3A_279 = arith.muli %sub3A_263, %mul3A_278 : vector<16xi32>
        %add3A_280 = arith.addi %mul3A_279, %sub3A_269 : vector<16xi32>
        %and3A_281 = arith.constant 32767 : i32
        %and3A_282 = vector.broadcast %and3A_281 : i32 to vector<16xi32>
        %and3A_283 = arith.andi %get3A_258, %and3A_282 : vector<16xi32>
        %add3A_284 = arith.constant 1048576 : i32
        %add3A_285 = vector.broadcast %add3A_284 : i32 to vector<16xi32>
        %add3A_286 = arith.addi %add3A_285, %and3A_283 : vector<16xi32>
        %select_n3A_287 = arith.select %and3A_276, %add3A_280, %add3A_286 : vector<16xi1>, vector<16xi32>
        %swap3A_288 = arith.index_cast %select_n3A_170 : i32 to index
        %swap3A_289 = arith.index_cast %scan3A_214 : i32 to index
        %swap3A_290 = arith.constant 16 : index
        %swap3A_291 = tpu.vector_load %arg8[%swap3A_288, %swap3A_289, %swap3A_290] {strides = array<i32>} : memref<3x32x128xi32, #tpu.memory_space<vmem>>, vector<16xi32>,
        tpu.vector_store %arg8[%swap3A_288, %swap3A_289, %swap3A_290], %select_n3A_287 {strides = array<i32>} : memref<3x32x128xi32, #tpu.memory_space<vmem>>, vector<16xi32>,
        %mul3A_292 = arith.constant 128 : i32
        %mul3A_293 = arith.muli %scan3A_214, %mul3A_292 : i32
        %add3A_294 = arith.constant 32 : i32
        %add3A_295 = arith.addi %mul3A_293, %add3A_294 : i32
        %get3A_296 = arith.index_cast %select_n3A_154 : i32 to index
        %get3A_297 = arith.index_cast %add3A_295 : i32 to index
        %get3A_298 = tpu.vector_load %arg6[%get3A_296, %get3A_297] {strides = array<i32>} : memref<2x4096xi32, #tpu.memory_space<vmem>>, vector<16xi32>,
        %shift_right_arithmetic3A_299 = arith.constant 11 : i32
        %shift_right_arithmetic3A_300 = vector.broadcast %shift_right_arithmetic3A_299 : i32 to vector<16xi32>
        %shift_right_arithmetic3A_301 = arith.shrsi %get3A_298, %shift_right_arithmetic3A_300 : vector<16xi32>
        %sub3A_302 = vector.broadcast %mul3A_3 : i32 to vector<16xi32>
        %sub3A_303 = arith.subi %shift_right_arithmetic3A_301, %sub3A_302 : vector<16xi32>
        %and3A_304 = arith.constant 2047 : i32
        %and3A_305 = vector.broadcast %and3A_304 : i32 to vector<16xi32>
        %and3A_306 = arith.andi %get3A_298, %and3A_305 : vector<16xi32>
        %sub3A_307 = arith.constant 0 : i32
        %sub3A_308 = vector.broadcast %sub3A_307 : i32 to vector<16xi32>
        %sub3A_309 = arith.subi %and3A_306, %sub3A_308 : vector<16xi32>
        %lt3A_310 = arith.constant 1024 : i32
        %lt3A_311 = vector.broadcast %lt3A_310 : i32 to vector<16xi32>
        %lt3A_312 = arith.cmpi ult, %sub3A_303, %lt3A_311 : vector<16xi32>
        %lt3A_313 = arith.constant 1024 : i32
        %lt3A_314 = vector.broadcast %lt3A_313 : i32 to vector<16xi32>
        %lt3A_315 = arith.cmpi ult, %sub3A_309, %lt3A_314 : vector<16xi32>
        %and3A_316 = arith.andi %lt3A_312, %lt3A_315 : vector<16xi1>
        %mul3A_317 = arith.constant 1024 : i32
        %mul3A_318 = vector.broadcast %mul3A_317 : i32 to vector<16xi32>
        %mul3A_319 = arith.muli %sub3A_303, %mul3A_318 : vector<16xi32>
        %add3A_320 = arith.addi %mul3A_319, %sub3A_309 : vector<16xi32>
        %and3A_321 = arith.constant 32767 : i32
        %and3A_322 = vector.broadcast %and3A_321 : i32 to vector<16xi32>
        %and3A_323 = arith.andi %get3A_298, %and3A_322 : vector<16xi32>
        %add3A_324 = arith.constant 1048576 : i32
        %add3A_325 = vector.broadcast %add3A_324 : i32 to vector<16xi32>
        %add3A_326 = arith.addi %add3A_325, %and3A_323 : vector<16xi32>
        %select_n3A_327 = arith.select %and3A_316, %add3A_320, %add3A_326 : vector<16xi1>, vector<16xi32>
        %swap3A_328 = arith.index_cast %select_n3A_170 : i32 to index
        %swap3A_329 = arith.index_cast %scan3A_214 : i32 to index
        %swap3A_330 = arith.constant 32 : index
        %swap3A_331 = tpu.vector_load %arg8[%swap3A_328, %swap3A_329, %swap3A_330] {strides = array<i32>} : memref<3x32x128xi32, #tpu.memory_space<vmem>>, vector<16xi32>,
        tpu.vector_store %arg8[%swap3A_328, %swap3A_329, %swap3A_330], %select_n3A_327 {strides = array<i32>} : memref<3x32x128xi32, #tpu.memory_space<vmem>>, vector<16xi32>,
        %mul3A_332 = arith.constant 128 : i32
        %mul3A_333 = arith.muli %scan3A_214, %mul3A_332 : i32
        %add3A_334 = arith.constant 48 : i32
        %add3A_335 = arith.addi %mul3A_333, %add3A_334 : i32
        %get3A_336 = arith.index_cast %select_n3A_154 : i32 to index
        %get3A_337 = arith.index_cast %add3A_335 : i32 to index
        %get3A_338 = tpu.vector_load %arg6[%get3A_336, %get3A_337] {strides = array<i32>} : memref<2x4096xi32, #tpu.memory_space<vmem>>, vector<16xi32>,
        %shift_right_arithmetic3A_339 = arith.constant 11 : i32
        %shift_right_arithmetic3A_340 = vector.broadcast %shift_right_arithmetic3A_339 : i32 to vector<16xi32>
        %shift_right_arithmetic3A_341 = arith.shrsi %get3A_338, %shift_right_arithmetic3A_340 : vector<16xi32>
        %sub3A_342 = vector.broadcast %mul3A_3 : i32 to vector<16xi32>
        %sub3A_343 = arith.subi %shift_right_arithmetic3A_341, %sub3A_342 : vector<16xi32>
        %and3A_344 = arith.constant 2047 : i32
        %and3A_345 = vector.broadcast %and3A_344 : i32 to vector<16xi32>
        %and3A_346 = arith.andi %get3A_338, %and3A_345 : vector<16xi32>
        %sub3A_347 = arith.constant 0 : i32
        %sub3A_348 = vector.broadcast %sub3A_347 : i32 to vector<16xi32>
        %sub3A_349 = arith.subi %and3A_346, %sub3A_348 : vector<16xi32>
        %lt3A_350 = arith.constant 1024 : i32
        %lt3A_351 = vector.broadcast %lt3A_350 : i32 to vector<16xi32>
        %lt3A_352 = arith.cmpi ult, %sub3A_343, %lt3A_351 : vector<16xi32>
        %lt3A_353 = arith.constant 1024 : i32
        %lt3A_354 = vector.broadcast %lt3A_353 : i32 to vector<16xi32>
        %lt3A_355 = arith.cmpi ult, %sub3A_349, %lt3A_354 : vector<16xi32>
        %and3A_356 = arith.andi %lt3A_352, %lt3A_355 : vector<16xi1>
        %mul3A_357 = arith.constant 1024 : i32
        %mul3A_358 = vector.broadcast %mul3A_357 : i32 to vector<16xi32>
        %mul3A_359 = arith.muli %sub3A_343, %mul3A_358 : vector<16xi32>
        %add3A_360 = arith.addi %mul3A_359, %sub3A_349 : vector<16xi32>
        %and3A_361 = arith.constant 32767 : i32
        %and3A_362 = vector.broadcast %and3A_361 : i32 to vector<16xi32>
        %and3A_363 = arith.andi %get3A_338, %and3A_362 : vector<16xi32>
        %add3A_364 = arith.constant 1048576 : i32
        %add3A_365 = vector.broadcast %add3A_364 : i32 to vector<16xi32>
        %add3A_366 = arith.addi %add3A_365, %and3A_363 : vector<16xi32>
        %select_n3A_367 = arith.select %and3A_356, %add3A_360, %add3A_366 : vector<16xi1>, vector<16xi32>
        %swap3A_368 = arith.index_cast %select_n3A_170 : i32 to index
        %swap3A_369 = arith.index_cast %scan3A_214 : i32 to index
        %swap3A_370 = arith.constant 48 : index
        %swap3A_371 = tpu.vector_load %arg8[%swap3A_368, %swap3A_369, %swap3A_370] {strides = array<i32>} : memref<3x32x128xi32, #tpu.memory_space<vmem>>, vector<16xi32>,
        tpu.vector_store %arg8[%swap3A_368, %swap3A_369, %swap3A_370], %select_n3A_367 {strides = array<i32>} : memref<3x32x128xi32, #tpu.memory_space<vmem>>, vector<16xi32>,
        %mul3A_372 = arith.constant 128 : i32
        %mul3A_373 = arith.muli %scan3A_214, %mul3A_372 : i32
        %add3A_374 = arith.constant 64 : i32
        %add3A_375 = arith.addi %mul3A_373, %add3A_374 : i32
        %get3A_376 = arith.index_cast %select_n3A_154 : i32 to index
        %get3A_377 = arith.index_cast %add3A_375 : i32 to index
        %get3A_378 = tpu.vector_load %arg6[%get3A_376, %get3A_377] {strides = array<i32>} : memref<2x4096xi32, #tpu.memory_space<vmem>>, vector<16xi32>,
        %shift_right_arithmetic3A_379 = arith.constant 11 : i32
        %shift_right_arithmetic3A_380 = vector.broadcast %shift_right_arithmetic3A_379 : i32 to vector<16xi32>
        %shift_right_arithmetic3A_381 = arith.shrsi %get3A_378, %shift_right_arithmetic3A_380 : vector<16xi32>
        %sub3A_382 = vector.broadcast %mul3A_3 : i32 to vector<16xi32>
        %sub3A_383 = arith.subi %shift_right_arithmetic3A_381, %sub3A_382 : vector<16xi32>
        %and3A_384 = arith.constant 2047 : i32
        %and3A_385 = vector.broadcast %and3A_384 : i32 to vector<16xi32>
        %and3A_386 = arith.andi %get3A_378, %and3A_385 : vector<16xi32>
        %sub3A_387 = arith.constant 0 : i32
        %sub3A_388 = vector.broadcast %sub3A_387 : i32 to vector<16xi32>
        %sub3A_389 = arith.subi %and3A_386, %sub3A_388 : vector<16xi32>
        %lt3A_390 = arith.constant 1024 : i32
        %lt3A_391 = vector.broadcast %lt3A_390 : i32 to vector<16xi32>
        %lt3A_392 = arith.cmpi ult, %sub3A_383, %lt3A_391 : vector<16xi32>
        %lt3A_393 = arith.constant 1024 : i32
        %lt3A_394 = vector.broadcast %lt3A_393 : i32 to vector<16xi32>
        %lt3A_395 = arith.cmpi ult, %sub3A_389, %lt3A_394 : vector<16xi32>
        %and3A_396 = arith.andi %lt3A_392, %lt3A_395 : vector<16xi1>
        %mul3A_397 = arith.constant 1024 : i32
        %mul3A_398 = vector.broadcast %mul3A_397 : i32 to vector<16xi32>
        %mul3A_399 = arith.muli %sub3A_383, %mul3A_398 : vector<16xi32>
        %add3A_400 = arith.addi %mul3A_399, %sub3A_389 : vector<16xi32>
        %and3A_401 = arith.constant 32767 : i32
        %and3A_402 = vector.broadcast %and3A_401 : i32 to vector<16xi32>
        %and3A_403 = arith.andi %get3A_378, %and3A_402 : vector<16xi32>
        %add3A_404 = arith.constant 1048576 : i32
        %add3A_405 = vector.broadcast %add3A_404 : i32 to vector<16xi32>
        %add3A_406 = arith.addi %add3A_405, %and3A_403 : vector<16xi32>
        %select_n3A_407 = arith.select %and3A_396, %add3A_400, %add3A_406 : vector<16xi1>, vector<16xi32>
        %swap3A_408 = arith.index_cast %select_n3A_170 : i32 to index
        %swap3A_409 = arith.index_cast %scan3A_214 : i32 to index
        %swap3A_410 = arith.constant 64 : index
        %swap3A_411 = tpu.vector_load %arg8[%swap3A_408, %swap3A_409, %swap3A_410] {strides = array<i32>} : memref<3x32x128xi32, #tpu.memory_space<vmem>>, vector<16xi32>,
        tpu.vector_store %arg8[%swap3A_408, %swap3A_409, %swap3A_410], %select_n3A_407 {strides = array<i32>} : memref<3x32x128xi32, #tpu.memory_space<vmem>>, vector<16xi32>,
        %mul3A_412 = arith.constant 128 : i32
        %mul3A_413 = arith.muli %scan3A_214, %mul3A_412 : i32
        %add3A_414 = arith.constant 80 : i32
        %add3A_415 = arith.addi %mul3A_413, %add3A_414 : i32
        %get3A_416 = arith.index_cast %select_n3A_154 : i32 to index
        %get3A_417 = arith.index_cast %add3A_415 : i32 to index
        %get3A_418 = tpu.vector_load %arg6[%get3A_416, %get3A_417] {strides = array<i32>} : memref<2x4096xi32, #tpu.memory_space<vmem>>, vector<16xi32>,
        %shift_right_arithmetic3A_419 = arith.constant 11 : i32
        %shift_right_arithmetic3A_420 = vector.broadcast %shift_right_arithmetic3A_419 : i32 to vector<16xi32>
        %shift_right_arithmetic3A_421 = arith.shrsi %get3A_418, %shift_right_arithmetic3A_420 : vector<16xi32>
        %sub3A_422 = vector.broadcast %mul3A_3 : i32 to vector<16xi32>
        %sub3A_423 = arith.subi %shift_right_arithmetic3A_421, %sub3A_422 : vector<16xi32>
        %and3A_424 = arith.constant 2047 : i32
        %and3A_425 = vector.broadcast %and3A_424 : i32 to vector<16xi32>
        %and3A_426 = arith.andi %get3A_418, %and3A_425 : vector<16xi32>
        %sub3A_427 = arith.constant 0 : i32
        %sub3A_428 = vector.broadcast %sub3A_427 : i32 to vector<16xi32>
        %sub3A_429 = arith.subi %and3A_426, %sub3A_428 : vector<16xi32>
        %lt3A_430 = arith.constant 1024 : i32
        %lt3A_431 = vector.broadcast %lt3A_430 : i32 to vector<16xi32>
        %lt3A_432 = arith.cmpi ult, %sub3A_423, %lt3A_431 : vector<16xi32>
        %lt3A_433 = arith.constant 1024 : i32
        %lt3A_434 = vector.broadcast %lt3A_433 : i32 to vector<16xi32>
        %lt3A_435 = arith.cmpi ult, %sub3A_429, %lt3A_434 : vector<16xi32>
        %and3A_436 = arith.andi %lt3A_432, %lt3A_435 : vector<16xi1>
        %mul3A_437 = arith.constant 1024 : i32
        %mul3A_438 = vector.broadcast %mul3A_437 : i32 to vector<16xi32>
        %mul3A_439 = arith.muli %sub3A_423, %mul3A_438 : vector<16xi32>
        %add3A_440 = arith.addi %mul3A_439, %sub3A_429 : vector<16xi32>
        %and3A_441 = arith.constant 32767 : i32
        %and3A_442 = vector.broadcast %and3A_441 : i32 to vector<16xi32>
        %and3A_443 = arith.andi %get3A_418, %and3A_442 : vector<16xi32>
        %add3A_444 = arith.constant 1048576 : i32
        %add3A_445 = vector.broadcast %add3A_444 : i32 to vector<16xi32>
        %add3A_446 = arith.addi %add3A_445, %and3A_443 : vector<16xi32>
        %select_n3A_447 = arith.select %and3A_436, %add3A_440, %add3A_446 : vector<16xi1>, vector<16xi32>
        %swap3A_448 = arith.index_cast %select_n3A_170 : i32 to index
        %swap3A_449 = arith.index_cast %scan3A_214 : i32 to index
        %swap3A_450 = arith.constant 80 : index
        %swap3A_451 = tpu.vector_load %arg8[%swap3A_448, %swap3A_449, %swap3A_450] {strides = array<i32>} : memref<3x32x128xi32, #tpu.memory_space<vmem>>, vector<16xi32>,
        tpu.vector_store %arg8[%swap3A_448, %swap3A_449, %swap3A_450], %select_n3A_447 {strides = array<i32>} : memref<3x32x128xi32, #tpu.memory_space<vmem>>, vector<16xi32>,
        %mul3A_452 = arith.constant 128 : i32
        %mul3A_453 = arith.muli %scan3A_214, %mul3A_452 : i32
        %add3A_454 = arith.constant 96 : i32
        %add3A_455 = arith.addi %mul3A_453, %add3A_454 : i32
        %get3A_456 = arith.index_cast %select_n3A_154 : i32 to index
        %get3A_457 = arith.index_cast %add3A_455 : i32 to index
        %get3A_458 = tpu.vector_load %arg6[%get3A_456, %get3A_457] {strides = array<i32>} : memref<2x4096xi32, #tpu.memory_space<vmem>>, vector<16xi32>,
        %shift_right_arithmetic3A_459 = arith.constant 11 : i32
        %shift_right_arithmetic3A_460 = vector.broadcast %shift_right_arithmetic3A_459 : i32 to vector<16xi32>
        %shift_right_arithmetic3A_461 = arith.shrsi %get3A_458, %shift_right_arithmetic3A_460 : vector<16xi32>
        %sub3A_462 = vector.broadcast %mul3A_3 : i32 to vector<16xi32>
        %sub3A_463 = arith.subi %shift_right_arithmetic3A_461, %sub3A_462 : vector<16xi32>
        %and3A_464 = arith.constant 2047 : i32
        %and3A_465 = vector.broadcast %and3A_464 : i32 to vector<16xi32>
        %and3A_466 = arith.andi %get3A_458, %and3A_465 : vector<16xi32>
        %sub3A_467 = arith.constant 0 : i32
        %sub3A_468 = vector.broadcast %sub3A_467 : i32 to vector<16xi32>
        %sub3A_469 = arith.subi %and3A_466, %sub3A_468 : vector<16xi32>
        %lt3A_470 = arith.constant 1024 : i32
        %lt3A_471 = vector.broadcast %lt3A_470 : i32 to vector<16xi32>
        %lt3A_472 = arith.cmpi ult, %sub3A_463, %lt3A_471 : vector<16xi32>
        %lt3A_473 = arith.constant 1024 : i32
        %lt3A_474 = vector.broadcast %lt3A_473 : i32 to vector<16xi32>
        %lt3A_475 = arith.cmpi ult, %sub3A_469, %lt3A_474 : vector<16xi32>
        %and3A_476 = arith.andi %lt3A_472, %lt3A_475 : vector<16xi1>
        %mul3A_477 = arith.constant 1024 : i32
        %mul3A_478 = vector.broadcast %mul3A_477 : i32 to vector<16xi32>
        %mul3A_479 = arith.muli %sub3A_463, %mul3A_478 : vector<16xi32>
        %add3A_480 = arith.addi %mul3A_479, %sub3A_469 : vector<16xi32>
        %and3A_481 = arith.constant 32767 : i32
        %and3A_482 = vector.broadcast %and3A_481 : i32 to vector<16xi32>
        %and3A_483 = arith.andi %get3A_458, %and3A_482 : vector<16xi32>
        %add3A_484 = arith.constant 1048576 : i32
        %add3A_485 = vector.broadcast %add3A_484 : i32 to vector<16xi32>
        %add3A_486 = arith.addi %add3A_485, %and3A_483 : vector<16xi32>
        %select_n3A_487 = arith.select %and3A_476, %add3A_480, %add3A_486 : vector<16xi1>, vector<16xi32>
        %swap3A_488 = arith.index_cast %select_n3A_170 : i32 to index
        %swap3A_489 = arith.index_cast %scan3A_214 : i32 to index
        %swap3A_490 = arith.constant 96 : index
        %swap3A_491 = tpu.vector_load %arg8[%swap3A_488, %swap3A_489, %swap3A_490] {strides = array<i32>} : memref<3x32x128xi32, #tpu.memory_space<vmem>>, vector<16xi32>,
        tpu.vector_store %arg8[%swap3A_488, %swap3A_489, %swap3A_490], %select_n3A_487 {strides = array<i32>} : memref<3x32x128xi32, #tpu.memory_space<vmem>>, vector<16xi32>,
        %mul3A_492 = arith.constant 128 : i32
        %mul3A_493 = arith.muli %scan3A_214, %mul3A_492 : i32
        %add3A_494 = arith.constant 112 : i32
        %add3A_495 = arith.addi %mul3A_493, %add3A_494 : i32
        %get3A_496 = arith.index_cast %select_n3A_154 : i32 to index
        %get3A_497 = arith.index_cast %add3A_495 : i32 to index
        %get3A_498 = tpu.vector_load %arg6[%get3A_496, %get3A_497] {strides = array<i32>} : memref<2x4096xi32, #tpu.memory_space<vmem>>, vector<16xi32>,
        %shift_right_arithmetic3A_499 = arith.constant 11 : i32
        %shift_right_arithmetic3A_500 = vector.broadcast %shift_right_arithmetic3A_499 : i32 to vector<16xi32>
        %shift_right_arithmetic3A_501 = arith.shrsi %get3A_498, %shift_right_arithmetic3A_500 : vector<16xi32>
        %sub3A_502 = vector.broadcast %mul3A_3 : i32 to vector<16xi32>
        %sub3A_503 = arith.subi %shift_right_arithmetic3A_501, %sub3A_502 : vector<16xi32>
        %and3A_504 = arith.constant 2047 : i32
        %and3A_505 = vector.broadcast %and3A_504 : i32 to vector<16xi32>
        %and3A_506 = arith.andi %get3A_498, %and3A_505 : vector<16xi32>
        %sub3A_507 = arith.constant 0 : i32
        %sub3A_508 = vector.broadcast %sub3A_507 : i32 to vector<16xi32>
        %sub3A_509 = arith.subi %and3A_506, %sub3A_508 : vector<16xi32>
        %lt3A_510 = arith.constant 1024 : i32
        %lt3A_511 = vector.broadcast %lt3A_510 : i32 to vector<16xi32>
        %lt3A_512 = arith.cmpi ult, %sub3A_503, %lt3A_511 : vector<16xi32>
        %lt3A_513 = arith.constant 1024 : i32
        %lt3A_514 = vector.broadcast %lt3A_513 : i32 to vector<16xi32>
        %lt3A_515 = arith.cmpi ult, %sub3A_509, %lt3A_514 : vector<16xi32>
        %and3A_516 = arith.andi %lt3A_512, %lt3A_515 : vector<16xi1>
        %mul3A_517 = arith.constant 1024 : i32
        %mul3A_518 = vector.broadcast %mul3A_517 : i32 to vector<16xi32>
        %mul3A_519 = arith.muli %sub3A_503, %mul3A_518 : vector<16xi32>
        %add3A_520 = arith.addi %mul3A_519, %sub3A_509 : vector<16xi32>
        %and3A_521 = arith.constant 32767 : i32
        %and3A_522 = vector.broadcast %and3A_521 : i32 to vector<16xi32>
        %and3A_523 = arith.andi %get3A_498, %and3A_522 : vector<16xi32>
        %add3A_524 = arith.constant 1048576 : i32
        %add3A_525 = vector.broadcast %add3A_524 : i32 to vector<16xi32>
        %add3A_526 = arith.addi %add3A_525, %and3A_523 : vector<16xi32>
        %select_n3A_527 = arith.select %and3A_516, %add3A_520, %add3A_526 : vector<16xi1>, vector<16xi32>
        %swap3A_528 = arith.index_cast %select_n3A_170 : i32 to index
        %swap3A_529 = arith.index_cast %scan3A_214 : i32 to index
        %swap3A_530 = arith.constant 112 : index
        %swap3A_531 = tpu.vector_load %arg8[%swap3A_528, %swap3A_529, %swap3A_530] {strides = array<i32>} : memref<3x32x128xi32, #tpu.memory_space<vmem>>, vector<16xi32>,
        tpu.vector_store %arg8[%swap3A_528, %swap3A_529, %swap3A_530], %select_n3A_527 {strides = array<i32>} : memref<3x32x128xi32, #tpu.memory_space<vmem>>, vector<16xi32>,
        %scan3A_532 = arith.constant 0 : i32
        scf.yield %scan3A_532 : i32
      }
      %scan3A_205 = arith.constant 32 : i32
      %scan3A_206 = arith.constant 0 : i32
      %scan3A_207 = arith.constant 0 : i32
      %scan3A_208 = arith.constant 32 : i32
      %scan3A_209 = arith.addi %scan3A_207, %scan3A_208 : i32
      %scan3A_210 = arith.constant 1 : i32
      %scan3A_211 = scf.for %scan3A_214 = %scan3A_207 to %scan3A_209 step %scan3A_210 iter_args(%scan3A_215 = %scan3A_206) -> (i32)  : i32 {
        %mul3A_216 = arith.constant 128 : i32
        %mul3A_217 = arith.muli %scan3A_214, %mul3A_216 : i32
        %dma_start3A_218 = tpu.memref_slice %arg7[%select_n3A_170, %mul3A_217] : memref<3x4096xf32, #tpu.memory_space<vmem>> -> memref<1x128xf32, #tpu.memory_space<vmem>>
        %dma_start3A_219 = tpu.memref_squeeze %dma_start3A_218 : memref<1x128xf32, #tpu.memory_space<vmem>> -> memref<128xf32, #tpu.memory_space<vmem>>
        %dma_start3A_220 = arith.constant 0 : i32
        %dma_start3A_221 = tpu.memref_slice %arg8[%select_n3A_170, %scan3A_214, %dma_start3A_220] : memref<3x32x128xi32, #tpu.memory_space<vmem>> -> memref<1x1x128xi32, #tpu.memory_space<vmem>>
        %dma_start3A_222 = tpu.memref_squeeze %dma_start3A_221 : memref<1x1x128xi32, #tpu.memory_space<vmem>> -> memref<128xi32, #tpu.memory_space<vmem>>
        %dma_start3A_223 = arith.constant 0 : i32
        %dma_start3A_224 = tpu.memref_slice %arg5[%dma_start3A_223] : memref<1081344xf32, #tpu.memory_space<vmem_shared>> -> memref<1081344xf32, #tpu.memory_space<vmem_shared>>
        tpu.enqueue_indirect_dma source(%dma_start3A_219 : memref<128xf32, #tpu.memory_space<vmem>>) target(%dma_start3A_224 : memref<1081344xf32, #tpu.memory_space<vmem_shared>>) offsets(%dma_start3A_222 : memref<128xi32, #tpu.memory_space<vmem>>) semaphore(%arg9 : memref<!tpu.dma_semaphore, #tpu.memory_space<semaphore_mem>>) {add = true}
        %scan3A_225 = arith.constant 0 : i32
        scf.yield %scan3A_225 : i32
      }
      %scan3A_212 = arith.constant 32 : i32
      %scan3A_213 = arith.constant 0 : i32
      scf.yield %scan3A_213 : i32
    }
    %scan3A_113 = arith.constant 32 : i32
    %dma_wait3A = arith.constant 0 : i32
    %dma_wait3A_114 = arith.constant 0 : i32
    %dma_wait3A_115 = tpu.memref_slice %arg7[%dma_wait3A, %dma_wait3A_114] : memref<3x4096xf32, #tpu.memory_space<vmem>> -> memref<1x4096xf32, #tpu.memory_space<vmem>>
    %dma_wait3A_116 = tpu.memref_squeeze %dma_wait3A_115 : memref<1x4096xf32, #tpu.memory_space<vmem>> -> memref<4096xf32, #tpu.memory_space<vmem>>
    %dma_wait3A_117 = arith.constant 0 : i32
    %dma_wait3A_118 = tpu.memref_slice %arg3[%dma_wait3A_117] : memref<2097152xf32, #tpu.memory_space<hbm>> -> memref<4096xf32, #tpu.memory_space<hbm>>
    %dma_wait3A_119 = arith.constant 0 : i32
    %dma_wait3A_120 = tpu.memref_slice %arg7[%dma_wait3A, %dma_wait3A_119] : memref<3x4096xf32, #tpu.memory_space<vmem>> -> memref<1x4096xf32, #tpu.memory_space<vmem>>
    %dma_wait3A_121 = tpu.memref_squeeze %dma_wait3A_120 : memref<1x4096xf32, #tpu.memory_space<vmem>> -> memref<4096xf32, #tpu.memory_space<vmem>>
    %dma_wait3A_122 = arith.constant 0 : i32
    %dma_wait3A_123 = tpu.memref_slice %arg3[%dma_wait3A_122] : memref<2097152xf32, #tpu.memory_space<hbm>> -> memref<4096xf32, #tpu.memory_space<hbm>>
    tpu.wait_dma2 semaphore(%arg9 : memref<!tpu.dma_semaphore, #tpu.memory_space<semaphore_mem>>) src(%dma_wait3A_123 : memref<4096xf32, #tpu.memory_space<hbm>>) dst(%dma_wait3A_121 : memref<4096xf32, #tpu.memory_space<vmem>>)
    %dma_wait3A_124 = arith.constant 1 : i32
    %dma_wait3A_125 = arith.constant 0 : i32
    %dma_wait3A_126 = tpu.memref_slice %arg7[%dma_wait3A_124, %dma_wait3A_125] : memref<3x4096xf32, #tpu.memory_space<vmem>> -> memref<1x4096xf32, #tpu.memory_space<vmem>>
    %dma_wait3A_127 = tpu.memref_squeeze %dma_wait3A_126 : memref<1x4096xf32, #tpu.memory_space<vmem>> -> memref<4096xf32, #tpu.memory_space<vmem>>
    %dma_wait3A_128 = arith.constant 0 : i32
    %dma_wait3A_129 = tpu.memref_slice %arg3[%dma_wait3A_128] : memref<2097152xf32, #tpu.memory_space<hbm>> -> memref<4096xf32, #tpu.memory_space<hbm>>
    %dma_wait3A_130 = arith.constant 0 : i32
    %dma_wait3A_131 = tpu.memref_slice %arg7[%dma_wait3A_124, %dma_wait3A_130] : memref<3x4096xf32, #tpu.memory_space<vmem>> -> memref<1x4096xf32, #tpu.memory_space<vmem>>
    %dma_wait3A_132 = tpu.memref_squeeze %dma_wait3A_131 : memref<1x4096xf32, #tpu.memory_space<vmem>> -> memref<4096xf32, #tpu.memory_space<vmem>>
    %dma_wait3A_133 = arith.constant 0 : i32
    %dma_wait3A_134 = tpu.memref_slice %arg3[%dma_wait3A_133] : memref<2097152xf32, #tpu.memory_space<hbm>> -> memref<4096xf32, #tpu.memory_space<hbm>>
    tpu.wait_dma2 semaphore(%arg9 : memref<!tpu.dma_semaphore, #tpu.memory_space<semaphore_mem>>) src(%dma_wait3A_134 : memref<4096xf32, #tpu.memory_space<hbm>>) dst(%dma_wait3A_132 : memref<4096xf32, #tpu.memory_space<vmem>>)
    %barrier3A_135 = arith.constant 0 : index
    tpu.barrier barrier_id(%barrier3A_135)
    %mul3A_136 = arith.constant 65536 : i32
    %mul3A_137 = arith.muli %arg1, %mul3A_136 : i32
    %mul3A_138 = arith.constant 1048576 : i32
    %mul3A_139 = arith.muli %arg0, %mul3A_138 : i32
    %mul3A_140 = arith.constant 65536 : i32
    %mul3A_141 = arith.muli %arg1, %mul3A_140 : i32
    %add3A_142 = arith.addi %mul3A_139, %mul3A_141 : i32
    "tpu.region"() ({
      %run_scoped3A_144 = tpu.sem_alloc : memref<!tpu.dma_semaphore, #tpu.memory_space<semaphore_mem>>
      %dma_start3A_145 = tpu.memref_slice %arg4[%add3A_142] : memref<2097152xf32, #tpu.memory_space<hbm>> -> memref<65536xf32, #tpu.memory_space<hbm>>
      %dma_start3A_146 = tpu.memref_slice %arg5[%mul3A_137] : memref<1081344xf32, #tpu.memory_space<vmem_shared>> -> memref<65536xf32, #tpu.memory_space<vmem_shared>>
      tpu.enqueue_dma source(%dma_start3A_146 : memref<65536xf32, #tpu.memory_space<vmem_shared>>) target(%dma_start3A_145 : memref<65536xf32, #tpu.memory_space<hbm>>) target_semaphore(%run_scoped3A_144 : memref<!tpu.dma_semaphore, #tpu.memory_space<semaphore_mem>>)
      %dma_wait3A_147 = tpu.memref_slice %arg4[%add3A_142] : memref<2097152xf32, #tpu.memory_space<hbm>> -> memref<65536xf32, #tpu.memory_space<hbm>>
      %dma_wait3A_148 = tpu.memref_slice %arg5[%mul3A_137] : memref<1081344xf32, #tpu.memory_space<vmem_shared>> -> memref<65536xf32, #tpu.memory_space<vmem_shared>>
      tpu.wait_dma2 semaphore(%run_scoped3A_144 : memref<!tpu.dma_semaphore, #tpu.memory_space<semaphore_mem>>) src(%dma_wait3A_148 : memref<65536xf32, #tpu.memory_space<vmem_shared>>) dst(%dma_wait3A_147 : memref<65536xf32, #tpu.memory_space<hbm>>)
      tpu.yield
    }) : () -> ()
    %barrier3A_143 = arith.constant 0 : index
    tpu.barrier barrier_id(%barrier3A_143)
    return
  }
}

</mosaic_0001>

<sc_bundles>
// kernel: _sc_scatter.3.cloned.1.call-start
scs
__scs_entry_jumppad:
0x0: {  	(pc) =	sbr.rel $0x88, $3  }
0x1: {  	(tag) =	ssettag $0x0;
	lr =	simm.s32 $0x1  }
0x2: {  	[smem:$0x3F9F] =	sst lr;
	_ =	strace $0xD0000000  }
0x3: {  	_ = 	snop  }
0x4: {  	_ = 	snop  }
0x5: {  	_ = 	snop  }
0x6: {  	_ = 	snop  }
0x7: {  	_ = 	snop  }
__scs_overlays_trampoline_lowered:
0x8: {  	[smem:$0x3FAE] =	sst s0  }
0x9: {  	[smem:$0x3FAF] =	sst s1  }
0xa: {  	[smem:$0x3FB0] =	sst s2  }
0xb: {  	[smem:$0x3FB1] =	sst s3  }
0xc: {  	[smem:$0x3FB2] =	sst s4  }
0xd: {  	[smem:$0x3FB3] =	sst s5  }
0xe: {  	[smem:$0x3FB4] =	sst s6  }
0xf: {  	[smem:$0x3FB5] =	sst s7  }
0x10: {  	[smem:$0x3FB6] =	sst s8  }
0x11: {  	[smem:$0x3FB7] =	sst s9;
	s0 =	simm.s32 @!p0 $0x0  }
0x12: {  	s1 =	sld [smem:$0x3F9D];
	s0 =	simm.s32 @p0 $0x1  }
0x13: {  	[smem:$0x3FB8] =	sst s0;
	s0 =	simm.s32 @!p1 $0x0  }
0x14: {  	s2 =	sld [smem:$0x3F9C];
	s0 =	simm.s32 @p1 $0x1  }
0x15: {  	[smem:$0x3FB9] =	sst s0;
	s0 =	simm.s32 @!p2 $0x0  }
0x16: {  	s3 =	sld [smem:$0x3FDB];
	s0 =	simm.s32 @p2 $0x1  }
0x17: {  	s4 =	simm.s32 $0x1BF5;
	[smem:$0x3FBB] =	sst s0  }
0x18: {  	s0 =	sld [smem:$0x3F9E];
	_ =	swait.ge [sflag:s4], $0x0  }
0x19: {  	s7 =	sld [smem:$0x3F9F]  }
0x1a: {  	s8 =	sadd.s32 $0xFFFFE003, lr  }
0x1b: {  	s9 =	sadd.s32 $0xFFFFFEF7, lr;
	s5 =	simm.s32 $0xFFFFFFFF;
	p2 =	slt.u32 s8, $0xFFFFF086  }
0x1c: {  	p1 =	slt.u32 s9, $0xF7A;
	s5 =	simm.s32 @!p2 $0x0  }
0x1d: {  	s5 =	simm.s32 @p1 $0x1;
	p0 =	seq.s32 s7, s2  }
0x1e: {  	s7 =	smul.u32 @!p0 $0xF7A, s2;
	p2 =	seq.s32 @!p0 s5, $0x0  }
0x1f: {  	s9 =	smul.u32 $0xF7A, s1;
	s8 =	simm.s32 @!p0 $0x1BF5;
	p2 =	por !p2, p0  }
0x20: {  	[sflag:s8] =	ssyncset.s32 @!p0 $0xFFFFF086;
	s6 =	sadd.s32 @!p0 s3, s7;
	s7 =	simm.s32 @!p0 $0x108  }
0x21: {  	s3 =	sadd.s32 s3, s9;
	s6 =	sadd.s32 @!p0 $0x88, s6;
	s7 =	simm.s32 @p2 $0x1082  }
0x22: {  	[simem:s7], [sflag:s8] =	dma.local @!p0 [hbm:s6], $0xF7A  }
0x23: {  	s9 =	sor.u32 $0xD0000000, s2;
	s6 =	simm.s32 $0x108;
	_ =	swait.ge @!p0 [sflag:s8], $0x0  }
0x24: {  	s3 =	sadd.s32 $0x88, s3;
	s6 =	simm.s32 @!p1 $0x1082;
	[sflag:s4] =	ssyncset.s32 $0xFFFFF086  }
0x25: {  	[simem:s6], [sflag:s4] =	dma.local [hbm:s3], $0xF7A  }
0x26: {  	[smem:$0x3F9F] =	sst s1;
	(tag) =	ssettag s2;
	_ =	strace s9  }
0x27: {  	s1 =	sld [smem:$0x3FAF]  }
0x28: {  	s2 =	sld [smem:$0x3FB0]  }
0x29: {  	s4 =	sld [smem:$0x3FB2]  }
0x2a: {  	p0 =	seq.s32 s5, $0x0;
	s5 =	sld [smem:$0x3FB3]  }
0x2b: {  	s6 =	sld [smem:$0x3FB4]  }
0x2c: {  	s7 =	sld [smem:$0x3FB5]  }
0x2d: {  	s3 =	simm.s32 $0x108;
	s8 =	sld [smem:$0x3FB6]  }
0x2e: {  	s3 =	simm.s32 @!p0 $0x1082;
	s9 =	sld [smem:$0x3FB7]  }
0x2f: {  	lr =	sadd.s32 s0, s3;
	s0 =	sld [smem:$0x3FAE]  }
0x30: {  	s3 =	sld [smem:$0x3FB1]  }
0x31: {  	[smem:$0x3FBA] =	sst s10  }
0x32: {  	s10 =	sld [smem:$0x3FB8];
	_ =	sdelay $0x3  }
0x33: {  	p0 =	seq.s32 s10, $0x1;
	s10 =	sld [smem:$0x3FBA];
	_ =	sdelay $0x3  }
0x34: {  	[smem:$0x3FBA] =	sst s10  }
0x35: {  	s10 =	sld [smem:$0x3FB9];
	_ =	sdelay $0x3  }
0x36: {  	p1 =	seq.s32 s10, $0x1;
	s10 =	sld [smem:$0x3FBA];
	_ =	sdelay $0x3  }
0x37: {  	[smem:$0x3FBA] =	sst s10  }
0x38: {  	s10 =	sld [smem:$0x3FBB]  }
0x39: {  	_ = 	snop;
	(pc) =	sbr.ind lr, $3  }
0x3a: {  	_ = 	snop  }
0x3b: {  	_ = 	snop  }
0x3c: {  	p2 =	seq.s32 s10, $0x1;
	s10 =	sld [smem:$0x3FBA]  }
0x3d: {  	_ =	shalt  }
0x3e: {  	_ =	shalt  }
0x3f: {  	_ =	shalt  }
0x40: {  	_ =	shalt  }
0x41: {  	_ =	shalt  }
0x42: {  	_ =	shalt  }
0x43: {  	_ =	shalt  }
0x44: {  	_ =	shalt  }
0x45: {  	_ =	shalt  }
0x46: {  	_ =	shalt  }
0x47: {  	_ =	shalt  }
0x48: {  	_ =	shalt  }
0x49: {  	_ =	shalt  }
0x4a: {  	_ =	shalt  }
0x4b: {  	_ =	shalt  }
0x4c: {  	_ =	shalt  }
0x4d: {  	_ =	shalt  }
0x4e: {  	_ =	shalt  }
0x4f: {  	_ =	shalt  }
0x50: {  	_ =	shalt  }
0x51: {  	_ =	shalt  }
0x52: {  	_ =	shalt  }
0x53: {  	_ =	shalt  }
0x54: {  	_ =	shalt  }
0x55: {  	_ =	shalt  }
0x56: {  	_ =	shalt  }
0x57: {  	_ =	shalt  }
0x58: {  	_ =	shalt  }
0x59: {  	_ =	shalt  }
0x5a: {  	_ =	shalt  }
0x5b: {  	_ =	shalt  }
0x5c: {  	_ =	shalt  }
0x5d: {  	_ =	shalt  }
0x5e: {  	_ =	shalt  }
0x5f: {  	_ =	shalt  }
0x60: {  	_ =	shalt  }
0x61: {  	_ =	shalt  }
0x62: {  	_ =	shalt  }
0x63: {  	_ =	shalt  }
0x64: {  	_ =	shalt  }
0x65: {  	_ =	shalt  }
0x66: {  	_ =	shalt  }
0x67: {  	_ =	shalt  }
0x68: {  	_ =	shalt  }
0x69: {  	_ =	shalt  }
0x6a: {  	_ =	shalt  }
0x6b: {  	_ =	shalt  }
0x6c: {  	_ =	shalt  }
0x6d: {  	_ =	shalt  }
0x6e: {  	_ =	shalt  }
0x6f: {  	_ =	shalt  }
0x70: {  	_ =	shalt  }
0x71: {  	_ =	shalt  }
0x72: {  	_ =	shalt  }
0x73: {  	_ =	shalt  }
0x74: {  	_ =	shalt  }
0x75: {  	_ =	shalt  }
0x76: {  	_ =	shalt  }
0x77: {  	_ =	shalt  }
0x78: {  	_ =	shalt  }
0x79: {  	_ =	shalt  }
0x7a: {  	_ =	shalt  }
0x7b: {  	_ =	shalt  }
0x7c: {  	_ =	shalt  }
0x7d: {  	_ =	shalt  }
0x7e: {  	_ =	shalt  }
0x7f: {  	_ =	shalt  }
0x80: {  	_ =	shalt  }
0x81: {  	_ =	shalt  }
0x82: {  	_ =	shalt  }
0x83: {  	_ =	shalt  }
0x84: {  	_ =	shalt  }
0x85: {  	_ =	shalt  }
0x86: {  	_ =	shalt  }
0x87: {  	_ =	shalt  }
.Lfunc_end0:
.L_simem_size_0:
called_computation_lowered:
.L_overlay_start_0:
0x88: {  	s2 =	sld [smem:$0x3FD9]  }
0x89: {  	s3 =	sld [smem:$0x3FFE];
	_ =	sdelay $0x1  }
0x8a: {  	s1 =	srdreg.scid  }
0x8b: {  	s0 =	sand.u32 $0x1, s1  }
0x8c: {  	s18 =	sshll.u32 s0, $0xA;
	s2 =	sadd.s32 s3, s2  }
0x8d: {  	s2 =	sadd.s32 s2, s18  }
0x8e: {  	[smem:$0x3FC6] =	sst s2  }
0x8f: {  	_ = 	snop  }
0x90: {  	s2 =	sld [smem:$0x3FC9]  }
0x91: {  	s19 =	sld [smem:$0x3FC8]  }
0x92: {  	s4 =	sld [smem:$0x3FD0];
	(tm) =	ssettm $0x1  }
0x93: {  	s5 =	sld [smem:$0x3FFB];
	_ =	sdelay $0x3  }
0x94: {  	_ =	strace s5  }
0x95: {  	s5 =	sld [smem:$0x3FFC];
	_ =	sdelay $0x3  }
0x96: {  	_ =	strace s5  }
0x97: {  	s5 =	sld [smem:$0x3FFD];
	_ =	sdelay $0x3  }
0x98: {  	_ =	strace s5  }
0x99: {  	_ =	strace $0x8FFFFFFF  }
0x9a: {  	s20 =	sld [smem:$0x3FDB];
	_ =	sdelay $0x1  }
0x9b: {  	s6 =	simm.s32 $_scs_section_size  }
0x9c: {  	s7 =	simm.s32 $_size__tile_overlayer_lowered;
	s8 =	simm.s32 $_tile_overlayer_lowered  }
0x9d: {  	s23 =	simm.s32 $0x1BFF;
	s22 =	sshll.u32 s8, $0x1;
	s5 =	sadd.s32 s6, s20  }
0x9e: {  	s9 =	simm.s32 $0x0;
	s21 =	sshll.u32 s7, $0x1;
	s7 =	sadd.s32 s22, s5  }
0x9f: {  	[timem:s9], [sflag:s23] =	dma.local [hbm:s7], s21  }
0xa0: {  	_ =	swait.ge [sflag:s23], s21  }
0xa1: {  	s6 =	ssub.s32 $0x0, s21;
	[sflag:s23] =	ssyncset.done $0x0  }
0xa2: {  	[sflag:s23] =	ssyncadd.s32 s6;
	_ =	sdelay $0x1  }
0xa3: {  	s24 =	simm.s32 $0x1B8B  }
0xa4: {  	_ =	swait.ge [sflag:s24], $0x1  }
0xa5: {  	[sflag:s24] =	ssyncset.done $0x0  }
0xa6: {  	s25 =	simm.s32 $0x1B8E;
	[sflag:s24] =	ssyncadd.s32 $0xFFFFFFFF  }
0xa7: {  	s26 =	simm.s32 $execute0_lowered;
	[smem:$0x3FD2] =	sst s25  }
0xa8: {  	s6 =	sshll.u32 s26, $0x1;
	_ =	strace $0x80000046;
	[dreg:$0x1] =	wrdreg $0xFFFFFFFF  }
0xa9: {  	s28 =	simm.s32 $_size_execute0_lowered;
	s5 =	sadd.s32 s5, s6;
	[dreg:$0x0] =	wrdreg $0x0  }
0xaa: {  	s6 =	sshll.u32 s28, $0x1;
	[dreg:$0x2] =	wrdreg s5  }
0xab: {  	[dreg:$0x3] =	wrdreg s6  }
0xac: {  	[dreg:$0x4] =	wrdreg $0xC0  }
0xad: {  	_ =	task [dreg:s9], $0x5FFFF  }
0xae: {  	[dreg:$0x1] =	wrdreg $0xFFFFFFFF  }
0xaf: {  	[dreg:$0x0] =	wrdreg $0x60  }
0xb0: {  	[dreg:$0x2] =	wrdreg s2  }
0xb1: {  	[dreg:$0x3] =	wrdreg s19  }
0xb2: {  	[dreg:$0x4] =	wrdreg s4  }
0xb3: {  	[dreg:$0x5] =	wrdreg $0x0  }
0xb4: {  	[dreg:$0x6] =	wrdreg $0x9  }
0xb5: {  	_ =	task.clear_ibuf [dreg:s9], $0x7FFFF;
	_ =	strace $0x90000046  }
0xb6: {  	s29 =	simm.s32 $0x9;
	_ =	strace $0x80000048  }
0xb7: {  	_ =	swait.ge [sflag:s29], $0x1  }
0xb8: {  	[sflag:s29] =	ssyncadd.s32 $0xFFFFFFFF  }
0xb9: {  	_ =	strace $0x90000048  }
0xba: {  	_ =	sfence  }
0xbb: {  	s30 =	sld [smem:$0x0];
	_ =	sdelay $0x2  }
0xbc: {  	s31 =	sshll.u32 s1, $0xD;
	s1 =	sshrl.u32 s1, $0x2  }
0xbd: {  	s3 =	sand.u32 $0x4000, s31;
	s1 =	sadd.s32 s1, s30  }
0xbe: {  	s0 =	sor.u32 s3, s0;
	s1 =	sshll.u32 s1, $0x11  }
0xbf: {  	s0 =	sor.u32 s1, s0  }
0xc0: {  	s0 =	sadd.s32 $0x8F2B, s0  }
0xc1: {  	[sflag:s0] =	ssyncadd.remote.s32 $0x1  }
0xc2: {  	_ =	sfence.sel $0xFFFF  }
0xc3: {  	[dreg:$0x0] =	wrdreg $0xFFFFFFFF;
	(pc) =	sbr.abs _section_cstart, $3  }
0xc4: {  	[dreg:$0x1] =	wrdreg $0xFFFFFFFF  }
0xc5: {  	_ =	task.clear_ibuf [dreg:s9], $0x2FFFF;
	_ =	strace $0x9FFFFFFF  }
0xc6: {  	(tm) =	ssettm $0x7FFFFFFF  }
0xc7: {  	_ =	shalt  }
tec
execute0_lowered:
.L_overlay_start_1:
0x0: {  	(tag) =	ssettag $0x1  }
0x1: {  	s8 =	rddreg [dreg:$0x0]  }
0x2: {  	s9 =	rddreg [dreg:$0x1];
	s6 =	stileid.u32  }
0x3: {  	s3 =	rddreg [dreg:$0x3];
	s19 =	sshll.u32 s6, $0x10  }
0x4: {  	s0 =	rddreg [dreg:$0x2];
	s5 =	simm.s32 $0x0;
	s7 =	sadd.s32 s19, s3  }
0x5: {  	[smem:$0x7FF] =	sst s5;
	s10 =	sadd.s32 $0x1000, s7  }
0x6: {  	_ =	strace $0x80000047;
	s20 =	sadd.s32 $0x2000, s7;
	[dreg:$0x5] =	wrdreg s10  }
0x7: {  	s21 =	sadd.s32 $0x3000, s7;
	[dreg:$0x6] =	wrdreg s20  }
0x8: {  	s22 =	sadd.s32 $0x4000, s7;
	[dreg:$0x7] =	wrdreg s21  }
0x9: {  	s23 =	sadd.s32 $0x5000, s7;
	[dreg:$0x8] =	wrdreg s22  }
0xa: {  	s25 =	sadd.s32 $0x6000, s7;
	[dreg:$0x9] =	wrdreg s23  }
0xb: {  	s26 =	sadd.s32 $0x7000, s7;
	[dreg:$0xa] =	wrdreg s25  }
0xc: {  	s1 =	srdreg.scid;
	s28 =	sadd.s32 $0x8000, s7;
	[dreg:$0xb] =	wrdreg s26  }
0xd: {  	s1 =	sand.u32 $0x1, s1;
	s29 =	sadd.s32 $0x9000, s7;
	[dreg:$0xc] =	wrdreg s28  }
0xe: {  	s2 =	ssub.s32 $0x2, s1;
	s30 =	sadd.s32 $0xA000, s7;
	[dreg:$0xd] =	wrdreg s29  }
0xf: {  	s24 =	sshll.u32 s1, $0xA;
	s31 =	sadd.s32 $0xB000, s7;
	[dreg:$0xe] =	wrdreg s30  }
0x10: {  	s1 =	sshll.u32 s1, $0x14;
	s11 =	sadd.s32 $0xD000, s7;
	[dreg:$0xf] =	wrdreg s31  }
0x11: {  	s1 =	sor.u32 s19, s1;
	s12 =	sadd.s32 $0xE000, s7;
	[dreg:$0x11] =	wrdreg s11  }
0x12: {  	s10 =	sadd.s32 $0xC000, s7;
	s1 =	sshrl.u32 s1, $0x3;
	[dreg:$0x12] =	wrdreg s12  }
0x13: {  	s4 =	sshrl.u32 s2, $0x1;
	[dreg:$0x10] =	wrdreg s10;
	s0 =	sadd.s32 s0, s1  }
0x14: {  	s13 =	sadd.s32 $0xF000, s7;
	s2 =	ssub.s32 s2, s4;
	[dreg:$0x13] =	wrdreg s0  }
0x15: {  	s14 =	smax.u32 s2, $0x1;
	[dreg:$0x14] =	wrdreg s13  }
0x16: {  	s15 =	sadd.s32 $0x80, s7;
	[dreg:$0x15] =	wrdreg s14  }
0x17: {  	s16 =	sadd.s32 $0x100, s7;
	[dreg:$0x16] =	wrdreg s15  }
0x18: {  	s17 =	sadd.s32 $0x180, s7;
	[dreg:$0x17] =	wrdreg s16  }
0x19: {  	s18 =	sadd.s32 $0x200, s7;
	[dreg:$0x18] =	wrdreg s17  }
0x1a: {  	s19 =	sadd.s32 $0x280, s7;
	[dreg:$0x19] =	wrdreg s18  }
0x1b: {  	s20 =	sadd.s32 $0x300, s7;
	[dreg:$0x1a] =	wrdreg s19  }
0x1c: {  	s21 =	sadd.s32 $0x380, s7;
	[dreg:$0x1b] =	wrdreg s20  }
0x1d: {  	s22 =	sadd.s32 $0x400, s7;
	[dreg:$0x1c] =	wrdreg s21  }
0x1e: {  	s23 =	sadd.s32 $0x480, s7;
	[dreg:$0x1d] =	wrdreg s22  }
0x1f: {  	s28 =	sadd.s32 $0x500, s7;
	[dreg:$0x1e] =	wrdreg s23  }
0x20: {  	s29 =	sadd.s32 $0x580, s7;
	[dreg:$0x1f] =	wrdreg s28  }
0x21: {  	s30 =	sadd.s32 $0x600, s7;
	[smem:$0x616] =	sst s29  }
0x22: {  	s31 =	sadd.s32 $0x680, s7;
	[smem:$0x617] =	sst s30  }
0x23: {  	s1 =	sadd.s32 $0x700, s7;
	[smem:$0x618] =	sst s31  }
0x24: {  	s2 =	sadd.s32 $0x780, s7;
	[smem:$0x619] =	sst s1  }
0x25: {  	s6 =	sshll.u32 s6, $0xE;
	s4 =	sadd.s32 $0x800, s7;
	[smem:$0x61A] =	sst s2  }
0x26: {  	s25 =	sadd.s32 s8, s6;
	s8 =	sadd.s32 $0x880, s7;
	[smem:$0x61B] =	sst s4  }
0x27: {  	s26 =	sadd.s32 s9, s6;
	s9 =	sadd.s32 $0x900, s7;
	[smem:$0x61C] =	sst s8  }
0x28: {  	s10 =	sadd.s32 $0x980, s7;
	[smem:$0x61D] =	sst s9  }
0x29: {  	s11 =	sadd.s32 $0xA00, s7;
	[smem:$0x61E] =	sst s10  }
0x2a: {  	s12 =	sadd.s32 $0xA80, s7;
	[smem:$0x61F] =	sst s11  }
0x2b: {  	[smem:$0x620] =	sst s12  }
0x2c: {  	[smem:$0x7FC] =	sst s6  }
0x2d: {  	s13 =	sadd.s32 $0xB00, s7;
	[smem:$0x7FD] =	sst s7  }
0x2e: {  	s14 =	sadd.s32 $0xB80, s7;
	[smem:$0x621] =	sst s13  }
0x2f: {  	s15 =	sadd.s32 $0xC00, s7;
	[smem:$0x622] =	sst s14  }
0x30: {  	s16 =	sadd.s32 $0xC80, s7;
	[smem:$0x623] =	sst s15  }
0x31: {  	s17 =	sadd.s32 $0xD00, s7;
	[smem:$0x624] =	sst s16  }
0x32: {  	s18 =	sadd.s32 $0xD80, s7;
	[smem:$0x625] =	sst s17  }
0x33: {  	s19 =	sadd.s32 $0xE00, s7;
	[smem:$0x626] =	sst s18  }
0x34: {  	s20 =	sadd.s32 $0xE80, s7;
	[smem:$0x627] =	sst s19  }
0x35: {  	s21 =	sadd.s32 $0xF00, s7;
	[smem:$0x628] =	sst s20  }
0x36: {  	s22 =	sadd.s32 $0xF80, s7;
	[smem:$0x629] =	sst s21  }
0x37: {  	s23 =	sadd.s32 $0x1080, s7;
	[smem:$0x62A] =	sst s22  }
0x38: {  	s28 =	sadd.s32 $0x1100, s7;
	[smem:$0x62B] =	sst s23  }
0x39: {  	s29 =	sadd.s32 $0x1180, s7;
	[smem:$0x62C] =	sst s28  }
0x3a: {  	s30 =	sadd.s32 $0x1200, s7;
	[smem:$0x62D] =	sst s29  }
0x3b: {  	s31 =	sadd.s32 $0x1280, s7;
	[smem:$0x62E] =	sst s30  }
0x3c: {  	s1 =	sadd.s32 $0x1300, s7;
	[smem:$0x62F] =	sst s31  }
0x3d: {  	s2 =	sadd.s32 $0x1380, s7;
	[smem:$0x630] =	sst s1  }
0x3e: {  	s4 =	sadd.s32 $0x1400, s7;
	[smem:$0x631] =	sst s2  }
0x3f: {  	s8 =	sadd.s32 $0x1480, s7;
	[smem:$0x632] =	sst s4  }
0x40: {  	s9 =	sadd.s32 $0x1500, s7;
	[smem:$0x633] =	sst s8  }
0x41: {  	s10 =	sadd.s32 $0x1580, s7;
	[smem:$0x634] =	sst s9  }
0x42: {  	s11 =	sadd.s32 $0x1600, s7;
	[smem:$0x635] =	sst s10  }
0x43: {  	s12 =	sadd.s32 $0x1680, s7;
	[smem:$0x636] =	sst s11  }
0x44: {  	[smem:$0x637] =	sst s12;
	s13 =	sadd.s32 $0x1700, s7  }
0x45: {  	s14 =	sadd.s32 $0x1780, s7;
	[smem:$0x638] =	sst s13  }
0x46: {  	s15 =	sadd.s32 $0x1800, s7;
	[smem:$0x639] =	sst s14  }
0x47: {  	s16 =	sadd.s32 $0x1880, s7;
	[smem:$0x63A] =	sst s15  }
0x48: {  	s17 =	sadd.s32 $0x1900, s7;
	[smem:$0x63B] =	sst s16  }
0x49: {  	s18 =	sadd.s32 $0x1980, s7;
	[smem:$0x63C] =	sst s17  }
0x4a: {  	s19 =	sadd.s32 $0x1A00, s7;
	[smem:$0x63D] =	sst s18  }
0x4b: {  	s20 =	sadd.s32 $0x1A80, s7;
	[smem:$0x63E] =	sst s19  }
0x4c: {  	s21 =	sadd.s32 $0x1B00, s7;
	[smem:$0x63F] =	sst s20  }
0x4d: {  	s22 =	sadd.s32 $0x1B80, s7;
	[smem:$0x640] =	sst s21  }
0x4e: {  	s23 =	sadd.s32 $0x1C00, s7;
	[smem:$0x641] =	sst s22  }
0x4f: {  	s28 =	sadd.s32 $0x1C80, s7;
	[smem:$0x642] =	sst s23  }
0x50: {  	s29 =	sadd.s32 $0x1D00, s7;
	[smem:$0x643] =	sst s28  }
0x51: {  	s30 =	sadd.s32 $0x1D80, s7;
	[smem:$0x644] =	sst s29  }
0x52: {  	s31 =	sadd.s32 $0x1E00, s7;
	[smem:$0x645] =	sst s30  }
0x53: {  	s1 =	sadd.s32 $0x1E80, s7;
	[smem:$0x646] =	sst s31  }
0x54: {  	s2 =	sadd.s32 $0x1F00, s7;
	[smem:$0x647] =	sst s1  }
0x55: {  	s4 =	sadd.s32 $0x1F80, s7;
	[smem:$0x648] =	sst s2  }
0x56: {  	s8 =	sadd.s32 $0x2080, s7;
	[smem:$0x649] =	sst s4  }
0x57: {  	s9 =	sadd.s32 $0x2100, s7;
	[smem:$0x64A] =	sst s8  }
0x58: {  	s10 =	sadd.s32 $0x2180, s7;
	[smem:$0x64B] =	sst s9  }
0x59: {  	s11 =	sadd.s32 $0x2200, s7;
	[smem:$0x64C] =	sst s10  }
0x5a: {  	s12 =	sadd.s32 $0x2280, s7;
	[smem:$0x64D] =	sst s11  }
0x5b: {  	[smem:$0x64E] =	sst s12;
	s13 =	sadd.s32 $0x2300, s7  }
0x5c: {  	s14 =	sadd.s32 $0x2380, s7;
	[smem:$0x64F] =	sst s13  }
0x5d: {  	s15 =	sadd.s32 $0x2400, s7;
	[smem:$0x650] =	sst s14  }
0x5e: {  	s16 =	sadd.s32 $0x2480, s7;
	[smem:$0x651] =	sst s15  }
0x5f: {  	s17 =	sadd.s32 $0x2500, s7;
	[smem:$0x652] =	sst s16  }
0x60: {  	s18 =	sadd.s32 $0x2580, s7;
	[smem:$0x653] =	sst s17  }
0x61: {  	s19 =	sadd.s32 $0x2600, s7;
	[smem:$0x654] =	sst s18  }
0x62: {  	s20 =	sadd.s32 $0x2680, s7;
	[smem:$0x655] =	sst s19  }
0x63: {  	s21 =	sadd.s32 $0x2700, s7;
	[smem:$0x656] =	sst s20  }
0x64: {  	s22 =	sadd.s32 $0x2780, s7;
	[smem:$0x657] =	sst s21  }
0x65: {  	s23 =	sadd.s32 $0x2800, s7;
	[smem:$0x658] =	sst s22  }
0x66: {  	s28 =	sadd.s32 $0x2880, s7;
	[smem:$0x659] =	sst s23  }
0x67: {  	s29 =	sadd.s32 $0x2900, s7;
	[smem:$0x65A] =	sst s28  }
0x68: {  	s30 =	sadd.s32 $0x2980, s7;
	[smem:$0x65B] =	sst s29  }
0x69: {  	s31 =	sadd.s32 $0x2A00, s7;
	[smem:$0x65C] =	sst s30  }
0x6a: {  	s1 =	sadd.s32 $0x2A80, s7;
	[smem:$0x65D] =	sst s31  }
0x6b: {  	s2 =	sadd.s32 $0x2B00, s7;
	[smem:$0x65E] =	sst s1  }
0x6c: {  	s4 =	sadd.s32 $0x2B80, s7;
	[smem:$0x65F] =	sst s2  }
0x6d: {  	s8 =	sadd.s32 $0x2C00, s7;
	[smem:$0x660] =	sst s4  }
0x6e: {  	s9 =	sadd.s32 $0x2C80, s7;
	[smem:$0x661] =	sst s8  }
0x6f: {  	s10 =	sadd.s32 $0x2D00, s7;
	[smem:$0x662] =	sst s9  }
0x70: {  	s11 =	sadd.s32 $0x2D80, s7;
	[smem:$0x663] =	sst s10  }
0x71: {  	s12 =	sadd.s32 $0x2E00, s7;
	[smem:$0x664] =	sst s11  }
0x72: {  	[smem:$0x665] =	sst s12;
	s13 =	sadd.s32 $0x2E80, s7  }
0x73: {  	s14 =	sadd.s32 $0x2F00, s7;
	[smem:$0x666] =	sst s13  }
0x74: {  	s15 =	sadd.s32 $0x2F80, s7;
	[smem:$0x667] =	sst s14  }
0x75: {  	s16 =	sadd.s32 $0x3080, s7;
	[smem:$0x668] =	sst s15  }
0x76: {  	s17 =	sadd.s32 $0x3100, s7;
	[smem:$0x669] =	sst s16  }
0x77: {  	s18 =	sadd.s32 $0x3180, s7;
	[smem:$0x66A] =	sst s17  }
0x78: {  	s19 =	sadd.s32 $0x3200, s7;
	[smem:$0x66B] =	sst s18  }
0x79: {  	s20 =	sadd.s32 $0x3280, s7;
	[smem:$0x66C] =	sst s19  }
0x7a: {  	s21 =	sadd.s32 $0x3300, s7;
	[smem:$0x66D] =	sst s20  }
0x7b: {  	s22 =	sadd.s32 $0x3380, s7;
	[smem:$0x66E] =	sst s21  }
0x7c: {  	s23 =	sadd.s32 $0x3400, s7;
	[smem:$0x66F] =	sst s22  }
0x7d: {  	s28 =	sadd.s32 $0x3480, s7;
	[smem:$0x670] =	sst s23  }
0x7e: {  	s29 =	sadd.s32 $0x3500, s7;
	[smem:$0x671] =	sst s28  }
0x7f: {  	s30 =	sadd.s32 $0x3580, s7;
	[smem:$0x672] =	sst s29  }
0x80: {  	s31 =	sadd.s32 $0x3600, s7;
	[smem:$0x673] =	sst s30  }
0x81: {  	s1 =	sadd.s32 $0x3680, s7;
	[smem:$0x674] =	sst s31  }
0x82: {  	s2 =	sadd.s32 $0x3700, s7;
	[smem:$0x675] =	sst s1  }
0x83: {  	s4 =	sadd.s32 $0x3780, s7;
	[smem:$0x676] =	sst s2  }
0x84: {  	s8 =	sadd.s32 $0x3800, s7;
	[smem:$0x677] =	sst s4  }
0x85: {  	s9 =	sadd.s32 $0x3880, s7;
	[smem:$0x678] =	sst s8  }
0x86: {  	s10 =	sadd.s32 $0x3900, s7;
	[smem:$0x679] =	sst s9  }
0x87: {  	s11 =	sadd.s32 $0x3980, s7;
	[smem:$0x67A] =	sst s10  }
0x88: {  	s12 =	sadd.s32 $0x3A00, s7;
	[smem:$0x67B] =	sst s11  }
0x89: {  	[smem:$0x67C] =	sst s12;
	s13 =	sadd.s32 $0x3A80, s7  }
0x8a: {  	s14 =	sadd.s32 $0x3B00, s7;
	[smem:$0x67D] =	sst s13  }
0x8b: {  	s15 =	sadd.s32 $0x3B80, s7;
	[smem:$0x67E] =	sst s14  }
0x8c: {  	s16 =	sadd.s32 $0x3C00, s7;
	[smem:$0x67F] =	sst s15  }
0x8d: {  	s17 =	sadd.s32 $0x3C80, s7;
	[smem:$0x680] =	sst s16  }
0x8e: {  	s18 =	sadd.s32 $0x3D00, s7;
	[smem:$0x681] =	sst s17  }
0x8f: {  	s19 =	sadd.s32 $0x3D80, s7;
	[smem:$0x682] =	sst s18  }
0x90: {  	s20 =	sadd.s32 $0x3E00, s7;
	[smem:$0x683] =	sst s19  }
0x91: {  	s21 =	sadd.s32 $0x3E80, s7;
	[smem:$0x684] =	sst s20  }
0x92: {  	s22 =	sadd.s32 $0x3F00, s7;
	[smem:$0x685] =	sst s21  }
0x93: {  	s23 =	sadd.s32 $0x3F80, s7;
	[smem:$0x686] =	sst s22  }
0x94: {  	s28 =	sadd.s32 $0x4080, s7;
	[smem:$0x687] =	sst s23  }
0x95: {  	s29 =	sadd.s32 $0x4100, s7;
	[smem:$0x688] =	sst s28  }
0x96: {  	s30 =	sadd.s32 $0x4180, s7;
	[smem:$0x689] =	sst s29  }
0x97: {  	s31 =	sadd.s32 $0x4200, s7;
	[smem:$0x68A] =	sst s30  }
0x98: {  	s1 =	sadd.s32 $0x4280, s7;
	[smem:$0x68B] =	sst s31  }
0x99: {  	s2 =	sadd.s32 $0x4300, s7;
	[smem:$0x68C] =	sst s1  }
0x9a: {  	s4 =	sadd.s32 $0x4380, s7;
	[smem:$0x68D] =	sst s2  }
0x9b: {  	s8 =	sadd.s32 $0x4400, s7;
	[smem:$0x68E] =	sst s4  }
0x9c: {  	s9 =	sadd.s32 $0x4480, s7;
	[smem:$0x68F] =	sst s8  }
0x9d: {  	s10 =	sadd.s32 $0x4500, s7;
	[smem:$0x690] =	sst s9  }
0x9e: {  	s11 =	sadd.s32 $0x4580, s7;
	[smem:$0x691] =	sst s10  }
0x9f: {  	s12 =	sadd.s32 $0x4600, s7;
	[smem:$0x692] =	sst s11  }
0xa0: {  	[smem:$0x693] =	sst s12;
	s13 =	sadd.s32 $0x4680, s7  }
0xa1: {  	s14 =	sadd.s32 $0x4700, s7;
	[smem:$0x694] =	sst s13  }
0xa2: {  	s15 =	sadd.s32 $0x4780, s7;
	[smem:$0x695] =	sst s14  }
0xa3: {  	s16 =	sadd.s32 $0x4800, s7;
	[smem:$0x696] =	sst s15  }
0xa4: {  	s17 =	sadd.s32 $0x4880, s7;
	[smem:$0x697] =	sst s16  }
0xa5: {  	s18 =	sadd.s32 $0x4900, s7;
	[smem:$0x698] =	sst s17  }
0xa6: {  	s19 =	sadd.s32 $0x4980, s7;
	[smem:$0x699] =	sst s18  }
0xa7: {  	s20 =	sadd.s32 $0x4A00, s7;
	[smem:$0x69A] =	sst s19  }
0xa8: {  	s21 =	sadd.s32 $0x4A80, s7;
	[smem:$0x69B] =	sst s20  }
0xa9: {  	s22 =	sadd.s32 $0x4B00, s7;
	[smem:$0x69C] =	sst s21  }
0xaa: {  	s23 =	sadd.s32 $0x4B80, s7;
	[smem:$0x69D] =	sst s22  }
0xab: {  	s28 =	sadd.s32 $0x4C00, s7;
	[smem:$0x69E] =	sst s23  }
0xac: {  	s29 =	sadd.s32 $0x4C80, s7;
	[smem:$0x69F] =	sst s28  }
0xad: {  	s30 =	sadd.s32 $0x4D00, s7;
	[smem:$0x6A0] =	sst s29  }
0xae: {  	s31 =	sadd.s32 $0x4D80, s7;
	[smem:$0x6A1] =	sst s30  }
0xaf: {  	s1 =	sadd.s32 $0x4E00, s7;
	[smem:$0x6A2] =	sst s31  }
0xb0: {  	s2 =	sadd.s32 $0x4E80, s7;
	[smem:$0x6A3] =	sst s1  }
0xb1: {  	s4 =	sadd.s32 $0x4F00, s7;
	[smem:$0x6A4] =	sst s2  }
0xb2: {  	s8 =	sadd.s32 $0x4F80, s7;
	[smem:$0x6A5] =	sst s4  }
0xb3: {  	s9 =	sadd.s32 $0x5080, s7;
	[smem:$0x6A6] =	sst s8  }
0xb4: {  	s10 =	sadd.s32 $0x5100, s7;
	[smem:$0x6A7] =	sst s9  }
0xb5: {  	s11 =	sadd.s32 $0x5180, s7;
	[smem:$0x6A8] =	sst s10  }
0xb6: {  	s12 =	sadd.s32 $0x5200, s7;
	[smem:$0x6A9] =	sst s11  }
0xb7: {  	[smem:$0x6AA] =	sst s12;
	s13 =	sadd.s32 $0x5280, s7  }
0xb8: {  	s14 =	sadd.s32 $0x5300, s7;
	[smem:$0x6AB] =	sst s13  }
0xb9: {  	s15 =	sadd.s32 $0x5380, s7;
	[smem:$0x6AC] =	sst s14  }
0xba: {  	s16 =	sadd.s32 $0x5400, s7;
	[smem:$0x6AD] =	sst s15  }
0xbb: {  	s17 =	sadd.s32 $0x5480, s7;
	[smem:$0x6AE] =	sst s16  }
0xbc: {  	s18 =	sadd.s32 $0x5500, s7;
	[smem:$0x6AF] =	sst s17  }
0xbd: {  	s19 =	sadd.s32 $0x5580, s7;
	[smem:$0x6B0] =	sst s18  }
0xbe: {  	s20 =	sadd.s32 $0x5600, s7;
	[smem:$0x6B1] =	sst s19  }
0xbf: {  	s21 =	sadd.s32 $0x5680, s7;
	[smem:$0x6B2] =	sst s20  }
0xc0: {  	s22 =	sadd.s32 $0x5700, s7;
	[smem:$0x6B3] =	sst s21  }
0xc1: {  	s23 =	sadd.s32 $0x5780, s7;
	[smem:$0x6B4] =	sst s22  }
0xc2: {  	s28 =	sadd.s32 $0x5800, s7;
	[smem:$0x6B5] =	sst s23  }
0xc3: {  	s29 =	sadd.s32 $0x5880, s7;
	[smem:$0x6B6] =	sst s28  }
0xc4: {  	s30 =	sadd.s32 $0x5900, s7;
	[smem:$0x6B7] =	sst s29  }
0xc5: {  	s31 =	sadd.s32 $0x5980, s7;
	[smem:$0x6B8] =	sst s30  }
0xc6: {  	s1 =	sadd.s32 $0x5A00, s7;
	[smem:$0x6B9] =	sst s31  }
0xc7: {  	s2 =	sadd.s32 $0x5A80, s7;
	[smem:$0x6BA] =	sst s1  }
0xc8: {  	s4 =	sadd.s32 $0x5B00, s7;
	[smem:$0x6BB] =	sst s2  }
0xc9: {  	s8 =	sadd.s32 $0x5B80, s7;
	[smem:$0x6BC] =	sst s4  }
0xca: {  	s9 =	sadd.s32 $0x5C00, s7;
	[smem:$0x6BD] =	sst s8  }
0xcb: {  	s10 =	sadd.s32 $0x5C80, s7;
	[smem:$0x6BE] =	sst s9  }
0xcc: {  	s11 =	sadd.s32 $0x5D00, s7;
	[smem:$0x6BF] =	sst s10  }
0xcd: {  	s12 =	sadd.s32 $0x5D80, s7;
	[smem:$0x6C0] =	sst s11  }
0xce: {  	[smem:$0x6C1] =	sst s12;
	s13 =	sadd.s32 $0x5E00, s7  }
0xcf: {  	s14 =	sadd.s32 $0x5E80, s7;
	[smem:$0x6C2] =	sst s13  }
0xd0: {  	s15 =	sadd.s32 $0x5F00, s7;
	[smem:$0x6C3] =	sst s14  }
0xd1: {  	s16 =	sadd.s32 $0x5F80, s7;
	[smem:$0x6C4] =	sst s15  }
0xd2: {  	s17 =	sadd.s32 $0x6080, s7;
	[smem:$0x6C5] =	sst s16  }
0xd3: {  	s18 =	sadd.s32 $0x6100, s7;
	[smem:$0x6C6] =	sst s17  }
0xd4: {  	s19 =	sadd.s32 $0x6180, s7;
	[smem:$0x6C7] =	sst s18  }
0xd5: {  	s20 =	sadd.s32 $0x6200, s7;
	[smem:$0x6C8] =	sst s19  }
0xd6: {  	s21 =	sadd.s32 $0x6280, s7;
	[smem:$0x6C9] =	sst s20  }
0xd7: {  	s22 =	sadd.s32 $0x6300, s7;
	[smem:$0x6CA] =	sst s21  }
0xd8: {  	s23 =	sadd.s32 $0x6380, s7;
	[smem:$0x6CB] =	sst s22  }
0xd9: {  	s28 =	sadd.s32 $0x6400, s7;
	[smem:$0x6CC] =	sst s23  }
0xda: {  	s29 =	sadd.s32 $0x6480, s7;
	[smem:$0x6CD] =	sst s28  }
0xdb: {  	s30 =	sadd.s32 $0x6500, s7;
	[smem:$0x6CE] =	sst s29  }
0xdc: {  	s31 =	sadd.s32 $0x6580, s7;
	[smem:$0x6CF] =	sst s30  }
0xdd: {  	s1 =	sadd.s32 $0x6600, s7;
	[smem:$0x6D0] =	sst s31  }
0xde: {  	s2 =	sadd.s32 $0x6680, s7;
	[smem:$0x6D1] =	sst s1  }
0xdf: {  	s4 =	sadd.s32 $0x6700, s7;
	[smem:$0x6D2] =	sst s2  }
0xe0: {  	s8 =	sadd.s32 $0x6780, s7;
	[smem:$0x6D3] =	sst s4  }
0xe1: {  	s9 =	sadd.s32 $0x6800, s7;
	[smem:$0x6D4] =	sst s8  }
0xe2: {  	s10 =	sadd.s32 $0x6880, s7;
	[smem:$0x6D5] =	sst s9  }
0xe3: {  	s11 =	sadd.s32 $0x6900, s7;
	[smem:$0x6D6] =	sst s10  }
0xe4: {  	s12 =	sadd.s32 $0x6980, s7;
	[smem:$0x6D7] =	sst s11  }
0xe5: {  	[smem:$0x6D8] =	sst s12;
	s13 =	sadd.s32 $0x6A00, s7  }
0xe6: {  	s14 =	sadd.s32 $0x6A80, s7;
	[smem:$0x6D9] =	sst s13  }
0xe7: {  	s15 =	sadd.s32 $0x6B00, s7;
	[smem:$0x6DA] =	sst s14  }
0xe8: {  	s16 =	sadd.s32 $0x6B80, s7;
	[smem:$0x6DB] =	sst s15  }
0xe9: {  	s17 =	sadd.s32 $0x6C00, s7;
	[smem:$0x6DC] =	sst s16  }
0xea: {  	s18 =	sadd.s32 $0x6C80, s7;
	[smem:$0x6DD] =	sst s17  }
0xeb: {  	s19 =	sadd.s32 $0x6D00, s7;
	[smem:$0x6DE] =	sst s18  }
0xec: {  	s20 =	sadd.s32 $0x6D80, s7;
	[smem:$0x6DF] =	sst s19  }
0xed: {  	s21 =	sadd.s32 $0x6E00, s7;
	[smem:$0x6E0] =	sst s20  }
0xee: {  	s22 =	sadd.s32 $0x6E80, s7;
	[smem:$0x6E1] =	sst s21  }
0xef: {  	s23 =	sadd.s32 $0x6F00, s7;
	[smem:$0x6E2] =	sst s22  }
0xf0: {  	s28 =	sadd.s32 $0x6F80, s7;
	[smem:$0x6E3] =	sst s23  }
0xf1: {  	s29 =	sadd.s32 $0x7080, s7;
	[smem:$0x6E4] =	sst s28  }
0xf2: {  	s30 =	sadd.s32 $0x7100, s7;
	[smem:$0x6E5] =	sst s29  }
0xf3: {  	s31 =	sadd.s32 $0x7180, s7;
	[smem:$0x6E6] =	sst s30  }
0xf4: {  	s1 =	sadd.s32 $0x7200, s7;
	[smem:$0x6E7] =	sst s31  }
0xf5: {  	s2 =	sadd.s32 $0x7280, s7;
	[smem:$0x6E8] =	sst s1  }
0xf6: {  	s4 =	sadd.s32 $0x7300, s7;
	[smem:$0x6E9] =	sst s2  }
0xf7: {  	s8 =	sadd.s32 $0x7380, s7;
	[smem:$0x6EA] =	sst s4  }
0xf8: {  	s9 =	sadd.s32 $0x7400, s7;
	[smem:$0x6EB] =	sst s8  }
0xf9: {  	s10 =	sadd.s32 $0x7480, s7;
	[smem:$0x6EC] =	sst s9  }
0xfa: {  	s11 =	sadd.s32 $0x7500, s7;
	[smem:$0x6ED] =	sst s10  }
0xfb: {  	s12 =	sadd.s32 $0x7580, s7;
	[smem:$0x6EE] =	sst s11  }
0xfc: {  	[smem:$0x6EF] =	sst s12;
	s13 =	sadd.s32 $0x7600, s7  }
0xfd: {  	s14 =	sadd.s32 $0x7680, s7;
	[smem:$0x6F0] =	sst s13  }
0xfe: {  	s15 =	sadd.s32 $0x7700, s7;
	[smem:$0x6F1] =	sst s14  }
0xff: {  	s16 =	sadd.s32 $0x7780, s7;
	[smem:$0x6F2] =	sst s15  }
0x100: {  	s17 =	sadd.s32 $0x7800, s7;
	[smem:$0x6F3] =	sst s16  }
0x101: {  	s18 =	sadd.s32 $0x7880, s7;
	[smem:$0x6F4] =	sst s17  }
0x102: {  	s19 =	sadd.s32 $0x8E80, s7;
	[smem:$0x6F5] =	sst s18  }
0x103: {  	s20 =	sadd.s32 $0x8E00, s7;
	[smem:$0x6F6] =	sst s19  }
0x104: {  	s21 =	sadd.s32 $0x8D80, s7;
	[smem:$0x6F7] =	sst s20  }
0x105: {  	s22 =	sadd.s32 $0x8D00, s7;
	[smem:$0x6F8] =	sst s21  }
0x106: {  	s23 =	sadd.s32 $0x8C80, s7;
	[smem:$0x6F9] =	sst s22  }
0x107: {  	s28 =	sadd.s32 $0x8C00, s7;
	[smem:$0x6FA] =	sst s23  }
0x108: {  	s29 =	sadd.s32 $0x8B80, s7;
	[smem:$0x6FB] =	sst s28  }
0x109: {  	s30 =	sadd.s32 $0x8B00, s7;
	[smem:$0x6FC] =	sst s29  }
0x10a: {  	s31 =	sadd.s32 $0x8A80, s7;
	[smem:$0x6FD] =	sst s30  }
0x10b: {  	s1 =	sadd.s32 $0x8A00, s7;
	[smem:$0x6FE] =	sst s31  }
0x10c: {  	s2 =	sadd.s32 $0x8980, s7;
	[smem:$0x6FF] =	sst s1  }
0x10d: {  	s4 =	sadd.s32 $0x8900, s7;
	[smem:$0x700] =	sst s2  }
0x10e: {  	s8 =	sadd.s32 $0x8880, s7;
	[smem:$0x701] =	sst s4  }
0x10f: {  	s9 =	sadd.s32 $0x8800, s7;
	[smem:$0x702] =	sst s8  }
0x110: {  	s10 =	sadd.s32 $0x8780, s7;
	[smem:$0x703] =	sst s9  }
0x111: {  	s11 =	sadd.s32 $0x8700, s7;
	[smem:$0x704] =	sst s10  }
0x112: {  	s12 =	sadd.s32 $0x8680, s7;
	[smem:$0x705] =	sst s11  }
0x113: {  	[smem:$0x706] =	sst s12;
	s13 =	sadd.s32 $0x8600, s7  }
0x114: {  	s14 =	sadd.s32 $0x8580, s7;
	[smem:$0x707] =	sst s13  }
0x115: {  	s15 =	sadd.s32 $0x8500, s7;
	[smem:$0x708] =	sst s14  }
0x116: {  	s16 =	sadd.s32 $0x8480, s7;
	[smem:$0x709] =	sst s15  }
0x117: {  	s17 =	sadd.s32 $0x8400, s7;
	[smem:$0x70A] =	sst s16  }
0x118: {  	s18 =	sadd.s32 $0x8380, s7;
	[smem:$0x70B] =	sst s17  }
0x119: {  	s19 =	sadd.s32 $0x8300, s7;
	[smem:$0x70C] =	sst s18  }
0x11a: {  	s20 =	sadd.s32 $0x8280, s7;
	[smem:$0x70D] =	sst s19  }
0x11b: {  	s21 =	sadd.s32 $0x8200, s7;
	[smem:$0x70E] =	sst s20  }
0x11c: {  	s22 =	sadd.s32 $0x8180, s7;
	[smem:$0x70F] =	sst s21  }
0x11d: {  	s23 =	sadd.s32 $0x8100, s7;
	[smem:$0x710] =	sst s22  }
0x11e: {  	s28 =	sadd.s32 $0x8080, s7;
	[smem:$0x711] =	sst s23  }
0x11f: {  	s29 =	sadd.s32 $0x7F80, s7;
	[smem:$0x712] =	sst s28  }
0x120: {  	s30 =	sadd.s32 $0x7F00, s7;
	[smem:$0x713] =	sst s29  }
0x121: {  	s31 =	sadd.s32 $0x7E80, s7;
	[smem:$0x714] =	sst s30  }
0x122: {  	s1 =	sadd.s32 $0x7E00, s7;
	[smem:$0x715] =	sst s31  }
0x123: {  	s2 =	sadd.s32 $0x7D80, s7;
	[smem:$0x716] =	sst s1  }
0x124: {  	s4 =	sadd.s32 $0x7D00, s7;
	[smem:$0x717] =	sst s2  }
0x125: {  	s8 =	sadd.s32 $0x7C80, s7;
	[smem:$0x718] =	sst s4  }
0x126: {  	s9 =	sadd.s32 $0x7C00, s7;
	[smem:$0x719] =	sst s8  }
0x127: {  	s10 =	sadd.s32 $0x7B80, s7;
	[smem:$0x71A] =	sst s9  }
0x128: {  	s11 =	sadd.s32 $0x7B00, s7;
	[smem:$0x71B] =	sst s10  }
0x129: {  	s12 =	sadd.s32 $0x7A80, s7;
	[smem:$0x71C] =	sst s11  }
0x12a: {  	[smem:$0x71D] =	sst s12;
	s13 =	sadd.s32 $0x7A00, s7  }
0x12b: {  	s14 =	sadd.s32 $0x7980, s7;
	[smem:$0x71E] =	sst s13  }
0x12c: {  	s15 =	sadd.s32 $0x7900, s7;
	[smem:$0x71F] =	sst s14  }
0x12d: {  	s16 =	sadd.s32 $0x8F00, s7;
	[smem:$0x720] =	sst s15  }
0x12e: {  	s17 =	sadd.s32 $0x8F80, s7;
	[smem:$0x721] =	sst s16  }
0x12f: {  	s18 =	sadd.s32 $0x9080, s7;
	[smem:$0x722] =	sst s17  }
0x130: {  	s19 =	sadd.s32 $0x9100, s7;
	[smem:$0x723] =	sst s18  }
0x131: {  	s20 =	sadd.s32 $0x9180, s7;
	[smem:$0x724] =	sst s19  }
0x132: {  	s21 =	sadd.s32 $0x9200, s7;
	[smem:$0x725] =	sst s20  }
0x133: {  	s22 =	sadd.s32 $0x9280, s7;
	[smem:$0x726] =	sst s21  }
0x134: {  	s23 =	sadd.s32 $0x9300, s7;
	[smem:$0x727] =	sst s22  }
0x135: {  	s28 =	sadd.s32 $0x9380, s7;
	[smem:$0x728] =	sst s23  }
0x136: {  	s29 =	sadd.s32 $0x9400, s7;
	[smem:$0x729] =	sst s28  }
0x137: {  	s30 =	sadd.s32 $0x9480, s7;
	[smem:$0x72A] =	sst s29  }
0x138: {  	s31 =	sadd.s32 $0x9500, s7;
	[smem:$0x72B] =	sst s30  }
0x139: {  	s1 =	sadd.s32 $0x9580, s7;
	[smem:$0x72C] =	sst s31  }
0x13a: {  	s2 =	sadd.s32 $0x9600, s7;
	[smem:$0x72D] =	sst s1  }
0x13b: {  	s4 =	sadd.s32 $0x9680, s7;
	[smem:$0x72E] =	sst s2  }
0x13c: {  	s8 =	sadd.s32 $0x9700, s7;
	[smem:$0x72F] =	sst s4  }
0x13d: {  	s9 =	sadd.s32 $0x9780, s7;
	[smem:$0x730] =	sst s8  }
0x13e: {  	s10 =	sadd.s32 $0x9800, s7;
	[smem:$0x731] =	sst s9  }
0x13f: {  	s11 =	sadd.s32 $0x9880, s7;
	[smem:$0x732] =	sst s10  }
0x140: {  	s12 =	sadd.s32 $0x9900, s7;
	[smem:$0x733] =	sst s11  }
0x141: {  	[smem:$0x734] =	sst s12;
	s13 =	sadd.s32 $0x9980, s7  }
0x142: {  	s14 =	sadd.s32 $0x9A00, s7;
	[smem:$0x735] =	sst s13  }
0x143: {  	s15 =	sadd.s32 $0x9A80, s7;
	[smem:$0x736] =	sst s14  }
0x144: {  	s16 =	sadd.s32 $0x9B00, s7;
	[smem:$0x737] =	sst s15  }
0x145: {  	s17 =	sadd.s32 $0x9B80, s7;
	[smem:$0x738] =	sst s16  }
0x146: {  	s18 =	sadd.s32 $0x9C00, s7;
	[smem:$0x739] =	sst s17  }
0x147: {  	s19 =	sadd.s32 $0x9C80, s7;
	[smem:$0x73A] =	sst s18  }
0x148: {  	s20 =	sadd.s32 $0x9D00, s7;
	[smem:$0x73B] =	sst s19  }
0x149: {  	s21 =	sadd.s32 $0x9D80, s7;
	[smem:$0x73C] =	sst s20  }
0x14a: {  	s22 =	sadd.s32 $0x9E00, s7;
	[smem:$0x73D] =	sst s21  }
0x14b: {  	s23 =	sadd.s32 $0x9E80, s7;
	[smem:$0x73E] =	sst s22  }
0x14c: {  	s28 =	sadd.s32 $0x9F00, s7;
	[smem:$0x73F] =	sst s23  }
0x14d: {  	s29 =	sadd.s32 $0x9F80, s7;
	[smem:$0x740] =	sst s28  }
0x14e: {  	s30 =	sadd.s32 $0xA080, s7;
	[smem:$0x741] =	sst s29  }
0x14f: {  	s31 =	sadd.s32 $0xA100, s7;
	[smem:$0x742] =	sst s30  }
0x150: {  	s1 =	sadd.s32 $0xA180, s7;
	[smem:$0x743] =	sst s31  }
0x151: {  	s2 =	sadd.s32 $0xA200, s7;
	[smem:$0x744] =	sst s1  }
0x152: {  	s4 =	sadd.s32 $0xA280, s7;
	[smem:$0x745] =	sst s2  }
0x153: {  	s8 =	sadd.s32 $0xA300, s7;
	[smem:$0x746] =	sst s4  }
0x154: {  	s9 =	sadd.s32 $0xA380, s7;
	[smem:$0x747] =	sst s8  }
0x155: {  	s10 =	sadd.s32 $0xA400, s7;
	[smem:$0x748] =	sst s9  }
0x156: {  	s11 =	sadd.s32 $0xA480, s7;
	[smem:$0x749] =	sst s10  }
0x157: {  	s12 =	sadd.s32 $0xA500, s7;
	[smem:$0x74A] =	sst s11  }
0x158: {  	[smem:$0x74B] =	sst s12;
	s13 =	sadd.s32 $0xA580, s7  }
0x159: {  	s14 =	sadd.s32 $0xA600, s7;
	[smem:$0x74C] =	sst s13  }
0x15a: {  	s15 =	sadd.s32 $0xA680, s7;
	[smem:$0x74D] =	sst s14  }
0x15b: {  	s16 =	sadd.s32 $0xA700, s7;
	[smem:$0x74E] =	sst s15  }
0x15c: {  	s17 =	sadd.s32 $0xA780, s7;
	[smem:$0x74F] =	sst s16  }
0x15d: {  	s18 =	sadd.s32 $0xA800, s7;
	[smem:$0x750] =	sst s17  }
0x15e: {  	s19 =	sadd.s32 $0xA880, s7;
	[smem:$0x751] =	sst s18  }
0x15f: {  	s20 =	sadd.s32 $0xA900, s7;
	[smem:$0x752] =	sst s19  }
0x160: {  	s21 =	sadd.s32 $0xA980, s7;
	[smem:$0x753] =	sst s20  }
0x161: {  	s22 =	sadd.s32 $0xAA00, s7;
	[smem:$0x754] =	sst s21  }
0x162: {  	s23 =	sadd.s32 $0xAA80, s7;
	[smem:$0x755] =	sst s22  }
0x163: {  	s28 =	sadd.s32 $0xAB00, s7;
	[smem:$0x756] =	sst s23  }
0x164: {  	s29 =	sadd.s32 $0xAB80, s7;
	[smem:$0x757] =	sst s28  }
0x165: {  	s30 =	sadd.s32 $0xAC00, s7;
	[smem:$0x758] =	sst s29  }
0x166: {  	s31 =	sadd.s32 $0xAC80, s7;
	[smem:$0x759] =	sst s30  }
0x167: {  	s1 =	sadd.s32 $0xAD00, s7;
	[smem:$0x75A] =	sst s31  }
0x168: {  	s2 =	sadd.s32 $0xAD80, s7;
	[smem:$0x75B] =	sst s1  }
0x169: {  	s4 =	sadd.s32 $0xAE00, s7;
	[smem:$0x75C] =	sst s2  }
0x16a: {  	s8 =	sadd.s32 $0xAE80, s7;
	[smem:$0x75D] =	sst s4  }
0x16b: {  	s9 =	sadd.s32 $0xAF00, s7;
	[smem:$0x75E] =	sst s8  }
0x16c: {  	s10 =	sadd.s32 $0xAF80, s7;
	[smem:$0x75F] =	sst s9  }
0x16d: {  	s11 =	sadd.s32 $0xB080, s7;
	[smem:$0x760] =	sst s10  }
0x16e: {  	s12 =	sadd.s32 $0xB100, s7;
	[smem:$0x761] =	sst s11  }
0x16f: {  	[smem:$0x762] =	sst s12;
	s13 =	sadd.s32 $0xB180, s7  }
0x170: {  	s14 =	sadd.s32 $0xB200, s7;
	[smem:$0x763] =	sst s13  }
0x171: {  	s15 =	sadd.s32 $0xB280, s7;
	[smem:$0x764] =	sst s14  }
0x172: {  	s16 =	sadd.s32 $0xB300, s7;
	[smem:$0x765] =	sst s15  }
0x173: {  	s17 =	sadd.s32 $0xB380, s7;
	[smem:$0x766] =	sst s16  }
0x174: {  	s18 =	sadd.s32 $0xB400, s7;
	[smem:$0x767] =	sst s17  }
0x175: {  	s19 =	sadd.s32 $0xB480, s7;
	[smem:$0x768] =	sst s18  }
0x176: {  	s20 =	sadd.s32 $0xB500, s7;
	[smem:$0x769] =	sst s19  }
0x177: {  	s21 =	sadd.s32 $0xB580, s7;
	[smem:$0x76A] =	sst s20  }
0x178: {  	s22 =	sadd.s32 $0xB600, s7;
	[smem:$0x76B] =	sst s21  }
0x179: {  	s23 =	sadd.s32 $0xB680, s7;
	[smem:$0x76C] =	sst s22  }
0x17a: {  	s28 =	sadd.s32 $0xB700, s7;
	[smem:$0x76D] =	sst s23  }
0x17b: {  	s29 =	sadd.s32 $0xB780, s7;
	[smem:$0x76E] =	sst s28  }
0x17c: {  	s30 =	sadd.s32 $0xB800, s7;
	[smem:$0x76F] =	sst s29  }
0x17d: {  	s31 =	sadd.s32 $0xB880, s7;
	[smem:$0x770] =	sst s30  }
0x17e: {  	s1 =	sadd.s32 $0xB900, s7;
	[smem:$0x771] =	sst s31  }
0x17f: {  	s2 =	sadd.s32 $0xB980, s7;
	[smem:$0x772] =	sst s1  }
0x180: {  	s4 =	sadd.s32 $0xBA00, s7;
	[smem:$0x773] =	sst s2  }
0x181: {  	s8 =	sadd.s32 $0xBA80, s7;
	[smem:$0x774] =	sst s4  }
0x182: {  	s9 =	sadd.s32 $0xBB00, s7;
	[smem:$0x775] =	sst s8  }
0x183: {  	s10 =	sadd.s32 $0xBB80, s7;
	[smem:$0x776] =	sst s9  }
0x184: {  	s11 =	sadd.s32 $0xBC00, s7;
	[smem:$0x777] =	sst s10  }
0x185: {  	s12 =	sadd.s32 $0xBC80, s7;
	[smem:$0x778] =	sst s11  }
0x186: {  	[smem:$0x779] =	sst s12;
	s13 =	sadd.s32 $0xBD00, s7  }
0x187: {  	s14 =	sadd.s32 $0xBD80, s7;
	[smem:$0x77A] =	sst s13  }
0x188: {  	s15 =	sadd.s32 $0xBE00, s7;
	[smem:$0x77B] =	sst s14  }
0x189: {  	s16 =	sadd.s32 $0xBE80, s7;
	[smem:$0x77C] =	sst s15  }
0x18a: {  	s17 =	sadd.s32 $0xBF00, s7;
	[smem:$0x77D] =	sst s16  }
0x18b: {  	s18 =	sadd.s32 $0xBF80, s7;
	[smem:$0x77E] =	sst s17  }
0x18c: {  	s19 =	sadd.s32 $0xC080, s7;
	[smem:$0x77F] =	sst s18  }
0x18d: {  	s20 =	sadd.s32 $0xC100, s7;
	[smem:$0x780] =	sst s19  }
0x18e: {  	s21 =	sadd.s32 $0xC180, s7;
	[smem:$0x781] =	sst s20  }
0x18f: {  	s22 =	sadd.s32 $0xC200, s7;
	[smem:$0x782] =	sst s21  }
0x190: {  	s23 =	sadd.s32 $0xC280, s7;
	[smem:$0x783] =	sst s22  }
0x191: {  	s28 =	sadd.s32 $0xC300, s7;
	[smem:$0x784] =	sst s23  }
0x192: {  	s29 =	sadd.s32 $0xC380, s7;
	[smem:$0x785] =	sst s28  }
0x193: {  	s30 =	sadd.s32 $0xC400, s7;
	[smem:$0x786] =	sst s29  }
0x194: {  	s31 =	sadd.s32 $0xC480, s7;
	[smem:$0x787] =	sst s30  }
0x195: {  	s1 =	sadd.s32 $0xC500, s7;
	[smem:$0x788] =	sst s31  }
0x196: {  	s2 =	sadd.s32 $0xC580, s7;
	[smem:$0x789] =	sst s1  }
0x197: {  	s4 =	sadd.s32 $0xC600, s7;
	[smem:$0x78A] =	sst s2  }
0x198: {  	s8 =	sadd.s32 $0xC680, s7;
	[smem:$0x78B] =	sst s4  }
0x199: {  	s9 =	sadd.s32 $0xC700, s7;
	[smem:$0x78C] =	sst s8  }
0x19a: {  	s10 =	sadd.s32 $0xC780, s7;
	[smem:$0x78D] =	sst s9  }
0x19b: {  	s11 =	sadd.s32 $0xC800, s7;
	[smem:$0x78E] =	sst s10  }
0x19c: {  	s12 =	sadd.s32 $0xC880, s7;
	[smem:$0x78F] =	sst s11  }
0x19d: {  	[smem:$0x790] =	sst s12;
	s13 =	sadd.s32 $0xC900, s7  }
0x19e: {  	s14 =	sadd.s32 $0xC980, s7;
	[smem:$0x791] =	sst s13  }
0x19f: {  	s15 =	sadd.s32 $0xCA00, s7;
	[smem:$0x792] =	sst s14  }
0x1a0: {  	s16 =	sadd.s32 $0xCA80, s7;
	[smem:$0x793] =	sst s15  }
0x1a1: {  	s17 =	sadd.s32 $0xCB00, s7;
	[smem:$0x794] =	sst s16  }
0x1a2: {  	s18 =	sadd.s32 $0xCB80, s7;
	[smem:$0x795] =	sst s17  }
0x1a3: {  	s19 =	sadd.s32 $0xCC00, s7;
	[smem:$0x796] =	sst s18  }
0x1a4: {  	s20 =	sadd.s32 $0xCC80, s7;
	[smem:$0x797] =	sst s19  }
0x1a5: {  	s21 =	sadd.s32 $0xCD00, s7;
	[smem:$0x798] =	sst s20  }
0x1a6: {  	s22 =	sadd.s32 $0xCD80, s7;
	[smem:$0x799] =	sst s21  }
0x1a7: {  	s23 =	sadd.s32 $0xCE00, s7;
	[smem:$0x79A] =	sst s22  }
0x1a8: {  	s28 =	sadd.s32 $0xCE80, s7;
	[smem:$0x79B] =	sst s23  }
0x1a9: {  	s29 =	sadd.s32 $0xCF00, s7;
	[smem:$0x79C] =	sst s28  }
0x1aa: {  	s30 =	sadd.s32 $0xCF80, s7;
	[smem:$0x79D] =	sst s29  }
0x1ab: {  	s31 =	sadd.s32 $0xD080, s7;
	[smem:$0x79E] =	sst s30  }
0x1ac: {  	s1 =	sadd.s32 $0xD100, s7;
	[smem:$0x79F] =	sst s31  }
0x1ad: {  	s2 =	sadd.s32 $0xD180, s7;
	[smem:$0x7A0] =	sst s1  }
0x1ae: {  	s4 =	sadd.s32 $0xD200, s7;
	[smem:$0x7A1] =	sst s2  }
0x1af: {  	s8 =	sadd.s32 $0xD280, s7;
	[smem:$0x7A2] =	sst s4  }
0x1b0: {  	s9 =	sadd.s32 $0xD300, s7;
	[smem:$0x7A3] =	sst s8  }
0x1b1: {  	s10 =	sadd.s32 $0xD380, s7;
	[smem:$0x7A4] =	sst s9  }
0x1b2: {  	s11 =	sadd.s32 $0xD400, s7;
	[smem:$0x7A5] =	sst s10  }
0x1b3: {  	s12 =	sadd.s32 $0xD480, s7;
	[smem:$0x7A6] =	sst s11  }
0x1b4: {  	[smem:$0x7A7] =	sst s12;
	s13 =	sadd.s32 $0xD500, s7  }
0x1b5: {  	s14 =	sadd.s32 $0xD580, s7;
	[smem:$0x7A8] =	sst s13  }
0x1b6: {  	s15 =	sadd.s32 $0xD600, s7;
	[smem:$0x7A9] =	sst s14  }
0x1b7: {  	s16 =	sadd.s32 $0xD680, s7;
	[smem:$0x7AA] =	sst s15  }
0x1b8: {  	s17 =	sadd.s32 $0xD700, s7;
	[smem:$0x7AB] =	sst s16  }
0x1b9: {  	s18 =	sadd.s32 $0xD780, s7;
	[smem:$0x7AC] =	sst s17  }
0x1ba: {  	s19 =	sadd.s32 $0xD800, s7;
	[smem:$0x7AD] =	sst s18  }
0x1bb: {  	s20 =	sadd.s32 $0xD880, s7;
	[smem:$0x7AE] =	sst s19  }
0x1bc: {  	s21 =	sadd.s32 $0xD900, s7;
	[smem:$0x7AF] =	sst s20  }
0x1bd: {  	s22 =	sadd.s32 $0xD980, s7;
	[smem:$0x7B0] =	sst s21  }
0x1be: {  	s23 =	sadd.s32 $0xDA00, s7;
	[smem:$0x7B1] =	sst s22  }
0x1bf: {  	s28 =	sadd.s32 $0xDA80, s7;
	[smem:$0x7B2] =	sst s23  }
0x1c0: {  	s29 =	sadd.s32 $0xDB00, s7;
	[smem:$0x7B3] =	sst s28  }
0x1c1: {  	s30 =	sadd.s32 $0xDB80, s7;
	[smem:$0x7B4] =	sst s29  }
0x1c2: {  	s31 =	sadd.s32 $0xDC00, s7;
	[smem:$0x7B5] =	sst s30  }
0x1c3: {  	s1 =	sadd.s32 $0xDC80, s7;
	[smem:$0x7B6] =	sst s31  }
0x1c4: {  	s2 =	sadd.s32 $0xDD00, s7;
	[smem:$0x7B7] =	sst s1  }
0x1c5: {  	s4 =	sadd.s32 $0xDD80, s7;
	[smem:$0x7B8] =	sst s2  }
0x1c6: {  	s8 =	sadd.s32 $0xDE00, s7;
	[smem:$0x7B9] =	sst s4  }
0x1c7: {  	s9 =	sadd.s32 $0xDE80, s7;
	[smem:$0x7BA] =	sst s8  }
0x1c8: {  	s10 =	sadd.s32 $0xDF00, s7;
	[smem:$0x7BB] =	sst s9  }
0x1c9: {  	s11 =	sadd.s32 $0xDF80, s7;
	[smem:$0x7BC] =	sst s10  }
0x1ca: {  	s12 =	sadd.s32 $0xE080, s7;
	[smem:$0x7BD] =	sst s11  }
0x1cb: {  	[smem:$0x7BE] =	sst s12;
	s13 =	sadd.s32 $0xE100, s7  }
0x1cc: {  	s14 =	sadd.s32 $0xE180, s7;
	[smem:$0x7BF] =	sst s13  }
0x1cd: {  	s15 =	sadd.s32 $0xE200, s7;
	[smem:$0x7C0] =	sst s14  }
0x1ce: {  	s16 =	sadd.s32 $0xE280, s7;
	[smem:$0x7C1] =	sst s15  }
0x1cf: {  	s17 =	sadd.s32 $0xE300, s7;
	[smem:$0x7C2] =	sst s16  }
0x1d0: {  	s18 =	sadd.s32 $0xE380, s7;
	[smem:$0x7C3] =	sst s17  }
0x1d1: {  	s19 =	sadd.s32 $0xE400, s7;
	[smem:$0x7C4] =	sst s18  }
0x1d2: {  	s20 =	sadd.s32 $0xE480, s7;
	[smem:$0x7C5] =	sst s19  }
0x1d3: {  	s21 =	sadd.s32 $0xE500, s7;
	[smem:$0x7C6] =	sst s20  }
0x1d4: {  	s22 =	sadd.s32 $0xE580, s7;
	[smem:$0x7C7] =	sst s21  }
0x1d5: {  	s23 =	sadd.s32 $0xE600, s7;
	[smem:$0x7C8] =	sst s22  }
0x1d6: {  	s28 =	sadd.s32 $0xE680, s7;
	[smem:$0x7C9] =	sst s23  }
0x1d7: {  	s29 =	sadd.s32 $0xE700, s7;
	[smem:$0x7CA] =	sst s28  }
0x1d8: {  	s30 =	sadd.s32 $0xE780, s7;
	[smem:$0x7CB] =	sst s29  }
0x1d9: {  	s31 =	sadd.s32 $0xE800, s7;
	[smem:$0x7CC] =	sst s30  }
0x1da: {  	s1 =	sadd.s32 $0xE880, s7;
	[smem:$0x7CD] =	sst s31  }
0x1db: {  	s2 =	sadd.s32 $0xE900, s7;
	[smem:$0x7CE] =	sst s1  }
0x1dc: {  	s4 =	sadd.s32 $0xE980, s7;
	[smem:$0x7CF] =	sst s2  }
0x1dd: {  	s8 =	sadd.s32 $0xEA00, s7;
	[smem:$0x7D0] =	sst s4  }
0x1de: {  	s9 =	sadd.s32 $0xEA80, s7;
	[smem:$0x7D1] =	sst s8  }
0x1df: {  	s10 =	sadd.s32 $0xEB00, s7;
	[smem:$0x7D2] =	sst s9  }
0x1e0: {  	s11 =	sadd.s32 $0xEB80, s7;
	[smem:$0x7D3] =	sst s10  }
0x1e1: {  	s12 =	sadd.s32 $0xEC00, s7;
	[smem:$0x7D4] =	sst s11  }
0x1e2: {  	[smem:$0x7D5] =	sst s12;
	s13 =	sadd.s32 $0xEC80, s7  }
0x1e3: {  	s14 =	sadd.s32 $0xED00, s7;
	[smem:$0x7D6] =	sst s13  }
0x1e4: {  	s15 =	sadd.s32 $0xED80, s7;
	[smem:$0x7D7] =	sst s14  }
0x1e5: {  	s16 =	sadd.s32 $0xEE00, s7;
	[smem:$0x7D8] =	sst s15  }
0x1e6: {  	s17 =	sadd.s32 $0xEE80, s7;
	[smem:$0x7D9] =	sst s16  }
0x1e7: {  	s18 =	sadd.s32 $0xEF00, s7;
	[smem:$0x7DA] =	sst s17  }
0x1e8: {  	s19 =	sadd.s32 $0xEF80, s7;
	[smem:$0x7DB] =	sst s18  }
0x1e9: {  	s20 =	sadd.s32 $0xF080, s7;
	[smem:$0x7DC] =	sst s19  }
0x1ea: {  	s21 =	sadd.s32 $0xF100, s7;
	[smem:$0x7DD] =	sst s20  }
0x1eb: {  	s22 =	sadd.s32 $0xF180, s7;
	[smem:$0x7DE] =	sst s21  }
0x1ec: {  	s23 =	sadd.s32 $0xF200, s7;
	[smem:$0x7DF] =	sst s22  }
0x1ed: {  	s28 =	sadd.s32 $0xF280, s7;
	[smem:$0x7E0] =	sst s23  }
0x1ee: {  	s29 =	sadd.s32 $0xF300, s7;
	[smem:$0x7E1] =	sst s28  }
0x1ef: {  	s30 =	sadd.s32 $0xF380, s7;
	[smem:$0x7E2] =	sst s29  }
0x1f0: {  	s31 =	sadd.s32 $0xF400, s7;
	[smem:$0x7E3] =	sst s30  }
0x1f1: {  	s1 =	sadd.s32 $0xF480, s7;
	[smem:$0x7E4] =	sst s31  }
0x1f2: {  	s2 =	sadd.s32 $0xF500, s7;
	[smem:$0x7E5] =	sst s1  }
0x1f3: {  	s4 =	sadd.s32 $0xF580, s7;
	[smem:$0x7E6] =	sst s2  }
0x1f4: {  	s8 =	sadd.s32 $0xF600, s7;
	[smem:$0x7E7] =	sst s4  }
0x1f5: {  	s9 =	sadd.s32 $0xF680, s7;
	[smem:$0x7E8] =	sst s8  }
0x1f6: {  	s10 =	sadd.s32 $0xF700, s7;
	[smem:$0x7E9] =	sst s9  }
0x1f7: {  	s11 =	sadd.s32 $0xF780, s7;
	[smem:$0x7EA] =	sst s10  }
0x1f8: {  	s12 =	sadd.s32 $0xF800, s7;
	[smem:$0x7EB] =	sst s11  }
0x1f9: {  	[smem:$0x7EC] =	sst s12;
	s13 =	sadd.s32 $0xF880, s7  }
0x1fa: {  	s14 =	sadd.s32 $0xF900, s7;
	[smem:$0x7ED] =	sst s13  }
0x1fb: {  	s15 =	sadd.s32 $0xF980, s7;
	[smem:$0x7EE] =	sst s14  }
0x1fc: {  	s16 =	sadd.s32 $0xFA00, s7;
	[smem:$0x7EF] =	sst s15  }
0x1fd: {  	s17 =	sadd.s32 $0xFA80, s7;
	[smem:$0x7F0] =	sst s16  }
0x1fe: {  	s18 =	sadd.s32 $0xFB00, s7;
	[smem:$0x7F1] =	sst s17  }
0x1ff: {  	s19 =	sadd.s32 $0xFB80, s7;
	[smem:$0x7F2] =	sst s18  }
0x200: {  	s20 =	sadd.s32 $0xFC00, s7;
	[smem:$0x7F3] =	sst s19  }
0x201: {  	s21 =	sadd.s32 $0xFC80, s7;
	[smem:$0x7F4] =	sst s20  }
0x202: {  	s22 =	sadd.s32 $0xFD00, s7;
	[smem:$0x7F5] =	sst s21  }
0x203: {  	s23 =	sadd.s32 $0xFD80, s7;
	[smem:$0x7F6] =	sst s22  }
0x204: {  	s28 =	sadd.s32 $0xFE00, s7;
	[smem:$0x7F7] =	sst s23  }
0x205: {  	s29 =	sadd.s32 $0xFE80, s7;
	[smem:$0x7F8] =	sst s28  }
0x206: {  	v0 =	vmov s24;
	s24 =	simm.s32 $0x80;
	s30 =	sadd.s32 $0xFF00, s7;
	[smem:$0x7F9] =	sst s29  }
0x207: {  	s31 =	sadd.s32 $0xFF80, s7;
	s11 =	simm.s32 $0x3;
	[smem:$0x7FA] =	sst s30  }
0x208: {  	v1 =	vimm.f32 $0.0e+00;
	s1 =	simm.s32 $0x0;
	[smem:$0x7FB] =	sst s31;
	s23 =	simm.s32 $0x2  }
.LBB2_1:
0x209: {  	s0 =	sand.u32 $0x70, s5;
	s4 =	sand.u32 $0x3E00, s5  }
0x20a: {  	s4 =	sor.u32 s0, s4  }
0x20b: {  	[smem:$0x615] =	sst s1;
	s0 =	simm.s32 $0x10;
	[tilespmem:s4+$0x12800] =	vst v1;
	s4 =	simm.s32 $0x0  }
.LBB2_2:
0x20c: {  	p0 =	sne.s32 s0, $0xFF0  }
.Ltmp0:
0x20d: {  	_ = 	snop;
	(pc) =	sbr.rel @p0 .LBB2_2-.Ltmp0, $4  }
0x20e: {  	s4 =	sadd.s32 $0x40, s4  }
0x20f: {  	s8 =	sand.u32 $0x70, s0;
	s9 =	sand.u32 $0x3E00, s4  }
0x210: {  	s8 =	sor.u32 s8, s9  }
0x211: {  	s0 =	sadd.s32 $0x10, s0;
	[tilespmem:s8+$0x12800] =	vst v1  }
0x212: {  	s0 =	simm.s32 $0x12800;
	s17 =	rddreg [dreg:$0x16]  }
0x213: {  	[spmem:s7] =	stream.linear.scatter [tilespmem:s0], [sflag:$0x3], $0x80, $0x38;
	[tilespmem:$0x19800] =	vst v63  }
0x214: {  	s1 =	simm.s32 $0x12A00;
	s18 =	rddreg [dreg:$0x17]  }
0x215: {  	[spmem:s17] =	stream.linear.scatter [tilespmem:s1], [sflag:$0x3], $0x80, $0x38;
	[tilespmem:$0x19800] =	vst v63  }
0x216: {  	s19 =	simm.s32 $0x12C00;
	s20 =	rddreg [dreg:$0x18]  }
0x217: {  	[spmem:s18] =	stream.linear.scatter [tilespmem:s19], [sflag:$0x3], $0x80, $0x38;
	[tilespmem:$0x19800] =	vst v63  }
0x218: {  	s21 =	simm.s32 $0x12E00;
	s22 =	rddreg [dreg:$0x19]  }
0x219: {  	[spmem:s20] =	stream.linear.scatter [tilespmem:s21], [sflag:$0x3], $0x80, $0x38;
	[tilespmem:$0x19800] =	vst v63  }
0x21a: {  	s28 =	simm.s32 $0x13000;
	s29 =	rddreg [dreg:$0x1a]  }
0x21b: {  	[spmem:s22] =	stream.linear.scatter [tilespmem:s28], [sflag:$0x3], $0x80, $0x38;
	[tilespmem:$0x19800] =	vst v63  }
0x21c: {  	s30 =	simm.s32 $0x13200;
	s31 =	rddreg [dreg:$0x1b]  }
0x21d: {  	[spmem:s29] =	stream.linear.scatter [tilespmem:s30], [sflag:$0x3], $0x80, $0x38;
	[tilespmem:$0x19800] =	vst v63  }
0x21e: {  	s2 =	rddreg [dreg:$0x1d];
	s30 =	simm.s32 $0x13400  }
0x21f: {  	[spmem:s31] =	stream.linear.scatter [tilespmem:s30], [sflag:$0x3], $0x80, $0x38;
	[tilespmem:$0x19800] =	vst v63  }
0x220: {  	s1 =	rddreg [dreg:$0x1c];
	s31 =	simm.s32 $0x13600  }
0x221: {  	[spmem:s1] =	stream.linear.scatter [tilespmem:s31], [sflag:$0x3], $0x80, $0x38;
	[tilespmem:$0x19800] =	vst v63  }
0x222: {  	s4 =	simm.s32 $0x13800;
	s6 =	rddreg [dreg:$0x1e]  }
0x223: {  	[spmem:s2] =	stream.linear.scatter [tilespmem:s4], [sflag:$0x3], $0x80, $0x38;
	[tilespmem:$0x19800] =	vst v63  }
0x224: {  	s9 =	rddreg [dreg:$0x1f];
	s7 =	simm.s32 $0x13A00  }
0x225: {  	[spmem:s6] =	stream.linear.scatter [tilespmem:s7], [sflag:$0x3], $0x80, $0x38;
	[tilespmem:$0x19800] =	vst v63  }
0x226: {  	s14 =	simm.s32 $0x13C00;
	s15 =	sld [smem:$0x616]  }
0x227: {  	[spmem:s9] =	stream.linear.scatter [tilespmem:s14], [sflag:$0x3], $0x80, $0x38;
	[tilespmem:$0x19800] =	vst v63  }
0x228: {  	s16 =	simm.s32 $0x13E00;
	s17 =	sld [smem:$0x617]  }
0x229: {  	[spmem:s15] =	stream.linear.scatter [tilespmem:s16], [sflag:$0x3], $0x80, $0x38;
	[tilespmem:$0x19800] =	vst v63  }
0x22a: {  	s18 =	simm.s32 $0x14000;
	s19 =	sld [smem:$0x618]  }
0x22b: {  	[spmem:s17] =	stream.linear.scatter [tilespmem:s18], [sflag:$0x3], $0x80, $0x38;
	[tilespmem:$0x19800] =	vst v63  }
0x22c: {  	s20 =	simm.s32 $0x14200;
	s21 =	sld [smem:$0x619]  }
0x22d: {  	[spmem:s19] =	stream.linear.scatter [tilespmem:s20], [sflag:$0x3], $0x80, $0x38;
	[tilespmem:$0x19800] =	vst v63  }
0x22e: {  	s22 =	simm.s32 $0x14400;
	s28 =	sld [smem:$0x61A]  }
0x22f: {  	[spmem:s21] =	stream.linear.scatter [tilespmem:s22], [sflag:$0x3], $0x80, $0x38;
	[tilespmem:$0x19800] =	vst v63  }
0x230: {  	s29 =	simm.s32 $0x14600;
	s1 =	sld [smem:$0x61B]  }
0x231: {  	[spmem:s28] =	stream.linear.scatter [tilespmem:s29], [sflag:$0x3], $0x80, $0x38;
	[tilespmem:$0x19800] =	vst v63  }
0x232: {  	s4 =	simm.s32 $0x14800;
	s6 =	sld [smem:$0x61C]  }
0x233: {  	[spmem:s1] =	stream.linear.scatter [tilespmem:s4], [sflag:$0x3], $0x80, $0x38;
	[tilespmem:$0x19800] =	vst v63  }
0x234: {  	s7 =	simm.s32 $0x14A00;
	s9 =	sld [smem:$0x61D]  }
0x235: {  	[spmem:s6] =	stream.linear.scatter [tilespmem:s7], [sflag:$0x3], $0x80, $0x38;
	[tilespmem:$0x19800] =	vst v63  }
0x236: {  	s14 =	simm.s32 $0x14C00;
	s15 =	sld [smem:$0x61E]  }
0x237: {  	[spmem:s9] =	stream.linear.scatter [tilespmem:s14], [sflag:$0x3], $0x80, $0x38;
	[tilespmem:$0x19800] =	vst v63  }
0x238: {  	s16 =	simm.s32 $0x14E00;
	s17 =	sld [smem:$0x61F]  }
0x239: {  	[spmem:s15] =	stream.linear.scatter [tilespmem:s16], [sflag:$0x3], $0x80, $0x38;
	[tilespmem:$0x19800] =	vst v63  }
0x23a: {  	s18 =	simm.s32 $0x15000;
	s19 =	sld [smem:$0x620]  }
0x23b: {  	[spmem:s17] =	stream.linear.scatter [tilespmem:s18], [sflag:$0x3], $0x80, $0x38;
	[tilespmem:$0x19800] =	vst v63  }
0x23c: {  	s20 =	simm.s32 $0x15200;
	s21 =	sld [smem:$0x621]  }
0x23d: {  	[spmem:s19] =	stream.linear.scatter [tilespmem:s20], [sflag:$0x3], $0x80, $0x38;
	[tilespmem:$0x19800] =	vst v63  }
0x23e: {  	s22 =	simm.s32 $0x15400;
	s28 =	sld [smem:$0x622]  }
0x23f: {  	[spmem:s21] =	stream.linear.scatter [tilespmem:s22], [sflag:$0x3], $0x80, $0x38;
	[tilespmem:$0x19800] =	vst v63  }
0x240: {  	s29 =	simm.s32 $0x15600;
	s1 =	sld [smem:$0x623]  }
0x241: {  	[spmem:s28] =	stream.linear.scatter [tilespmem:s29], [sflag:$0x3], $0x80, $0x38;
	[tilespmem:$0x19800] =	vst v63  }
0x242: {  	s4 =	simm.s32 $0x15800;
	s6 =	sld [smem:$0x624]  }
0x243: {  	[spmem:s1] =	stream.linear.scatter [tilespmem:s4], [sflag:$0x3], $0x80, $0x38;
	[tilespmem:$0x19800] =	vst v63  }
0x244: {  	s7 =	simm.s32 $0x15A00;
	s14 =	sld [smem:$0x625]  }
0x245: {  	[spmem:s6] =	stream.linear.scatter [tilespmem:s7], [sflag:$0x3], $0x80, $0x38;
	[tilespmem:$0x19800] =	vst v63  }
0x246: {  	s15 =	simm.s32 $0x15C00;
	s16 =	sld [smem:$0x626]  }
0x247: {  	[spmem:s14] =	stream.linear.scatter [tilespmem:s15], [sflag:$0x3], $0x80, $0x38;
	[tilespmem:$0x19800] =	vst v63  }
0x248: {  	s17 =	simm.s32 $0x15E00  }
0x249: {  	[spmem:s16] =	stream.linear.scatter [tilespmem:s17], [sflag:$0x3], $0x80, $0x38;
	[tilespmem:$0x19800] =	vst v63  }
0x24a: {  	s0 =	sld [smem:$0x627];
	_ =	sdelay $0x1  }
0x24b: {  	s18 =	simm.s32 $0x16000;
	s19 =	sld [smem:$0x628]  }
0x24c: {  	[spmem:s0] =	stream.linear.scatter [tilespmem:s18], [sflag:$0x3], $0x80, $0x38;
	[tilespmem:$0x19800] =	vst v63  }
0x24d: {  	s20 =	simm.s32 $0x16200;
	s21 =	sld [smem:$0x629]  }
0x24e: {  	[spmem:s19] =	stream.linear.scatter [tilespmem:s20], [sflag:$0x3], $0x80, $0x38;
	[tilespmem:$0x19800] =	vst v63  }
0x24f: {  	s22 =	simm.s32 $0x16400;
	s28 =	sld [smem:$0x62A]  }
0x250: {  	[spmem:s21] =	stream.linear.scatter [tilespmem:s22], [sflag:$0x3], $0x80, $0x38;
	[tilespmem:$0x19800] =	vst v63  }
0x251: {  	s29 =	simm.s32 $0x16600  }
0x252: {  	[spmem:s28] =	stream.linear.scatter [tilespmem:s29], [sflag:$0x3], $0x80, $0x38;
	[tilespmem:$0x19800] =	vst v63  }
0x253: {  	_ =	swait.ge [sflag:s11], $0x1000  }
0x254: {  	[sflag:s11] =	ssyncset.done $0x0;
	s14 =	rddreg [dreg:$0x5]  }
0x255: {  	s1 =	simm.s32 $0x12800;
	s15 =	sld [smem:$0x62B];
	[sflag:s11] =	ssyncadd.s32 $0xFFFFF000  }
0x256: {  	[spmem:s14] =	stream.linear.scatter [tilespmem:s1], [sflag:$0x3], $0x80, $0x38;
	[tilespmem:$0x19800] =	vst v63  }
0x257: {  	s8 =	simm.s32 $0x12A00;
	s16 =	sld [smem:$0x62C]  }
0x258: {  	[spmem:s15] =	stream.linear.scatter [tilespmem:s8], [sflag:$0x3], $0x80, $0x38;
	[tilespmem:$0x19800] =	vst v63  }
0x259: {  	s10 =	simm.s32 $0x12C00;
	s17 =	sld [smem:$0x62D]  }
0x25a: {  	[spmem:s16] =	stream.linear.scatter [tilespmem:s10], [sflag:$0x3], $0x80, $0x38;
	[tilespmem:$0x19800] =	vst v63  }
0x25b: {  	s18 =	sld [smem:$0x62E];
	s11 =	simm.s32 $0x12E00  }
0x25c: {  	[spmem:s17] =	stream.linear.scatter [tilespmem:s11], [sflag:$0x3], $0x80, $0x38;
	[tilespmem:$0x19800] =	vst v63  }
0x25d: {  	s12 =	simm.s32 $0x13000;
	s19 =	sld [smem:$0x62F]  }
0x25e: {  	[spmem:s18] =	stream.linear.scatter [tilespmem:s12], [sflag:$0x3], $0x80, $0x38;
	[tilespmem:$0x19800] =	vst v63  }
0x25f: {  	s13 =	simm.s32 $0x13200;
	s20 =	sld [smem:$0x630]  }
0x260: {  	[spmem:s19] =	stream.linear.scatter [tilespmem:s13], [sflag:$0x3], $0x80, $0x38;
	[tilespmem:$0x19800] =	vst v63  }
0x261: {  	s21 =	sld [smem:$0x631]  }
0x262: {  	[spmem:s20] =	stream.linear.scatter [tilespmem:s30], [sflag:$0x3], $0x80, $0x38;
	[tilespmem:$0x19800] =	vst v63  }
0x263: {  	s22 =	sld [smem:$0x632]  }
0x264: {  	[spmem:s21] =	stream.linear.scatter [tilespmem:s31], [sflag:$0x3], $0x80, $0x38;
	[tilespmem:$0x19800] =	vst v63  }
0x265: {  	s29 =	sld [smem:$0x633];
	s12 =	simm.s32 $0x13800  }
0x266: {  	[spmem:s22] =	stream.linear.scatter [tilespmem:s12], [sflag:$0x3], $0x80, $0x38;
	[tilespmem:$0x19800] =	vst v63  }
0x267: {  	s8 =	sld [smem:$0x634];
	s13 =	simm.s32 $0x13A00  }
0x268: {  	[spmem:s29] =	stream.linear.scatter [tilespmem:s13], [sflag:$0x3], $0x80, $0x38;
	[tilespmem:$0x19800] =	vst v63  }
0x269: {  	s14 =	simm.s32 $0x13C00;
	s10 =	sld [smem:$0x635]  }
0x26a: {  	[spmem:s8] =	stream.linear.scatter [tilespmem:s14], [sflag:$0x3], $0x80, $0x38;
	[tilespmem:$0x19800] =	vst v63  }
0x26b: {  	s15 =	simm.s32 $0x13E00;
	s16 =	sld [smem:$0x636]  }
0x26c: {  	[spmem:s10] =	stream.linear.scatter [tilespmem:s15], [sflag:$0x3], $0x80, $0x38;
	[tilespmem:$0x19800] =	vst v63  }
0x26d: {  	s2 =	simm.s32 $0x14000;
	s17 =	sld [smem:$0x637]  }
0x26e: {  	[spmem:s16] =	stream.linear.scatter [tilespmem:s2], [sflag:$0x3], $0x80, $0x38;
	[tilespmem:$0x19800] =	vst v63  }
0x26f: {  	s18 =	sld [smem:$0x638];
	s8 =	simm.s32 $0x14200  }
0x270: {  	[spmem:s17] =	stream.linear.scatter [tilespmem:s8], [sflag:$0x3], $0x80, $0x38;
	[tilespmem:$0x19800] =	vst v63  }
0x271: {  	s19 =	sld [smem:$0x639];
	s16 =	simm.s32 $0x14400  }
0x272: {  	[spmem:s18] =	stream.linear.scatter [tilespmem:s16], [sflag:$0x3], $0x80, $0x38;
	[tilespmem:$0x19800] =	vst v63  }
0x273: {  	s20 =	sld [smem:$0x63A];
	s17 =	simm.s32 $0x14600  }
0x274: {  	[spmem:s19] =	stream.linear.scatter [tilespmem:s17], [sflag:$0x3], $0x80, $0x38;
	[tilespmem:$0x19800] =	vst v63  }
0x275: {  	s21 =	sld [smem:$0x63B];
	s18 =	simm.s32 $0x14800  }
0x276: {  	[spmem:s20] =	stream.linear.scatter [tilespmem:s18], [sflag:$0x3], $0x80, $0x38;
	[tilespmem:$0x19800] =	vst v63  }
0x277: {  	s22 =	sld [smem:$0x63C];
	s19 =	simm.s32 $0x14A00  }
0x278: {  	[spmem:s21] =	stream.linear.scatter [tilespmem:s19], [sflag:$0x3], $0x80, $0x38;
	[tilespmem:$0x19800] =	vst v63  }
0x279: {  	s29 =	sld [smem:$0x63D];
	s20 =	simm.s32 $0x14C00  }
0x27a: {  	[spmem:s22] =	stream.linear.scatter [tilespmem:s20], [sflag:$0x3], $0x80, $0x38;
	[tilespmem:$0x19800] =	vst v63  }
0x27b: {  	s2 =	sld [smem:$0x63E];
	s21 =	simm.s32 $0x14E00  }
0x27c: {  	[spmem:s29] =	stream.linear.scatter [tilespmem:s21], [sflag:$0x3], $0x80, $0x38;
	[tilespmem:$0x19800] =	vst v63  }
0x27d: {  	s10 =	sld [smem:$0x63F];
	s22 =	simm.s32 $0x15000  }
0x27e: {  	[spmem:s2] =	stream.linear.scatter [tilespmem:s22], [sflag:$0x3], $0x80, $0x38;
	[tilespmem:$0x19800] =	vst v63  }
0x27f: {  	s9 =	simm.s32 $0x15200;
	s29 =	sld [smem:$0x640]  }
0x280: {  	[spmem:s10] =	stream.linear.scatter [tilespmem:s9], [sflag:$0x3], $0x80, $0x38;
	[tilespmem:$0x19800] =	vst v63  }
0x281: {  	s2 =	sld [smem:$0x641];
	s10 =	simm.s32 $0x15400  }
0x282: {  	[spmem:s29] =	stream.linear.scatter [tilespmem:s10], [sflag:$0x3], $0x80, $0x38;
	[tilespmem:$0x19800] =	vst v63  }
0x283: {  	s9 =	simm.s32 $0x15600;
	s29 =	sld [smem:$0x642]  }
0x284: {  	[spmem:s2] =	stream.linear.scatter [tilespmem:s9], [sflag:$0x3], $0x80, $0x38;
	[tilespmem:$0x19800] =	vst v63  }
0x285: {  	s2 =	simm.s32 $0x15800  }
0x286: {  	[spmem:s29] =	stream.linear.scatter [tilespmem:s2], [sflag:$0x3], $0x80, $0x38;
	[tilespmem:$0x19800] =	vst v63  }
0x287: {  	s29 =	sld [smem:$0x643];
	_ =	sdelay $0x1  }
0x288: {  	s4 =	simm.s32 $0x15A00  }
0x289: {  	[spmem:s29] =	stream.linear.scatter [tilespmem:s4], [sflag:$0x3], $0x80, $0x38;
	[tilespmem:$0x19800] =	vst v63  }
0x28a: {  	s29 =	sld [smem:$0x644];
	_ =	sdelay $0x1  }
0x28b: {  	s4 =	simm.s32 $0x15C00  }
0x28c: {  	[spmem:s29] =	stream.linear.scatter [tilespmem:s4], [sflag:$0x3], $0x80, $0x38;
	[tilespmem:$0x19800] =	vst v63  }
0x28d: {  	s29 =	sld [smem:$0x645];
	_ =	sdelay $0x1  }
0x28e: {  	s6 =	simm.s32 $0x15E00  }
0x28f: {  	[spmem:s29] =	stream.linear.scatter [tilespmem:s6], [sflag:$0x3], $0x80, $0x38;
	[tilespmem:$0x19800] =	vst v63  }
0x290: {  	s29 =	sld [smem:$0x646];
	_ =	sdelay $0x1  }
0x291: {  	s6 =	simm.s32 $0x16000  }
0x292: {  	[spmem:s29] =	stream.linear.scatter [tilespmem:s6], [sflag:$0x3], $0x80, $0x38;
	[tilespmem:$0x19800] =	vst v63  }
0x293: {  	s29 =	sld [smem:$0x647];
	_ =	sdelay $0x1  }
0x294: {  	s7 =	simm.s32 $0x16200  }
0x295: {  	[spmem:s29] =	stream.linear.scatter [tilespmem:s7], [sflag:$0x3], $0x80, $0x38;
	[tilespmem:$0x19800] =	vst v63  }
0x296: {  	s29 =	sld [smem:$0x648];
	_ =	sdelay $0x1  }
0x297: {  	s0 =	sld [smem:$0x649];
	s7 =	simm.s32 $0x16400  }
0x298: {  	[spmem:s29] =	stream.linear.scatter [tilespmem:s7], [sflag:$0x3], $0x80, $0x38;
	[tilespmem:$0x19800] =	vst v63  }
0x299: {  	s28 =	simm.s32 $0x3;
	s29 =	simm.s32 $0x16600  }
0x29a: {  	[spmem:s0] =	stream.linear.scatter [tilespmem:s29], [sflag:$0x3], $0x80, $0x38;
	[tilespmem:$0x19800] =	vst v63  }
0x29b: {  	_ =	swait.ge [sflag:s28], $0x1000  }
0x29c: {  	[sflag:s28] =	ssyncset.done $0x0  }
0x29d: {  	s29 =	rddreg [dreg:$0x6];
	[sflag:s28] =	ssyncadd.s32 $0xFFFFF000  }
0x29e: {  	[spmem:s29] =	stream.linear.scatter [tilespmem:s1], [sflag:$0x3], $0x80, $0x38;
	[tilespmem:$0x19800] =	vst v63  }
0x29f: {  	s1 =	sld [smem:$0x64A];
	_ =	sdelay $0x1  }
0x2a0: {  	s0 =	sld [smem:$0x64B];
	s29 =	simm.s32 $0x12A00  }
0x2a1: {  	[spmem:s1] =	stream.linear.scatter [tilespmem:s29], [sflag:$0x3], $0x80, $0x38;
	[tilespmem:$0x19800] =	vst v63  }
0x2a2: {  	s1 =	simm.s32 $0x12C00  }
0x2a3: {  	[spmem:s0] =	stream.linear.scatter [tilespmem:s1], [sflag:$0x3], $0x80, $0x38;
	[tilespmem:$0x19800] =	vst v63  }
0x2a4: {  	s1 =	sld [smem:$0x64C];
	_ =	sdelay $0x2  }
0x2a5: {  	[spmem:s1] =	stream.linear.scatter [tilespmem:s11], [sflag:$0x3], $0x80, $0x38;
	[tilespmem:$0x19800] =	vst v63  }
0x2a6: {  	s1 =	sld [smem:$0x64D];
	_ =	sdelay $0x1  }
0x2a7: {  	s11 =	simm.s32 $0x13000  }
0x2a8: {  	[spmem:s1] =	stream.linear.scatter [tilespmem:s11], [sflag:$0x3], $0x80, $0x38;
	[tilespmem:$0x19800] =	vst v63  }
0x2a9: {  	s1 =	sld [smem:$0x64E];
	_ =	sdelay $0x1  }
0x2aa: {  	s11 =	simm.s32 $0x13200  }
0x2ab: {  	[spmem:s1] =	stream.linear.scatter [tilespmem:s11], [sflag:$0x3], $0x80, $0x38;
	[tilespmem:$0x19800] =	vst v63  }
0x2ac: {  	s1 =	sld [smem:$0x64F];
	_ =	sdelay $0x2  }
0x2ad: {  	[spmem:s1] =	stream.linear.scatter [tilespmem:s30], [sflag:$0x3], $0x80, $0x38;
	[tilespmem:$0x19800] =	vst v63  }
0x2ae: {  	s1 =	sld [smem:$0x650];
	_ =	sdelay $0x2  }
0x2af: {  	[spmem:s1] =	stream.linear.scatter [tilespmem:s31], [sflag:$0x3], $0x80, $0x38;
	[tilespmem:$0x19800] =	vst v63  }
0x2b0: {  	s1 =	sld [smem:$0x651];
	_ =	sdelay $0x2  }
0x2b1: {  	[spmem:s1] =	stream.linear.scatter [tilespmem:s12], [sflag:$0x3], $0x80, $0x38;
	[tilespmem:$0x19800] =	vst v63  }
0x2b2: {  	s12 =	sld [smem:$0x652];
	_ =	sdelay $0x2  }
0x2b3: {  	[spmem:s12] =	stream.linear.scatter [tilespmem:s13], [sflag:$0x3], $0x80, $0x38;
	[tilespmem:$0x19800] =	vst v63  }
0x2b4: {  	s13 =	sld [smem:$0x653];
	_ =	sdelay $0x1  }
0x2b5: {  	s1 =	sld [smem:$0x654]  }
0x2b6: {  	[spmem:s13] =	stream.linear.scatter [tilespmem:s14], [sflag:$0x3], $0x80, $0x38;
	[tilespmem:$0x19800] =	vst v63  }
0x2b7: {  	s12 =	sld [smem:$0x655]  }
0x2b8: {  	[spmem:s1] =	stream.linear.scatter [tilespmem:s15], [sflag:$0x3], $0x80, $0x38;
	[tilespmem:$0x19800] =	vst v63  }
0x2b9: {  	s13 =	simm.s32 $0x14000;
	s14 =	sld [smem:$0x656]  }
0x2ba: {  	[spmem:s12] =	stream.linear.scatter [tilespmem:s13], [sflag:$0x3], $0x80, $0x38;
	[tilespmem:$0x19800] =	vst v63  }
0x2bb: {  	s15 =	sld [smem:$0x657]  }
0x2bc: {  	[spmem:s14] =	stream.linear.scatter [tilespmem:s8], [sflag:$0x3], $0x80, $0x38;
	[tilespmem:$0x19800] =	vst v63  }
0x2bd: {  	_ = 	snop  }
0x2be: {  	[spmem:s15] =	stream.linear.scatter [tilespmem:s16], [sflag:$0x3], $0x80, $0x38;
	[tilespmem:$0x19800] =	vst v63  }
0x2bf: {  	s16 =	sld [smem:$0x658];
	_ =	sdelay $0x2  }
0x2c0: {  	[spmem:s16] =	stream.linear.scatter [tilespmem:s17], [sflag:$0x3], $0x80, $0x38;
	[tilespmem:$0x19800] =	vst v63  }
0x2c1: {  	s17 =	sld [smem:$0x659];
	_ =	sdelay $0x2  }
0x2c2: {  	[spmem:s17] =	stream.linear.scatter [tilespmem:s18], [sflag:$0x3], $0x80, $0x38;
	[tilespmem:$0x19800] =	vst v63  }
0x2c3: {  	s18 =	sld [smem:$0x65A];
	_ =	sdelay $0x2  }
0x2c4: {  	[spmem:s18] =	stream.linear.scatter [tilespmem:s19], [sflag:$0x3], $0x80, $0x38;
	[tilespmem:$0x19800] =	vst v63  }
0x2c5: {  	s19 =	sld [smem:$0x65B];
	_ =	sdelay $0x1  }
0x2c6: {  	s1 =	sld [smem:$0x65C]  }
0x2c7: {  	[spmem:s19] =	stream.linear.scatter [tilespmem:s20], [sflag:$0x3], $0x80, $0x38;
	[tilespmem:$0x19800] =	vst v63  }
0x2c8: {  	s8 =	sld [smem:$0x65D]  }
0x2c9: {  	[spmem:s1] =	stream.linear.scatter [tilespmem:s21], [sflag:$0x3], $0x80, $0x38;
	[tilespmem:$0x19800] =	vst v63  }
0x2ca: {  	s12 =	sld [smem:$0x65E]  }
0x2cb: {  	[spmem:s8] =	stream.linear.scatter [tilespmem:s22], [sflag:$0x3], $0x80, $0x38;
	[tilespmem:$0x19800] =	vst v63  }
0x2cc: {  	s13 =	sld [smem:$0x65F];
	s8 =	simm.s32 $0x15200  }
0x2cd: {  	[spmem:s12] =	stream.linear.scatter [tilespmem:s8], [sflag:$0x3], $0x80, $0x38;
	[tilespmem:$0x19800] =	vst v63  }
0x2ce: {  	s14 =	sld [smem:$0x660]  }
0x2cf: {  	[spmem:s13] =	stream.linear.scatter [tilespmem:s10], [sflag:$0x3], $0x80, $0x38;
	[tilespmem:$0x19800] =	vst v63  }
0x2d0: {  	s15 =	sld [smem:$0x661]  }
0x2d1: {  	[spmem:s14] =	stream.linear.scatter [tilespmem:s9], [sflag:$0x3], $0x80, $0x38;
	[tilespmem:$0x19800] =	vst v63  }
0x2d2: {  	s16 =	sld [smem:$0x662]  }
0x2d3: {  	[spmem:s15] =	stream.linear.scatter [tilespmem:s2], [sflag:$0x3], $0x80, $0x38;
	[tilespmem:$0x19800] =	vst v63  }
0x2d4: {  	s17 =	sld [smem:$0x663];
	s10 =	simm.s32 $0x15A00  }
0x2d5: {  	[spmem:s16] =	stream.linear.scatter [tilespmem:s10], [sflag:$0x3], $0x80, $0x38;
	[tilespmem:$0x19800] =	vst v63  }
0x2d6: {  	s18 =	sld [smem:$0x664]  }
0x2d7: {  	[spmem:s17] =	stream.linear.scatter [tilespmem:s4], [sflag:$0x3], $0x80, $0x38;
	[tilespmem:$0x19800] =	vst v63  }
0x2d8: {  	s19 =	sld [smem:$0x665];
	s2 =	simm.s32 $0x15E00  }
0x2d9: {  	[spmem:s18] =	stream.linear.scatter [tilespmem:s2], [sflag:$0x3], $0x80, $0x38;
	[tilespmem:$0x19800] =	vst v63  }
0x2da: {  	s20 =	sld [smem:$0x666]  }
0x2db: {  	[spmem:s19] =	stream.linear.scatter [tilespmem:s6], [sflag:$0x3], $0x80, $0x38;
	[tilespmem:$0x19800] =	vst v63  }
0x2dc: {  	s21 =	sld [smem:$0x667];
	s22 =	simm.s32 $0x16200  }
0x2dd: {  	[spmem:s20] =	stream.linear.scatter [tilespmem:s22], [sflag:$0x3], $0x80, $0x38;
	[tilespmem:$0x19800] =	vst v63  }
0x2de: {  	s1 =	sld [smem:$0x668]  }
0x2df: {  	[spmem:s21] =	stream.linear.scatter [tilespmem:s7], [sflag:$0x3], $0x80, $0x38;
	[tilespmem:$0x19800] =	vst v63  }
0x2e0: {  	s4 =	simm.s32 $0x16600  }
0x2e1: {  	[spmem:s1] =	stream.linear.scatter [tilespmem:s4], [sflag:$0x3], $0x80, $0x38;
	[tilespmem:$0x19800] =	vst v63  }
0x2e2: {  	_ =	swait.ge [sflag:s28], $0x1000  }
0x2e3: {  	[sflag:s28] =	ssyncset.done $0x0;
	s6 =	rddreg [dreg:$0x7]  }
0x2e4: {  	s1 =	simm.s32 $0x12800;
	s7 =	sld [smem:$0x669];
	[sflag:s28] =	ssyncadd.s32 $0xFFFFF000  }
0x2e5: {  	[spmem:s6] =	stream.linear.scatter [tilespmem:s1], [sflag:$0x3], $0x80, $0x38;
	[tilespmem:$0x19800] =	vst v63  }
0x2e6: {  	s9 =	sld [smem:$0x66A]  }
0x2e7: {  	[spmem:s7] =	stream.linear.scatter [tilespmem:s29], [sflag:$0x3], $0x80, $0x38;
	[tilespmem:$0x19800] =	vst v63  }
0x2e8: {  	s12 =	simm.s32 $0x12C00;
	s13 =	sld [smem:$0x66B]  }
0x2e9: {  	[spmem:s9] =	stream.linear.scatter [tilespmem:s12], [sflag:$0x3], $0x80, $0x38;
	[tilespmem:$0x19800] =	vst v63  }
0x2ea: {  	s14 =	sld [smem:$0x66C];
	s9 =	simm.s32 $0x12E00  }
0x2eb: {  	[spmem:s13] =	stream.linear.scatter [tilespmem:s9], [sflag:$0x3], $0x80, $0x38;
	[tilespmem:$0x19800] =	vst v63  }
0x2ec: {  	s15 =	simm.s32 $0x13000;
	s16 =	sld [smem:$0x66D]  }
0x2ed: {  	[spmem:s14] =	stream.linear.scatter [tilespmem:s15], [sflag:$0x3], $0x80, $0x38;
	[tilespmem:$0x19800] =	vst v63  }
0x2ee: {  	s17 =	sld [smem:$0x66E]  }
0x2ef: {  	[spmem:s16] =	stream.linear.scatter [tilespmem:s11], [sflag:$0x3], $0x80, $0x38;
	[tilespmem:$0x19800] =	vst v63  }
0x2f0: {  	s18 =	sld [smem:$0x66F]  }
0x2f1: {  	[spmem:s17] =	stream.linear.scatter [tilespmem:s30], [sflag:$0x3], $0x80, $0x38;
	[tilespmem:$0x19800] =	vst v63  }
0x2f2: {  	s19 =	sld [smem:$0x670]  }
0x2f3: {  	[spmem:s18] =	stream.linear.scatter [tilespmem:s31], [sflag:$0x3], $0x80, $0x38;
	[tilespmem:$0x19800] =	vst v63  }
0x2f4: {  	s20 =	sld [smem:$0x671];
	s11 =	simm.s32 $0x13800  }
0x2f5: {  	[spmem:s19] =	stream.linear.scatter [tilespmem:s11], [sflag:$0x3], $0x80, $0x38;
	[tilespmem:$0x19800] =	vst v63  }
0x2f6: {  	s21 =	sld [smem:$0x672];
	s12 =	simm.s32 $0x13A00  }
0x2f7: {  	[spmem:s20] =	stream.linear.scatter [tilespmem:s12], [sflag:$0x3], $0x80, $0x38;
	[tilespmem:$0x19800] =	vst v63  }
0x2f8: {  	s4 =	sld [smem:$0x673];
	s13 =	simm.s32 $0x13C00  }
0x2f9: {  	[spmem:s21] =	stream.linear.scatter [tilespmem:s13], [sflag:$0x3], $0x80, $0x38;
	[tilespmem:$0x19800] =	vst v63  }
0x2fa: {  	s6 =	sld [smem:$0x674];
	s14 =	simm.s32 $0x13E00  }
0x2fb: {  	[spmem:s4] =	stream.linear.scatter [tilespmem:s14], [sflag:$0x3], $0x80, $0x38;
	[tilespmem:$0x19800] =	vst v63  }
0x2fc: {  	s7 =	simm.s32 $0x14000;
	s15 =	sld [smem:$0x675]  }
0x2fd: {  	[spmem:s6] =	stream.linear.scatter [tilespmem:s7], [sflag:$0x3], $0x80, $0x38;
	[tilespmem:$0x19800] =	vst v63  }
0x2fe: {  	s16 =	sld [smem:$0x676];
	s4 =	simm.s32 $0x14200  }
0x2ff: {  	[spmem:s15] =	stream.linear.scatter [tilespmem:s4], [sflag:$0x3], $0x80, $0x38;
	[tilespmem:$0x19800] =	vst v63  }
0x300: {  	s17 =	sld [smem:$0x677];
	s15 =	simm.s32 $0x14400  }
0x301: {  	[spmem:s16] =	stream.linear.scatter [tilespmem:s15], [sflag:$0x3], $0x80, $0x38;
	[tilespmem:$0x19800] =	vst v63  }
0x302: {  	s18 =	sld [smem:$0x678];
	s16 =	simm.s32 $0x14600  }
0x303: {  	[spmem:s17] =	stream.linear.scatter [tilespmem:s16], [sflag:$0x3], $0x80, $0x38;
	[tilespmem:$0x19800] =	vst v63  }
0x304: {  	s19 =	sld [smem:$0x679];
	s17 =	simm.s32 $0x14800  }
0x305: {  	[spmem:s18] =	stream.linear.scatter [tilespmem:s17], [sflag:$0x3], $0x80, $0x38;
	[tilespmem:$0x19800] =	vst v63  }
0x306: {  	s20 =	sld [smem:$0x67A];
	s18 =	simm.s32 $0x14A00  }
0x307: {  	[spmem:s19] =	stream.linear.scatter [tilespmem:s18], [sflag:$0x3], $0x80, $0x38;
	[tilespmem:$0x19800] =	vst v63  }
0x308: {  	s21 =	sld [smem:$0x67B];
	s19 =	simm.s32 $0x14C00  }
0x309: {  	[spmem:s20] =	stream.linear.scatter [tilespmem:s19], [sflag:$0x3], $0x80, $0x38;
	[tilespmem:$0x19800] =	vst v63  }
0x30a: {  	s6 =	sld [smem:$0x67C];
	s20 =	simm.s32 $0x14E00  }
0x30b: {  	[spmem:s21] =	stream.linear.scatter [tilespmem:s20], [sflag:$0x3], $0x80, $0x38;
	[tilespmem:$0x19800] =	vst v63  }
0x30c: {  	s7 =	sld [smem:$0x67D];
	s21 =	simm.s32 $0x15000  }
0x30d: {  	[spmem:s6] =	stream.linear.scatter [tilespmem:s21], [sflag:$0x3], $0x80, $0x38;
	[tilespmem:$0x19800] =	vst v63  }
0x30e: {  	_ = 	snop  }
0x30f: {  	[spmem:s7] =	stream.linear.scatter [tilespmem:s8], [sflag:$0x3], $0x80, $0x38;
	[tilespmem:$0x19800] =	vst v63  }
0x310: {  	s8 =	sld [smem:$0x67E];
	_ =	sdelay $0x1  }
0x311: {  	s6 =	simm.s32 $0x15400;
	s7 =	sld [smem:$0x67F]  }
0x312: {  	[spmem:s8] =	stream.linear.scatter [tilespmem:s6], [sflag:$0x3], $0x80, $0x38;
	[tilespmem:$0x19800] =	vst v63  }
0x313: {  	s0 =	sld [smem:$0x680];
	s8 =	simm.s32 $0x15600  }
0x314: {  	[spmem:s7] =	stream.linear.scatter [tilespmem:s8], [sflag:$0x3], $0x80, $0x38;
	[tilespmem:$0x19800] =	vst v63  }
0x315: {  	s7 =	simm.s32 $0x15800  }
0x316: {  	[spmem:s0] =	stream.linear.scatter [tilespmem:s7], [sflag:$0x3], $0x80, $0x38;
	[tilespmem:$0x19800] =	vst v63  }
0x317: {  	s0 =	sld [smem:$0x681];
	_ =	sdelay $0x2  }
0x318: {  	[spmem:s0] =	stream.linear.scatter [tilespmem:s10], [sflag:$0x3], $0x80, $0x38;
	[tilespmem:$0x19800] =	vst v63  }
0x319: {  	s0 =	sld [smem:$0x682];
	_ =	sdelay $0x1  }
0x31a: {  	s10 =	simm.s32 $0x15C00  }
0x31b: {  	[spmem:s0] =	stream.linear.scatter [tilespmem:s10], [sflag:$0x3], $0x80, $0x38;
	[tilespmem:$0x19800] =	vst v63  }
0x31c: {  	s0 =	sld [smem:$0x683];
	_ =	sdelay $0x2  }
0x31d: {  	[spmem:s0] =	stream.linear.scatter [tilespmem:s2], [sflag:$0x3], $0x80, $0x38;
	[tilespmem:$0x19800] =	vst v63  }
0x31e: {  	s0 =	sld [smem:$0x684];
	_ =	sdelay $0x1  }
0x31f: {  	s2 =	simm.s32 $0x16000  }
0x320: {  	[spmem:s0] =	stream.linear.scatter [tilespmem:s2], [sflag:$0x3], $0x80, $0x38;
	[tilespmem:$0x19800] =	vst v63  }
0x321: {  	s0 =	sld [smem:$0x685];
	_ =	sdelay $0x2  }
0x322: {  	[spmem:s0] =	stream.linear.scatter [tilespmem:s22], [sflag:$0x3], $0x80, $0x38;
	[tilespmem:$0x19800] =	vst v63  }
0x323: {  	s0 =	sld [smem:$0x686];
	_ =	sdelay $0x1  }
0x324: {  	s22 =	simm.s32 $0x16400  }
0x325: {  	[spmem:s0] =	stream.linear.scatter [tilespmem:s22], [sflag:$0x3], $0x80, $0x38;
	[tilespmem:$0x19800] =	vst v63  }
0x326: {  	s0 =	sld [smem:$0x687];
	_ =	sdelay $0x1  }
0x327: {  	s22 =	simm.s32 $0x16600  }
0x328: {  	[spmem:s0] =	stream.linear.scatter [tilespmem:s22], [sflag:$0x3], $0x80, $0x38;
	[tilespmem:$0x19800] =	vst v63  }
0x329: {  	_ =	swait.ge [sflag:s28], $0x1000  }
0x32a: {  	[sflag:s28] =	ssyncset.done $0x0  }
0x32b: {  	s22 =	rddreg [dreg:$0x8];
	[sflag:s28] =	ssyncadd.s32 $0xFFFFF000  }
0x32c: {  	[spmem:s22] =	stream.linear.scatter [tilespmem:s1], [sflag:$0x3], $0x80, $0x38;
	[tilespmem:$0x19800] =	vst v63  }
0x32d: {  	s1 =	sld [smem:$0x688];
	_ =	sdelay $0x1  }
0x32e: {  	s22 =	simm.s32 $0x12A00  }
0x32f: {  	[spmem:s1] =	stream.linear.scatter [tilespmem:s22], [sflag:$0x3], $0x80, $0x38;
	[tilespmem:$0x19800] =	vst v63  }
0x330: {  	s1 =	sld [smem:$0x689];
	_ =	sdelay $0x1  }
0x331: {  	s22 =	simm.s32 $0x12C00  }
0x332: {  	[spmem:s1] =	stream.linear.scatter [tilespmem:s22], [sflag:$0x3], $0x80, $0x38;
	[tilespmem:$0x19800] =	vst v63  }
0x333: {  	s1 =	sld [smem:$0x68A];
	_ =	sdelay $0x2  }
0x334: {  	[spmem:s1] =	stream.linear.scatter [tilespmem:s9], [sflag:$0x3], $0x80, $0x38;
	[tilespmem:$0x19800] =	vst v63  }
0x335: {  	s9 =	sld [smem:$0x68B];
	_ =	sdelay $0x1  }
0x336: {  	s22 =	simm.s32 $0x13000;
	s1 =	sld [smem:$0x68C]  }
0x337: {  	[spmem:s9] =	stream.linear.scatter [tilespmem:s22], [sflag:$0x3], $0x80, $0x38;
	[tilespmem:$0x19800] =	vst v63  }
0x338: {  	s29 =	simm.s32 $0x13200;
	s9 =	sld [smem:$0x68D]  }
0x339: {  	[spmem:s1] =	stream.linear.scatter [tilespmem:s29], [sflag:$0x3], $0x80, $0x38;
	[tilespmem:$0x19800] =	vst v63  }
0x33a: {  	s22 =	sld [smem:$0x68E]  }
0x33b: {  	[spmem:s9] =	stream.linear.scatter [tilespmem:s30], [sflag:$0x3], $0x80, $0x38;
	[tilespmem:$0x19800] =	vst v63  }
0x33c: {  	s1 =	sld [smem:$0x68F]  }
0x33d: {  	[spmem:s22] =	stream.linear.scatter [tilespmem:s31], [sflag:$0x3], $0x80, $0x38;
	[tilespmem:$0x19800] =	vst v63  }
0x33e: {  	s9 =	sld [smem:$0x690]  }
0x33f: {  	[spmem:s1] =	stream.linear.scatter [tilespmem:s11], [sflag:$0x3], $0x80, $0x38;
	[tilespmem:$0x19800] =	vst v63  }
0x340: {  	s22 =	sld [smem:$0x691]  }
0x341: {  	[spmem:s9] =	stream.linear.scatter [tilespmem:s12], [sflag:$0x3], $0x80, $0x38;
	[tilespmem:$0x19800] =	vst v63  }
0x342: {  	s1 =	sld [smem:$0x692]  }
0x343: {  	[spmem:s22] =	stream.linear.scatter [tilespmem:s13], [sflag:$0x3], $0x80, $0x38;
	[tilespmem:$0x19800] =	vst v63  }
0x344: {  	s12 =	sld [smem:$0x693]  }
0x345: {  	[spmem:s1] =	stream.linear.scatter [tilespmem:s14], [sflag:$0x3], $0x80, $0x38;
	[tilespmem:$0x19800] =	vst v63  }
0x346: {  	s13 =	sld [smem:$0x694];
	s1 =	simm.s32 $0x14000  }
0x347: {  	[spmem:s12] =	stream.linear.scatter [tilespmem:s1], [sflag:$0x3], $0x80, $0x38;
	[tilespmem:$0x19800] =	vst v63  }
0x348: {  	s14 =	sld [smem:$0x695]  }
0x349: {  	[spmem:s13] =	stream.linear.scatter [tilespmem:s4], [sflag:$0x3], $0x80, $0x38;
	[tilespmem:$0x19800] =	vst v63  }
0x34a: {  	_ = 	snop  }
0x34b: {  	[spmem:s14] =	stream.linear.scatter [tilespmem:s15], [sflag:$0x3], $0x80, $0x38;
	[tilespmem:$0x19800] =	vst v63  }
0x34c: {  	s15 =	sld [smem:$0x696];
	_ =	sdelay $0x2  }
0x34d: {  	[spmem:s15] =	stream.linear.scatter [tilespmem:s16], [sflag:$0x3], $0x80, $0x38;
	[tilespmem:$0x19800] =	vst v63  }
0x34e: {  	s16 =	sld [smem:$0x697];
	_ =	sdelay $0x2  }
0x34f: {  	[spmem:s16] =	stream.linear.scatter [tilespmem:s17], [sflag:$0x3], $0x80, $0x38;
	[tilespmem:$0x19800] =	vst v63  }
0x350: {  	s17 =	sld [smem:$0x698];
	_ =	sdelay $0x2  }
0x351: {  	[spmem:s17] =	stream.linear.scatter [tilespmem:s18], [sflag:$0x3], $0x80, $0x38;
	[tilespmem:$0x19800] =	vst v63  }
0x352: {  	s18 =	sld [smem:$0x699];
	_ =	sdelay $0x2  }
0x353: {  	[spmem:s18] =	stream.linear.scatter [tilespmem:s19], [sflag:$0x3], $0x80, $0x38;
	[tilespmem:$0x19800] =	vst v63  }
0x354: {  	s19 =	sld [smem:$0x69A];
	_ =	sdelay $0x1  }
0x355: {  	s22 =	sld [smem:$0x69B]  }
0x356: {  	[spmem:s19] =	stream.linear.scatter [tilespmem:s20], [sflag:$0x3], $0x80, $0x38;
	[tilespmem:$0x19800] =	vst v63  }
0x357: {  	s16 =	sld [smem:$0x69C]  }
0x358: {  	[spmem:s22] =	stream.linear.scatter [tilespmem:s21], [sflag:$0x3], $0x80, $0x38;
	[tilespmem:$0x19800] =	vst v63  }
0x359: {  	s18 =	simm.s32 $0x15200;
	s21 =	sld [smem:$0x69D]  }
0x35a: {  	[spmem:s16] =	stream.linear.scatter [tilespmem:s18], [sflag:$0x3], $0x80, $0x38;
	[tilespmem:$0x19800] =	vst v63  }
0x35b: {  	s22 =	sld [smem:$0x69E]  }
0x35c: {  	[spmem:s21] =	stream.linear.scatter [tilespmem:s6], [sflag:$0x3], $0x80, $0x38;
	[tilespmem:$0x19800] =	vst v63  }
0x35d: {  	s6 =	sld [smem:$0x69F]  }
0x35e: {  	[spmem:s22] =	stream.linear.scatter [tilespmem:s8], [sflag:$0x3], $0x80, $0x38;
	[tilespmem:$0x19800] =	vst v63  }
0x35f: {  	_ = 	snop  }
0x360: {  	[spmem:s6] =	stream.linear.scatter [tilespmem:s7], [sflag:$0x3], $0x80, $0x38;
	[tilespmem:$0x19800] =	vst v63  }
0x361: {  	s7 =	sld [smem:$0x6A0];
	_ =	sdelay $0x1  }
0x362: {  	s16 =	simm.s32 $0x15A00;
	s18 =	sld [smem:$0x6A1]  }
0x363: {  	[spmem:s7] =	stream.linear.scatter [tilespmem:s16], [sflag:$0x3], $0x80, $0x38;
	[tilespmem:$0x19800] =	vst v63  }
0x364: {  	s21 =	sld [smem:$0x6A2]  }
0x365: {  	[spmem:s18] =	stream.linear.scatter [tilespmem:s10], [sflag:$0x3], $0x80, $0x38;
	[tilespmem:$0x19800] =	vst v63  }
0x366: {  	s22 =	simm.s32 $0x15E00;
	s16 =	sld [smem:$0x6A3]  }
0x367: {  	[spmem:s21] =	stream.linear.scatter [tilespmem:s22], [sflag:$0x3], $0x80, $0x38;
	[tilespmem:$0x19800] =	vst v63  }
0x368: {  	s18 =	sld [smem:$0x6A4]  }
0x369: {  	[spmem:s16] =	stream.linear.scatter [tilespmem:s2], [sflag:$0x3], $0x80, $0x38;
	[tilespmem:$0x19800] =	vst v63  }
0x36a: {  	s7 =	sld [smem:$0x6A5];
	s21 =	simm.s32 $0x16200  }
0x36b: {  	[spmem:s18] =	stream.linear.scatter [tilespmem:s21], [sflag:$0x3], $0x80, $0x38;
	[tilespmem:$0x19800] =	vst v63  }
0x36c: {  	s16 =	simm.s32 $0x16400;
	s18 =	sld [smem:$0x6A6]  }
0x36d: {  	[spmem:s7] =	stream.linear.scatter [tilespmem:s16], [sflag:$0x3], $0x80, $0x38;
	[tilespmem:$0x19800] =	vst v63  }
0x36e: {  	s21 =	simm.s32 $0x16600  }
0x36f: {  	[spmem:s18] =	stream.linear.scatter [tilespmem:s21], [sflag:$0x3], $0x80, $0x38;
	[tilespmem:$0x19800] =	vst v63  }
0x370: {  	_ =	swait.ge [sflag:s28], $0x1000  }
0x371: {  	[sflag:s28] =	ssyncset.done $0x0;
	s2 =	rddreg [dreg:$0x9]  }
0x372: {  	s16 =	simm.s32 $0x12800;
	s18 =	sld [smem:$0x6A7];
	[sflag:s28] =	ssyncadd.s32 $0xFFFFF000  }
0x373: {  	[spmem:s2] =	stream.linear.scatter [tilespmem:s16], [sflag:$0x3], $0x80, $0x38;
	[tilespmem:$0x19800] =	vst v63  }
0x374: {  	s21 =	simm.s32 $0x12A00;
	s2 =	sld [smem:$0x6A8]  }
0x375: {  	[spmem:s18] =	stream.linear.scatter [tilespmem:s21], [sflag:$0x3], $0x80, $0x38;
	[tilespmem:$0x19800] =	vst v63  }
0x376: {  	s16 =	simm.s32 $0x12C00;
	s18 =	sld [smem:$0x6A9]  }
0x377: {  	[spmem:s2] =	stream.linear.scatter [tilespmem:s16], [sflag:$0x3], $0x80, $0x38;
	[tilespmem:$0x19800] =	vst v63  }
0x378: {  	s21 =	simm.s32 $0x12E00;
	s16 =	sld [smem:$0x6AA]  }
0x379: {  	[spmem:s18] =	stream.linear.scatter [tilespmem:s21], [sflag:$0x3], $0x80, $0x38;
	[tilespmem:$0x19800] =	vst v63  }
0x37a: {  	s18 =	simm.s32 $0x13000;
	s21 =	sld [smem:$0x6AB]  }
0x37b: {  	[spmem:s16] =	stream.linear.scatter [tilespmem:s18], [sflag:$0x3], $0x80, $0x38;
	[tilespmem:$0x19800] =	vst v63  }
0x37c: {  	s2 =	sld [smem:$0x6AC]  }
0x37d: {  	[spmem:s21] =	stream.linear.scatter [tilespmem:s29], [sflag:$0x3], $0x80, $0x38;
	[tilespmem:$0x19800] =	vst v63  }
0x37e: {  	s16 =	sld [smem:$0x6AD]  }
0x37f: {  	[spmem:s2] =	stream.linear.scatter [tilespmem:s30], [sflag:$0x3], $0x80, $0x38;
	[tilespmem:$0x19800] =	vst v63  }
0x380: {  	s18 =	sld [smem:$0x6AE]  }
0x381: {  	[spmem:s16] =	stream.linear.scatter [tilespmem:s31], [sflag:$0x3], $0x80, $0x38;
	[tilespmem:$0x19800] =	vst v63  }
0x382: {  	s11 =	simm.s32 $0x13800;
	s21 =	sld [smem:$0x6AF]  }
0x383: {  	[spmem:s18] =	stream.linear.scatter [tilespmem:s11], [sflag:$0x3], $0x80, $0x38;
	[tilespmem:$0x19800] =	vst v63  }
0x384: {  	s9 =	simm.s32 $0x13A00;
	s2 =	sld [smem:$0x6B0]  }
0x385: {  	[spmem:s21] =	stream.linear.scatter [tilespmem:s9], [sflag:$0x3], $0x80, $0x38;
	[tilespmem:$0x19800] =	vst v63  }
0x386: {  	s11 =	sld [smem:$0x6B1];
	s9 =	simm.s32 $0x13C00  }
0x387: {  	[spmem:s2] =	stream.linear.scatter [tilespmem:s9], [sflag:$0x3], $0x80, $0x38;
	[tilespmem:$0x19800] =	vst v63  }
0x388: {  	s16 =	simm.s32 $0x13E00;
	s2 =	sld [smem:$0x6B2]  }
0x389: {  	[spmem:s11] =	stream.linear.scatter [tilespmem:s16], [sflag:$0x3], $0x80, $0x38;
	[tilespmem:$0x19800] =	vst v63  }
0x38a: {  	s9 =	sld [smem:$0x6B3]  }
0x38b: {  	[spmem:s2] =	stream.linear.scatter [tilespmem:s1], [sflag:$0x3], $0x80, $0x38;
	[tilespmem:$0x19800] =	vst v63  }
0x38c: {  	s4 =	simm.s32 $0x14200;
	s16 =	sld [smem:$0x6B4]  }
0x38d: {  	[spmem:s9] =	stream.linear.scatter [tilespmem:s4], [sflag:$0x3], $0x80, $0x38;
	[tilespmem:$0x19800] =	vst v63  }
0x38e: {  	s12 =	simm.s32 $0x14400;
	s1 =	sld [smem:$0x6B5]  }
0x38f: {  	[spmem:s16] =	stream.linear.scatter [tilespmem:s12], [sflag:$0x3], $0x80, $0x38;
	[tilespmem:$0x19800] =	vst v63  }
0x390: {  	s13 =	simm.s32 $0x14600;
	s4 =	sld [smem:$0x6B6]  }
0x391: {  	[spmem:s1] =	stream.linear.scatter [tilespmem:s13], [sflag:$0x3], $0x80, $0x38;
	[tilespmem:$0x19800] =	vst v63  }
0x392: {  	s15 =	simm.s32 $0x14800;
	s9 =	sld [smem:$0x6B7]  }
0x393: {  	[spmem:s4] =	stream.linear.scatter [tilespmem:s15], [sflag:$0x3], $0x80, $0x38;
	[tilespmem:$0x19800] =	vst v63  }
0x394: {  	s14 =	simm.s32 $0x14A00  }
0x395: {  	[spmem:s9] =	stream.linear.scatter [tilespmem:s14], [sflag:$0x3], $0x80, $0x38;
	[tilespmem:$0x19800] =	vst v63  }
0x396: {  	s14 =	sld [smem:$0x6B8];
	_ =	sdelay $0x1  }
0x397: {  	s17 =	simm.s32 $0x14C00;
	s1 =	sld [smem:$0x6B9]  }
0x398: {  	[spmem:s14] =	stream.linear.scatter [tilespmem:s17], [sflag:$0x3], $0x80, $0x38;
	[tilespmem:$0x19800] =	vst v63  }
0x399: {  	s19 =	simm.s32 $0x14E00;
	s4 =	sld [smem:$0x6BA]  }
0x39a: {  	[spmem:s1] =	stream.linear.scatter [tilespmem:s19], [sflag:$0x3], $0x80, $0x38;
	[tilespmem:$0x19800] =	vst v63  }
0x39b: {  	s20 =	simm.s32 $0x15000;
	s9 =	sld [smem:$0x6BB]  }
0x39c: {  	[spmem:s4] =	stream.linear.scatter [tilespmem:s20], [sflag:$0x3], $0x80, $0x38;
	[tilespmem:$0x19800] =	vst v63  }
0x39d: {  	s20 =	simm.s32 $0x15200;
	s4 =	sld [smem:$0x6BC]  }
0x39e: {  	[spmem:s9] =	stream.linear.scatter [tilespmem:s20], [sflag:$0x3], $0x80, $0x38;
	[tilespmem:$0x19800] =	vst v63  }
0x39f: {  	s9 =	simm.s32 $0x15400;
	s20 =	sld [smem:$0x6BD]  }
0x3a0: {  	[spmem:s4] =	stream.linear.scatter [tilespmem:s9], [sflag:$0x3], $0x80, $0x38;
	[tilespmem:$0x19800] =	vst v63  }
0x3a1: {  	s8 =	simm.s32 $0x15600;
	s1 =	sld [smem:$0x6BE]  }
0x3a2: {  	[spmem:s20] =	stream.linear.scatter [tilespmem:s8], [sflag:$0x3], $0x80, $0x38;
	[tilespmem:$0x19800] =	vst v63  }
0x3a3: {  	s6 =	simm.s32 $0x15800;
	s4 =	sld [smem:$0x6BF]  }
0x3a4: {  	[spmem:s1] =	stream.linear.scatter [tilespmem:s6], [sflag:$0x3], $0x80, $0x38;
	[tilespmem:$0x19800] =	vst v63  }
0x3a5: {  	s20 =	sld [smem:$0x6C0];
	s6 =	simm.s32 $0x15A00  }
0x3a6: {  	[spmem:s4] =	stream.linear.scatter [tilespmem:s6], [sflag:$0x3], $0x80, $0x38;
	[tilespmem:$0x19800] =	vst v63  }
0x3a7: {  	s10 =	simm.s32 $0x15C00;
	s1 =	sld [smem:$0x6C1]  }
0x3a8: {  	[spmem:s20] =	stream.linear.scatter [tilespmem:s10], [sflag:$0x3], $0x80, $0x38;
	[tilespmem:$0x19800] =	vst v63  }
0x3a9: {  	s22 =	simm.s32 $0x15E00;
	s4 =	sld [smem:$0x6C2]  }
0x3aa: {  	[spmem:s1] =	stream.linear.scatter [tilespmem:s22], [sflag:$0x3], $0x80, $0x38;
	[tilespmem:$0x19800] =	vst v63  }
0x3ab: {  	s20 =	simm.s32 $0x16000;
	s1 =	sld [smem:$0x6C3]  }
0x3ac: {  	[spmem:s4] =	stream.linear.scatter [tilespmem:s20], [sflag:$0x3], $0x80, $0x38;
	[tilespmem:$0x19800] =	vst v63  }
0x3ad: {  	s20 =	simm.s32 $0x16200  }
0x3ae: {  	[spmem:s1] =	stream.linear.scatter [tilespmem:s20], [sflag:$0x3], $0x80, $0x38;
	[tilespmem:$0x19800] =	vst v63  }
0x3af: {  	s20 =	sld [smem:$0x6C4];
	_ =	sdelay $0x1  }
0x3b0: {  	s7 =	simm.s32 $0x16400;
	s1 =	sld [smem:$0x6C5]  }
0x3b1: {  	[spmem:s20] =	stream.linear.scatter [tilespmem:s7], [sflag:$0x3], $0x80, $0x38;
	[tilespmem:$0x19800] =	vst v63  }
0x3b2: {  	s20 =	simm.s32 $0x16600  }
0x3b3: {  	[spmem:s1] =	stream.linear.scatter [tilespmem:s20], [sflag:$0x3], $0x80, $0x38;
	[tilespmem:$0x19800] =	vst v63  }
0x3b4: {  	_ =	swait.ge [sflag:s28], $0x1000  }
0x3b5: {  	[sflag:s28] =	ssyncset.done $0x0  }
0x3b6: {  	s20 =	simm.s32 $0x12800;
	s0 =	rddreg [dreg:$0xa];
	[sflag:s28] =	ssyncadd.s32 $0xFFFFF000  }
0x3b7: {  	[spmem:s0] =	stream.linear.scatter [tilespmem:s20], [sflag:$0x3], $0x80, $0x38;
	[tilespmem:$0x19800] =	vst v63  }
0x3b8: {  	s0 =	sld [smem:$0x6C6];
	_ =	sdelay $0x1  }
0x3b9: {  	s20 =	simm.s32 $0x12A00  }
0x3ba: {  	[spmem:s0] =	stream.linear.scatter [tilespmem:s20], [sflag:$0x3], $0x80, $0x38;
	[tilespmem:$0x19800] =	vst v63  }
0x3bb: {  	s0 =	sld [smem:$0x6C7];
	_ =	sdelay $0x1  }
0x3bc: {  	s20 =	simm.s32 $0x12C00  }
0x3bd: {  	[spmem:s0] =	stream.linear.scatter [tilespmem:s20], [sflag:$0x3], $0x80, $0x38;
	[tilespmem:$0x19800] =	vst v63  }
0x3be: {  	s0 =	sld [smem:$0x6C8];
	_ =	sdelay $0x1  }
0x3bf: {  	s20 =	simm.s32 $0x12E00  }
0x3c0: {  	[spmem:s0] =	stream.linear.scatter [tilespmem:s20], [sflag:$0x3], $0x80, $0x38;
	[tilespmem:$0x19800] =	vst v63  }
0x3c1: {  	s0 =	sld [smem:$0x6C9];
	_ =	sdelay $0x1  }
0x3c2: {  	s20 =	simm.s32 $0x13000  }
0x3c3: {  	[spmem:s0] =	stream.linear.scatter [tilespmem:s20], [sflag:$0x3], $0x80, $0x38;
	[tilespmem:$0x19800] =	vst v63  }
0x3c4: {  	s20 =	sld [smem:$0x6CA];
	_ =	sdelay $0x2  }
0x3c5: {  	[spmem:s20] =	stream.linear.scatter [tilespmem:s29], [sflag:$0x3], $0x80, $0x38;
	[tilespmem:$0x19800] =	vst v63  }
0x3c6: {  	s20 =	sld [smem:$0x6CB];
	_ =	sdelay $0x2  }
0x3c7: {  	[spmem:s20] =	stream.linear.scatter [tilespmem:s30], [sflag:$0x3], $0x80, $0x38;
	[tilespmem:$0x19800] =	vst v63  }
0x3c8: {  	s20 =	sld [smem:$0x6CC];
	_ =	sdelay $0x1  }
0x3c9: {  	s0 =	sld [smem:$0x6CD]  }
0x3ca: {  	[spmem:s20] =	stream.linear.scatter [tilespmem:s31], [sflag:$0x3], $0x80, $0x38;
	[tilespmem:$0x19800] =	vst v63  }
0x3cb: {  	s20 =	simm.s32 $0x13800  }
0x3cc: {  	[spmem:s0] =	stream.linear.scatter [tilespmem:s20], [sflag:$0x3], $0x80, $0x38;
	[tilespmem:$0x19800] =	vst v63  }
0x3cd: {  	s20 =	sld [smem:$0x6CE];
	_ =	sdelay $0x1  }
0x3ce: {  	s21 =	simm.s32 $0x13A00  }
0x3cf: {  	[spmem:s20] =	stream.linear.scatter [tilespmem:s21], [sflag:$0x3], $0x80, $0x38;
	[tilespmem:$0x19800] =	vst v63  }
0x3d0: {  	s20 =	sld [smem:$0x6CF];
	_ =	sdelay $0x1  }
0x3d1: {  	s18 =	simm.s32 $0x13C00  }
0x3d2: {  	[spmem:s20] =	stream.linear.scatter [tilespmem:s18], [sflag:$0x3], $0x80, $0x38;
	[tilespmem:$0x19800] =	vst v63  }
0x3d3: {  	s18 =	sld [smem:$0x6D0];
	_ =	sdelay $0x1  }
0x3d4: {  	s11 =	simm.s32 $0x13E00  }
0x3d5: {  	[spmem:s18] =	stream.linear.scatter [tilespmem:s11], [sflag:$0x3], $0x80, $0x38;
	[tilespmem:$0x19800] =	vst v63  }
0x3d6: {  	s18 =	sld [smem:$0x6D1];
	_ =	sdelay $0x1  }
0x3d7: {  	s2 =	simm.s32 $0x14000  }
0x3d8: {  	[spmem:s18] =	stream.linear.scatter [tilespmem:s2], [sflag:$0x3], $0x80, $0x38;
	[tilespmem:$0x19800] =	vst v63  }
0x3d9: {  	s2 =	sld [smem:$0x6D2];
	_ =	sdelay $0x1  }
0x3da: {  	s18 =	simm.s32 $0x14200  }
0x3db: {  	[spmem:s2] =	stream.linear.scatter [tilespmem:s18], [sflag:$0x3], $0x80, $0x38;
	[tilespmem:$0x19800] =	vst v63  }
0x3dc: {  	s2 =	sld [smem:$0x6D3];
	_ =	sdelay $0x1  }
0x3dd: {  	s12 =	simm.s32 $0x14400;
	s18 =	sld [smem:$0x6D4]  }
0x3de: {  	[spmem:s2] =	stream.linear.scatter [tilespmem:s12], [sflag:$0x3], $0x80, $0x38;
	[tilespmem:$0x19800] =	vst v63  }
0x3df: {  	s13 =	simm.s32 $0x14600;
	s2 =	sld [smem:$0x6D5]  }
0x3e0: {  	[spmem:s18] =	stream.linear.scatter [tilespmem:s13], [sflag:$0x3], $0x80, $0x38;
	[tilespmem:$0x19800] =	vst v63  }
0x3e1: {  	s16 =	simm.s32 $0x14800  }
0x3e2: {  	[spmem:s2] =	stream.linear.scatter [tilespmem:s16], [sflag:$0x3], $0x80, $0x38;
	[tilespmem:$0x19800] =	vst v63  }
0x3e3: {  	s16 =	sld [smem:$0x6D6];
	_ =	sdelay $0x1  }
0x3e4: {  	s15 =	simm.s32 $0x14A00;
	s2 =	sld [smem:$0x6D7]  }
0x3e5: {  	[spmem:s16] =	stream.linear.scatter [tilespmem:s15], [sflag:$0x3], $0x80, $0x38;
	[tilespmem:$0x19800] =	vst v63  }
0x3e6: {  	s14 =	simm.s32 $0x14C00  }
0x3e7: {  	[spmem:s2] =	stream.linear.scatter [tilespmem:s14], [sflag:$0x3], $0x80, $0x38;
	[tilespmem:$0x19800] =	vst v63  }
0x3e8: {  	s14 =	sld [smem:$0x6D8];
	_ =	sdelay $0x1  }
0x3e9: {  	s17 =	simm.s32 $0x14E00  }
0x3ea: {  	[spmem:s14] =	stream.linear.scatter [tilespmem:s17], [sflag:$0x3], $0x80, $0x38;
	[tilespmem:$0x19800] =	vst v63  }
0x3eb: {  	s17 =	sld [smem:$0x6D9];
	_ =	sdelay $0x1  }
0x3ec: {  	s19 =	simm.s32 $0x15000;
	s2 =	sld [smem:$0x6DA]  }
0x3ed: {  	[spmem:s17] =	stream.linear.scatter [tilespmem:s19], [sflag:$0x3], $0x80, $0x38;
	[tilespmem:$0x19800] =	vst v63  }
0x3ee: {  	s19 =	simm.s32 $0x15200  }
0x3ef: {  	[spmem:s2] =	stream.linear.scatter [tilespmem:s19], [sflag:$0x3], $0x80, $0x38;
	[tilespmem:$0x19800] =	vst v63  }
0x3f0: {  	s2 =	sld [smem:$0x6DB];
	_ =	sdelay $0x1  }
0x3f1: {  	s19 =	simm.s32 $0x15400  }
0x3f2: {  	[spmem:s2] =	stream.linear.scatter [tilespmem:s19], [sflag:$0x3], $0x80, $0x38;
	[tilespmem:$0x19800] =	vst v63  }
0x3f3: {  	s19 =	sld [smem:$0x6DC];
	_ =	sdelay $0x1  }
0x3f4: {  	s8 =	simm.s32 $0x15600;
	s2 =	sld [smem:$0x6DD]  }
0x3f5: {  	[spmem:s19] =	stream.linear.scatter [tilespmem:s8], [sflag:$0x3], $0x80, $0x38;
	[tilespmem:$0x19800] =	vst v63  }
0x3f6: {  	s9 =	simm.s32 $0x15800;
	s19 =	sld [smem:$0x6DE]  }
0x3f7: {  	[spmem:s2] =	stream.linear.scatter [tilespmem:s9], [sflag:$0x3], $0x80, $0x38;
	[tilespmem:$0x19800] =	vst v63  }
0x3f8: {  	s6 =	simm.s32 $0x15A00;
	s2 =	sld [smem:$0x6DF]  }
0x3f9: {  	[spmem:s19] =	stream.linear.scatter [tilespmem:s6], [sflag:$0x3], $0x80, $0x38;
	[tilespmem:$0x19800] =	vst v63  }
0x3fa: {  	s10 =	simm.s32 $0x15C00;
	s19 =	sld [smem:$0x6E0]  }
0x3fb: {  	[spmem:s2] =	stream.linear.scatter [tilespmem:s10], [sflag:$0x3], $0x80, $0x38;
	[tilespmem:$0x19800] =	vst v63  }
0x3fc: {  	s22 =	simm.s32 $0x15E00  }
0x3fd: {  	[spmem:s19] =	stream.linear.scatter [tilespmem:s22], [sflag:$0x3], $0x80, $0x38;
	[tilespmem:$0x19800] =	vst v63  }
0x3fe: {  	s22 =	sld [smem:$0x6E1];
	_ =	sdelay $0x1  }
0x3ff: {  	s4 =	simm.s32 $0x16000;
	s19 =	sld [smem:$0x6E2]  }
0x400: {  	[spmem:s22] =	stream.linear.scatter [tilespmem:s4], [sflag:$0x3], $0x80, $0x38;
	[tilespmem:$0x19800] =	vst v63  }
0x401: {  	s22 =	simm.s32 $0x16200  }
0x402: {  	[spmem:s19] =	stream.linear.scatter [tilespmem:s22], [sflag:$0x3], $0x80, $0x38;
	[tilespmem:$0x19800] =	vst v63  }
0x403: {  	s19 =	sld [smem:$0x6E3];
	_ =	sdelay $0x1  }
0x404: {  	s7 =	simm.s32 $0x16400;
	s22 =	sld [smem:$0x6E4]  }
0x405: {  	[spmem:s19] =	stream.linear.scatter [tilespmem:s7], [sflag:$0x3], $0x80, $0x38;
	[tilespmem:$0x19800] =	vst v63  }
0x406: {  	s1 =	simm.s32 $0x16600  }
0x407: {  	[spmem:s22] =	stream.linear.scatter [tilespmem:s1], [sflag:$0x3], $0x80, $0x38;
	[tilespmem:$0x19800] =	vst v63  }
0x408: {  	_ =	swait.ge [sflag:s28], $0x1000  }
0x409: {  	[sflag:s28] =	ssyncset.done $0x0  }
0x40a: {  	s22 =	simm.s32 $0x12800;
	s19 =	rddreg [dreg:$0xb];
	[sflag:s28] =	ssyncadd.s32 $0xFFFFF000  }
0x40b: {  	[spmem:s19] =	stream.linear.scatter [tilespmem:s22], [sflag:$0x3], $0x80, $0x38;
	[tilespmem:$0x19800] =	vst v63  }
0x40c: {  	s19 =	sld [smem:$0x6E5];
	_ =	sdelay $0x1  }
0x40d: {  	s22 =	simm.s32 $0x12A00  }
0x40e: {  	[spmem:s19] =	stream.linear.scatter [tilespmem:s22], [sflag:$0x3], $0x80, $0x38;
	[tilespmem:$0x19800] =	vst v63  }
0x40f: {  	s19 =	sld [smem:$0x6E6];
	_ =	sdelay $0x1  }
0x410: {  	s22 =	simm.s32 $0x12C00  }
0x411: {  	[spmem:s19] =	stream.linear.scatter [tilespmem:s22], [sflag:$0x3], $0x80, $0x38;
	[tilespmem:$0x19800] =	vst v63  }
0x412: {  	s19 =	sld [smem:$0x6E7];
	_ =	sdelay $0x1  }
0x413: {  	s22 =	simm.s32 $0x12E00  }
0x414: {  	[spmem:s19] =	stream.linear.scatter [tilespmem:s22], [sflag:$0x3], $0x80, $0x38;
	[tilespmem:$0x19800] =	vst v63  }
0x415: {  	s19 =	sld [smem:$0x6E8];
	_ =	sdelay $0x1  }
0x416: {  	s22 =	simm.s32 $0x13000  }
0x417: {  	[spmem:s19] =	stream.linear.scatter [tilespmem:s22], [sflag:$0x3], $0x80, $0x38;
	[tilespmem:$0x19800] =	vst v63  }
0x418: {  	s22 =	sld [smem:$0x6E9];
	_ =	sdelay $0x1  }
0x419: {  	s19 =	sld [smem:$0x6EA]  }
0x41a: {  	[spmem:s22] =	stream.linear.scatter [tilespmem:s29], [sflag:$0x3], $0x80, $0x38;
	[tilespmem:$0x19800] =	vst v63  }
0x41b: {  	s22 =	sld [smem:$0x6EB]  }
0x41c: {  	[spmem:s19] =	stream.linear.scatter [tilespmem:s30], [sflag:$0x3], $0x80, $0x38;
	[tilespmem:$0x19800] =	vst v63  }
0x41d: {  	s19 =	sld [smem:$0x6EC]  }
0x41e: {  	[spmem:s22] =	stream.linear.scatter [tilespmem:s31], [sflag:$0x3], $0x80, $0x38;
	[tilespmem:$0x19800] =	vst v63  }
0x41f: {  	s22 =	simm.s32 $0x13800  }
0x420: {  	[spmem:s19] =	stream.linear.scatter [tilespmem:s22], [sflag:$0x3], $0x80, $0x38;
	[tilespmem:$0x19800] =	vst v63  }
0x421: {  	s22 =	sld [smem:$0x6ED];
	_ =	sdelay $0x1  }
0x422: {  	s21 =	simm.s32 $0x13A00;
	s19 =	sld [smem:$0x6EE]  }
0x423: {  	[spmem:s22] =	stream.linear.scatter [tilespmem:s21], [sflag:$0x3], $0x80, $0x38;
	[tilespmem:$0x19800] =	vst v63  }
0x424: {  	s20 =	simm.s32 $0x13C00;
	s22 =	sld [smem:$0x6EF]  }
0x425: {  	[spmem:s19] =	stream.linear.scatter [tilespmem:s20], [sflag:$0x3], $0x80, $0x38;
	[tilespmem:$0x19800] =	vst v63  }
0x426: {  	s11 =	simm.s32 $0x13E00;
	s19 =	sld [smem:$0x6F0]  }
0x427: {  	[spmem:s22] =	stream.linear.scatter [tilespmem:s11], [sflag:$0x3], $0x80, $0x38;
	[tilespmem:$0x19800] =	vst v63  }
0x428: {  	s0 =	sld [smem:$0x6F1];
	s22 =	simm.s32 $0x14000  }
0x429: {  	[spmem:s19] =	stream.linear.scatter [tilespmem:s22], [sflag:$0x3], $0x80, $0x38;
	[tilespmem:$0x19800] =	vst v63  }
0x42a: {  	s19 =	simm.s32 $0x14200  }
0x42b: {  	[spmem:s0] =	stream.linear.scatter [tilespmem:s19], [sflag:$0x3], $0x80, $0x38;
	[tilespmem:$0x19800] =	vst v63  }
0x42c: {  	s19 =	sld [smem:$0x6F2];
	_ =	sdelay $0x1  }
0x42d: {  	s12 =	simm.s32 $0x14400  }
0x42e: {  	[spmem:s19] =	stream.linear.scatter [tilespmem:s12], [sflag:$0x3], $0x80, $0x38;
	[tilespmem:$0x19800] =	vst v63  }
0x42f: {  	s19 =	sld [smem:$0x6F3];
	_ =	sdelay $0x1  }
0x430: {  	s13 =	simm.s32 $0x14600  }
0x431: {  	[spmem:s19] =	stream.linear.scatter [tilespmem:s13], [sflag:$0x3], $0x80, $0x38;
	[tilespmem:$0x19800] =	vst v63  }
0x432: {  	s19 =	sld [smem:$0x6F4];
	_ =	sdelay $0x1  }
0x433: {  	s18 =	simm.s32 $0x14800  }
0x434: {  	[spmem:s19] =	stream.linear.scatter [tilespmem:s18], [sflag:$0x3], $0x80, $0x38;
	[tilespmem:$0x19800] =	vst v63  }
0x435: {  	s18 =	sld [smem:$0x6F5];
	_ =	sdelay $0x1  }
0x436: {  	s16 =	simm.s32 $0x14A00  }
0x437: {  	[spmem:s18] =	stream.linear.scatter [tilespmem:s16], [sflag:$0x3], $0x80, $0x38;
	[tilespmem:$0x19800] =	vst v63  }
0x438: {  	s16 =	sld [smem:$0x720];
	_ =	sdelay $0x1  }
0x439: {  	s15 =	simm.s32 $0x14C00  }
0x43a: {  	[spmem:s16] =	stream.linear.scatter [tilespmem:s15], [sflag:$0x3], $0x80, $0x38;
	[tilespmem:$0x19800] =	vst v63  }
0x43b: {  	s15 =	sld [smem:$0x71F];
	_ =	sdelay $0x1  }
0x43c: {  	s14 =	simm.s32 $0x14E00  }
0x43d: {  	[spmem:s15] =	stream.linear.scatter [tilespmem:s14], [sflag:$0x3], $0x80, $0x38;
	[tilespmem:$0x19800] =	vst v63  }
0x43e: {  	s14 =	sld [smem:$0x71E];
	_ =	sdelay $0x1  }
0x43f: {  	s17 =	simm.s32 $0x15000;
	s0 =	sld [smem:$0x71D]  }
0x440: {  	[spmem:s14] =	stream.linear.scatter [tilespmem:s17], [sflag:$0x3], $0x80, $0x38;
	[tilespmem:$0x19800] =	vst v63  }
0x441: {  	s17 =	simm.s32 $0x15200  }
0x442: {  	[spmem:s0] =	stream.linear.scatter [tilespmem:s17], [sflag:$0x3], $0x80, $0x38;
	[tilespmem:$0x19800] =	vst v63  }
0x443: {  	s0 =	sld [smem:$0x71C];
	_ =	sdelay $0x1  }
0x444: {  	s17 =	simm.s32 $0x15400  }
0x445: {  	[spmem:s0] =	stream.linear.scatter [tilespmem:s17], [sflag:$0x3], $0x80, $0x38;
	[tilespmem:$0x19800] =	vst v63  }
0x446: {  	s17 =	sld [smem:$0x71B];
	_ =	sdelay $0x1  }
0x447: {  	s8 =	simm.s32 $0x15600  }
0x448: {  	[spmem:s17] =	stream.linear.scatter [tilespmem:s8], [sflag:$0x3], $0x80, $0x38;
	[tilespmem:$0x19800] =	vst v63  }
0x449: {  	s17 =	sld [smem:$0x71A];
	_ =	sdelay $0x1  }
0x44a: {  	s9 =	simm.s32 $0x15800  }
0x44b: {  	[spmem:s17] =	stream.linear.scatter [tilespmem:s9], [sflag:$0x3], $0x80, $0x38;
	[tilespmem:$0x19800] =	vst v63  }
0x44c: {  	s17 =	sld [smem:$0x719];
	_ =	sdelay $0x1  }
0x44d: {  	s6 =	simm.s32 $0x15A00  }
0x44e: {  	[spmem:s17] =	stream.linear.scatter [tilespmem:s6], [sflag:$0x3], $0x80, $0x38;
	[tilespmem:$0x19800] =	vst v63  }
0x44f: {  	s17 =	sld [smem:$0x718];
	_ =	sdelay $0x1  }
0x450: {  	s10 =	simm.s32 $0x15C00  }
0x451: {  	[spmem:s17] =	stream.linear.scatter [tilespmem:s10], [sflag:$0x3], $0x80, $0x38;
	[tilespmem:$0x19800] =	vst v63  }
0x452: {  	s17 =	sld [smem:$0x717];
	_ =	sdelay $0x1  }
0x453: {  	s2 =	simm.s32 $0x15E00  }
0x454: {  	[spmem:s17] =	stream.linear.scatter [tilespmem:s2], [sflag:$0x3], $0x80, $0x38;
	[tilespmem:$0x19800] =	vst v63  }
0x455: {  	s17 =	sld [smem:$0x716];
	_ =	sdelay $0x1  }
0x456: {  	s4 =	simm.s32 $0x16000;
	s0 =	sld [smem:$0x715]  }
0x457: {  	[spmem:s17] =	stream.linear.scatter [tilespmem:s4], [sflag:$0x3], $0x80, $0x38;
	[tilespmem:$0x19800] =	vst v63  }
0x458: {  	s17 =	simm.s32 $0x16200  }
0x459: {  	[spmem:s0] =	stream.linear.scatter [tilespmem:s17], [sflag:$0x3], $0x80, $0x38;
	[tilespmem:$0x19800] =	vst v63  }
0x45a: {  	s17 =	sld [smem:$0x714];
	_ =	sdelay $0x1  }
0x45b: {  	s7 =	simm.s32 $0x16400  }
0x45c: {  	[spmem:s17] =	stream.linear.scatter [tilespmem:s7], [sflag:$0x3], $0x80, $0x38;
	[tilespmem:$0x19800] =	vst v63  }
0x45d: {  	s17 =	sld [smem:$0x713];
	_ =	sdelay $0x1  }
0x45e: {  	s1 =	simm.s32 $0x16600  }
0x45f: {  	[spmem:s17] =	stream.linear.scatter [tilespmem:s1], [sflag:$0x3], $0x80, $0x38;
	[tilespmem:$0x19800] =	vst v63  }
0x460: {  	_ =	swait.ge [sflag:s28], $0x1000  }
0x461: {  	[sflag:s28] =	ssyncset.done $0x0  }
0x462: {  	s17 =	simm.s32 $0x12800;
	s0 =	rddreg [dreg:$0xc];
	[sflag:s28] =	ssyncadd.s32 $0xFFFFF000  }
0x463: {  	[spmem:s0] =	stream.linear.scatter [tilespmem:s17], [sflag:$0x3], $0x80, $0x38;
	[tilespmem:$0x19800] =	vst v63  }
0x464: {  	s0 =	sld [smem:$0x712];
	_ =	sdelay $0x1  }
0x465: {  	s17 =	simm.s32 $0x12A00  }
0x466: {  	[spmem:s0] =	stream.linear.scatter [tilespmem:s17], [sflag:$0x3], $0x80, $0x38;
	[tilespmem:$0x19800] =	vst v63  }
0x467: {  	s0 =	sld [smem:$0x711];
	_ =	sdelay $0x1  }
0x468: {  	s17 =	simm.s32 $0x12C00  }
0x469: {  	[spmem:s0] =	stream.linear.scatter [tilespmem:s17], [sflag:$0x3], $0x80, $0x38;
	[tilespmem:$0x19800] =	vst v63  }
0x46a: {  	s0 =	sld [smem:$0x710];
	_ =	sdelay $0x1  }
0x46b: {  	s17 =	simm.s32 $0x12E00  }
0x46c: {  	[spmem:s0] =	stream.linear.scatter [tilespmem:s17], [sflag:$0x3], $0x80, $0x38;
	[tilespmem:$0x19800] =	vst v63  }
0x46d: {  	s0 =	sld [smem:$0x70F];
	_ =	sdelay $0x1  }
0x46e: {  	s17 =	simm.s32 $0x13000  }
0x46f: {  	[spmem:s0] =	stream.linear.scatter [tilespmem:s17], [sflag:$0x3], $0x80, $0x38;
	[tilespmem:$0x19800] =	vst v63  }
0x470: {  	s17 =	sld [smem:$0x70E];
	_ =	sdelay $0x2  }
0x471: {  	[spmem:s17] =	stream.linear.scatter [tilespmem:s29], [sflag:$0x3], $0x80, $0x38;
	[tilespmem:$0x19800] =	vst v63  }
0x472: {  	s17 =	sld [smem:$0x70D];
	_ =	sdelay $0x2  }
0x473: {  	[spmem:s17] =	stream.linear.scatter [tilespmem:s30], [sflag:$0x3], $0x80, $0x38;
	[tilespmem:$0x19800] =	vst v63  }
0x474: {  	s17 =	sld [smem:$0x70C];
	_ =	sdelay $0x1  }
0x475: {  	s0 =	sld [smem:$0x70B]  }
0x476: {  	[spmem:s17] =	stream.linear.scatter [tilespmem:s31], [sflag:$0x3], $0x80, $0x38;
	[tilespmem:$0x19800] =	vst v63  }
0x477: {  	s17 =	simm.s32 $0x13800  }
0x478: {  	[spmem:s0] =	stream.linear.scatter [tilespmem:s17], [sflag:$0x3], $0x80, $0x38;
	[tilespmem:$0x19800] =	vst v63  }
0x479: {  	s17 =	sld [smem:$0x70A];
	_ =	sdelay $0x1  }
0x47a: {  	s21 =	simm.s32 $0x13A00  }
0x47b: {  	[spmem:s17] =	stream.linear.scatter [tilespmem:s21], [sflag:$0x3], $0x80, $0x38;
	[tilespmem:$0x19800] =	vst v63  }
0x47c: {  	s17 =	sld [smem:$0x709];
	_ =	sdelay $0x1  }
0x47d: {  	s20 =	simm.s32 $0x13C00  }
0x47e: {  	[spmem:s17] =	stream.linear.scatter [tilespmem:s20], [sflag:$0x3], $0x80, $0x38;
	[tilespmem:$0x19800] =	vst v63  }
0x47f: {  	s17 =	sld [smem:$0x708];
	_ =	sdelay $0x1  }
0x480: {  	s11 =	simm.s32 $0x13E00  }
0x481: {  	[spmem:s17] =	stream.linear.scatter [tilespmem:s11], [sflag:$0x3], $0x80, $0x38;
	[tilespmem:$0x19800] =	vst v63  }
0x482: {  	s17 =	sld [smem:$0x707];
	_ =	sdelay $0x1  }
0x483: {  	s22 =	simm.s32 $0x14000  }
0x484: {  	[spmem:s17] =	stream.linear.scatter [tilespmem:s22], [sflag:$0x3], $0x80, $0x38;
	[tilespmem:$0x19800] =	vst v63  }
0x485: {  	s17 =	sld [smem:$0x706];
	_ =	sdelay $0x1  }
0x486: {  	s22 =	simm.s32 $0x14200  }
0x487: {  	[spmem:s17] =	stream.linear.scatter [tilespmem:s22], [sflag:$0x3], $0x80, $0x38;
	[tilespmem:$0x19800] =	vst v63  }
0x488: {  	s0 =	sld [smem:$0x705];
	_ =	sdelay $0x1  }
0x489: {  	s12 =	simm.s32 $0x14400;
	s22 =	sld [smem:$0x704]  }
0x48a: {  	[spmem:s0] =	stream.linear.scatter [tilespmem:s12], [sflag:$0x3], $0x80, $0x38;
	[tilespmem:$0x19800] =	vst v63  }
0x48b: {  	s13 =	simm.s32 $0x14600;
	s17 =	sld [smem:$0x703]  }
0x48c: {  	[spmem:s22] =	stream.linear.scatter [tilespmem:s13], [sflag:$0x3], $0x80, $0x38;
	[tilespmem:$0x19800] =	vst v63  }
0x48d: {  	s19 =	simm.s32 $0x14800  }
0x48e: {  	[spmem:s17] =	stream.linear.scatter [tilespmem:s19], [sflag:$0x3], $0x80, $0x38;
	[tilespmem:$0x19800] =	vst v63  }
0x48f: {  	s19 =	sld [smem:$0x702];
	_ =	sdelay $0x1  }
0x490: {  	s18 =	simm.s32 $0x14A00;
	s22 =	sld [smem:$0x701]  }
0x491: {  	[spmem:s19] =	stream.linear.scatter [tilespmem:s18], [sflag:$0x3], $0x80, $0x38;
	[tilespmem:$0x19800] =	vst v63  }
0x492: {  	s16 =	simm.s32 $0x14C00  }
0x493: {  	[spmem:s22] =	stream.linear.scatter [tilespmem:s16], [sflag:$0x3], $0x80, $0x38;
	[tilespmem:$0x19800] =	vst v63  }
0x494: {  	s16 =	sld [smem:$0x700];
	_ =	sdelay $0x1  }
0x495: {  	s15 =	simm.s32 $0x14E00;
	s22 =	sld [smem:$0x6FF]  }
0x496: {  	[spmem:s16] =	stream.linear.scatter [tilespmem:s15], [sflag:$0x3], $0x80, $0x38;
	[tilespmem:$0x19800] =	vst v63  }
0x497: {  	s14 =	simm.s32 $0x15000  }
0x498: {  	[spmem:s22] =	stream.linear.scatter [tilespmem:s14], [sflag:$0x3], $0x80, $0x38;
	[tilespmem:$0x19800] =	vst v63  }
0x499: {  	s14 =	sld [smem:$0x6FE];
	_ =	sdelay $0x1  }
0x49a: {  	s22 =	simm.s32 $0x15200  }
0x49b: {  	[spmem:s14] =	stream.linear.scatter [tilespmem:s22], [sflag:$0x3], $0x80, $0x38;
	[tilespmem:$0x19800] =	vst v63  }
0x49c: {  	s14 =	sld [smem:$0x6FD];
	_ =	sdelay $0x1  }
0x49d: {  	s22 =	simm.s32 $0x15400  }
0x49e: {  	[spmem:s14] =	stream.linear.scatter [tilespmem:s22], [sflag:$0x3], $0x80, $0x38;
	[tilespmem:$0x19800] =	vst v63  }
0x49f: {  	s22 =	sld [smem:$0x6FC];
	_ =	sdelay $0x1  }
0x4a0: {  	s8 =	simm.s32 $0x15600;
	s14 =	sld [smem:$0x6FB]  }
0x4a1: {  	[spmem:s22] =	stream.linear.scatter [tilespmem:s8], [sflag:$0x3], $0x80, $0x38;
	[tilespmem:$0x19800] =	vst v63  }
0x4a2: {  	s9 =	simm.s32 $0x15800;
	s22 =	sld [smem:$0x6FA]  }
0x4a3: {  	[spmem:s14] =	stream.linear.scatter [tilespmem:s9], [sflag:$0x3], $0x80, $0x38;
	[tilespmem:$0x19800] =	vst v63  }
0x4a4: {  	s6 =	simm.s32 $0x15A00;
	s14 =	sld [smem:$0x6F9]  }
0x4a5: {  	[spmem:s22] =	stream.linear.scatter [tilespmem:s6], [sflag:$0x3], $0x80, $0x38;
	[tilespmem:$0x19800] =	vst v63  }
0x4a6: {  	s10 =	simm.s32 $0x15C00;
	s6 =	sld [smem:$0x6F8]  }
0x4a7: {  	[spmem:s14] =	stream.linear.scatter [tilespmem:s10], [sflag:$0x3], $0x80, $0x38;
	[tilespmem:$0x19800] =	vst v63  }
0x4a8: {  	s2 =	simm.s32 $0x15E00;
	s14 =	sld [smem:$0x6F7]  }
0x4a9: {  	[spmem:s6] =	stream.linear.scatter [tilespmem:s2], [sflag:$0x3], $0x80, $0x38;
	[tilespmem:$0x19800] =	vst v63  }
0x4aa: {  	s4 =	simm.s32 $0x16000;
	s6 =	sld [smem:$0x6F6]  }
0x4ab: {  	[spmem:s14] =	stream.linear.scatter [tilespmem:s4], [sflag:$0x3], $0x80, $0x38;
	[tilespmem:$0x19800] =	vst v63  }
0x4ac: {  	s14 =	simm.s32 $0x16200  }
0x4ad: {  	[spmem:s6] =	stream.linear.scatter [tilespmem:s14], [sflag:$0x3], $0x80, $0x38;
	[tilespmem:$0x19800] =	vst v63  }
0x4ae: {  	s14 =	sld [smem:$0x721];
	_ =	sdelay $0x1  }
0x4af: {  	s7 =	simm.s32 $0x16400  }
0x4b0: {  	[spmem:s14] =	stream.linear.scatter [tilespmem:s7], [sflag:$0x3], $0x80, $0x38;
	[tilespmem:$0x19800] =	vst v63  }
0x4b1: {  	s14 =	sld [smem:$0x722];
	_ =	sdelay $0x1  }
0x4b2: {  	s1 =	simm.s32 $0x16600  }
0x4b3: {  	[spmem:s14] =	stream.linear.scatter [tilespmem:s1], [sflag:$0x3], $0x80, $0x38;
	[tilespmem:$0x19800] =	vst v63  }
0x4b4: {  	_ =	swait.ge [sflag:s28], $0x1000  }
0x4b5: {  	[sflag:s28] =	ssyncset.done $0x0  }
0x4b6: {  	s14 =	simm.s32 $0x12800;
	s0 =	rddreg [dreg:$0xd];
	[sflag:s28] =	ssyncadd.s32 $0xFFFFF000  }
0x4b7: {  	[spmem:s0] =	stream.linear.scatter [tilespmem:s14], [sflag:$0x3], $0x80, $0x38;
	[tilespmem:$0x19800] =	vst v63  }
0x4b8: {  	s0 =	sld [smem:$0x723];
	_ =	sdelay $0x1  }
0x4b9: {  	s14 =	simm.s32 $0x12A00  }
0x4ba: {  	[spmem:s0] =	stream.linear.scatter [tilespmem:s14], [sflag:$0x3], $0x80, $0x38;
	[tilespmem:$0x19800] =	vst v63  }
0x4bb: {  	s0 =	sld [smem:$0x724];
	_ =	sdelay $0x1  }
0x4bc: {  	s14 =	simm.s32 $0x12C00  }
0x4bd: {  	[spmem:s0] =	stream.linear.scatter [tilespmem:s14], [sflag:$0x3], $0x80, $0x38;
	[tilespmem:$0x19800] =	vst v63  }
0x4be: {  	s0 =	sld [smem:$0x725];
	_ =	sdelay $0x1  }
0x4bf: {  	s14 =	simm.s32 $0x12E00  }
0x4c0: {  	[spmem:s0] =	stream.linear.scatter [tilespmem:s14], [sflag:$0x3], $0x80, $0x38;
	[tilespmem:$0x19800] =	vst v63  }
0x4c1: {  	s0 =	sld [smem:$0x726];
	_ =	sdelay $0x1  }
0x4c2: {  	s14 =	simm.s32 $0x13000  }
0x4c3: {  	[spmem:s0] =	stream.linear.scatter [tilespmem:s14], [sflag:$0x3], $0x80, $0x38;
	[tilespmem:$0x19800] =	vst v63  }
0x4c4: {  	s14 =	sld [smem:$0x727];
	_ =	sdelay $0x2  }
0x4c5: {  	[spmem:s14] =	stream.linear.scatter [tilespmem:s29], [sflag:$0x3], $0x80, $0x38;
	[tilespmem:$0x19800] =	vst v63  }
0x4c6: {  	s14 =	sld [smem:$0x728];
	_ =	sdelay $0x2  }
0x4c7: {  	[spmem:s14] =	stream.linear.scatter [tilespmem:s30], [sflag:$0x3], $0x80, $0x38;
	[tilespmem:$0x19800] =	vst v63  }
0x4c8: {  	s14 =	sld [smem:$0x729];
	_ =	sdelay $0x1  }
0x4c9: {  	s0 =	sld [smem:$0x72A]  }
0x4ca: {  	[spmem:s14] =	stream.linear.scatter [tilespmem:s31], [sflag:$0x3], $0x80, $0x38;
	[tilespmem:$0x19800] =	vst v63  }
0x4cb: {  	s14 =	simm.s32 $0x13800  }
0x4cc: {  	[spmem:s0] =	stream.linear.scatter [tilespmem:s14], [sflag:$0x3], $0x80, $0x38;
	[tilespmem:$0x19800] =	vst v63  }
0x4cd: {  	s14 =	sld [smem:$0x72B];
	_ =	sdelay $0x1  }
0x4ce: {  	s21 =	simm.s32 $0x13A00  }
0x4cf: {  	[spmem:s14] =	stream.linear.scatter [tilespmem:s21], [sflag:$0x3], $0x80, $0x38;
	[tilespmem:$0x19800] =	vst v63  }
0x4d0: {  	s21 =	sld [smem:$0x72C];
	_ =	sdelay $0x1  }
0x4d1: {  	s20 =	simm.s32 $0x13C00;
	s14 =	sld [smem:$0x72D]  }
0x4d2: {  	[spmem:s21] =	stream.linear.scatter [tilespmem:s20], [sflag:$0x3], $0x80, $0x38;
	[tilespmem:$0x19800] =	vst v63  }
0x4d3: {  	s11 =	simm.s32 $0x13E00;
	s20 =	sld [smem:$0x72E]  }
0x4d4: {  	[spmem:s14] =	stream.linear.scatter [tilespmem:s11], [sflag:$0x3], $0x80, $0x38;
	[tilespmem:$0x19800] =	vst v63  }
0x4d5: {  	s21 =	simm.s32 $0x14000;
	s14 =	sld [smem:$0x72F]  }
0x4d6: {  	[spmem:s20] =	stream.linear.scatter [tilespmem:s21], [sflag:$0x3], $0x80, $0x38;
	[tilespmem:$0x19800] =	vst v63  }
0x4d7: {  	s20 =	simm.s32 $0x14200;
	s21 =	sld [smem:$0x730]  }
0x4d8: {  	[spmem:s14] =	stream.linear.scatter [tilespmem:s20], [sflag:$0x3], $0x80, $0x38;
	[tilespmem:$0x19800] =	vst v63  }
0x4d9: {  	s12 =	simm.s32 $0x14400;
	s11 =	sld [smem:$0x731]  }
0x4da: {  	[spmem:s21] =	stream.linear.scatter [tilespmem:s12], [sflag:$0x3], $0x80, $0x38;
	[tilespmem:$0x19800] =	vst v63  }
0x4db: {  	s13 =	simm.s32 $0x14600;
	s12 =	sld [smem:$0x732]  }
0x4dc: {  	[spmem:s11] =	stream.linear.scatter [tilespmem:s13], [sflag:$0x3], $0x80, $0x38;
	[tilespmem:$0x19800] =	vst v63  }
0x4dd: {  	s17 =	simm.s32 $0x14800;
	s13 =	sld [smem:$0x733]  }
0x4de: {  	[spmem:s12] =	stream.linear.scatter [tilespmem:s17], [sflag:$0x3], $0x80, $0x38;
	[tilespmem:$0x19800] =	vst v63  }
0x4df: {  	s19 =	simm.s32 $0x14A00;
	s17 =	sld [smem:$0x734]  }
0x4e0: {  	[spmem:s13] =	stream.linear.scatter [tilespmem:s19], [sflag:$0x3], $0x80, $0x38;
	[tilespmem:$0x19800] =	vst v63  }
0x4e1: {  	s18 =	simm.s32 $0x14C00;
	s11 =	sld [smem:$0x735]  }
0x4e2: {  	[spmem:s17] =	stream.linear.scatter [tilespmem:s18], [sflag:$0x3], $0x80, $0x38;
	[tilespmem:$0x19800] =	vst v63  }
0x4e3: {  	s16 =	simm.s32 $0x14E00;
	s12 =	sld [smem:$0x736]  }
0x4e4: {  	[spmem:s11] =	stream.linear.scatter [tilespmem:s16], [sflag:$0x3], $0x80, $0x38;
	[tilespmem:$0x19800] =	vst v63  }
0x4e5: {  	s15 =	simm.s32 $0x15000;
	s13 =	sld [smem:$0x737]  }
0x4e6: {  	[spmem:s12] =	stream.linear.scatter [tilespmem:s15], [sflag:$0x3], $0x80, $0x38;
	[tilespmem:$0x19800] =	vst v63  }
0x4e7: {  	s11 =	sld [smem:$0x738];
	s15 =	simm.s32 $0x15200  }
0x4e8: {  	[spmem:s13] =	stream.linear.scatter [tilespmem:s15], [sflag:$0x3], $0x80, $0x38;
	[tilespmem:$0x19800] =	vst v63  }
0x4e9: {  	s12 =	simm.s32 $0x15400;
	s15 =	sld [smem:$0x739]  }
0x4ea: {  	[spmem:s11] =	stream.linear.scatter [tilespmem:s12], [sflag:$0x3], $0x80, $0x38;
	[tilespmem:$0x19800] =	vst v63  }
0x4eb: {  	s8 =	simm.s32 $0x15600  }
0x4ec: {  	[spmem:s15] =	stream.linear.scatter [tilespmem:s8], [sflag:$0x3], $0x80, $0x38;
	[tilespmem:$0x19800] =	vst v63  }
0x4ed: {  	s8 =	sld [smem:$0x73A];
	_ =	sdelay $0x1  }
0x4ee: {  	s9 =	simm.s32 $0x15800  }
0x4ef: {  	[spmem:s8] =	stream.linear.scatter [tilespmem:s9], [sflag:$0x3], $0x80, $0x38;
	[tilespmem:$0x19800] =	vst v63  }
0x4f0: {  	s9 =	sld [smem:$0x73B];
	_ =	sdelay $0x1  }
0x4f1: {  	s22 =	simm.s32 $0x15A00;
	s8 =	sld [smem:$0x73C]  }
0x4f2: {  	[spmem:s9] =	stream.linear.scatter [tilespmem:s22], [sflag:$0x3], $0x80, $0x38;
	[tilespmem:$0x19800] =	vst v63  }
0x4f3: {  	s10 =	simm.s32 $0x15C00;
	s22 =	sld [smem:$0x73D]  }
0x4f4: {  	[spmem:s8] =	stream.linear.scatter [tilespmem:s10], [sflag:$0x3], $0x80, $0x38;
	[tilespmem:$0x19800] =	vst v63  }
0x4f5: {  	s2 =	simm.s32 $0x15E00  }
0x4f6: {  	[spmem:s22] =	stream.linear.scatter [tilespmem:s2], [sflag:$0x3], $0x80, $0x38;
	[tilespmem:$0x19800] =	vst v63  }
0x4f7: {  	s2 =	sld [smem:$0x73E];
	_ =	sdelay $0x1  }
0x4f8: {  	s4 =	simm.s32 $0x16000;
	s22 =	sld [smem:$0x73F]  }
0x4f9: {  	[spmem:s2] =	stream.linear.scatter [tilespmem:s4], [sflag:$0x3], $0x80, $0x38;
	[tilespmem:$0x19800] =	vst v63  }
0x4fa: {  	s6 =	simm.s32 $0x16200;
	s2 =	sld [smem:$0x740]  }
0x4fb: {  	[spmem:s22] =	stream.linear.scatter [tilespmem:s6], [sflag:$0x3], $0x80, $0x38;
	[tilespmem:$0x19800] =	vst v63  }
0x4fc: {  	s7 =	simm.s32 $0x16400;
	s22 =	sld [smem:$0x741]  }
0x4fd: {  	[spmem:s2] =	stream.linear.scatter [tilespmem:s7], [sflag:$0x3], $0x80, $0x38;
	[tilespmem:$0x19800] =	vst v63  }
0x4fe: {  	s1 =	simm.s32 $0x16600  }
0x4ff: {  	[spmem:s22] =	stream.linear.scatter [tilespmem:s1], [sflag:$0x3], $0x80, $0x38;
	[tilespmem:$0x19800] =	vst v63  }
0x500: {  	_ =	swait.ge [sflag:s28], $0x1000  }
0x501: {  	[sflag:s28] =	ssyncset.done $0x0  }
0x502: {  	s22 =	simm.s32 $0x12800;
	s1 =	rddreg [dreg:$0xe];
	[sflag:s28] =	ssyncadd.s32 $0xFFFFF000  }
0x503: {  	[spmem:s1] =	stream.linear.scatter [tilespmem:s22], [sflag:$0x3], $0x80, $0x38;
	[tilespmem:$0x19800] =	vst v63  }
0x504: {  	s1 =	sld [smem:$0x742];
	_ =	sdelay $0x1  }
0x505: {  	s22 =	simm.s32 $0x12A00  }
0x506: {  	[spmem:s1] =	stream.linear.scatter [tilespmem:s22], [sflag:$0x3], $0x80, $0x38;
	[tilespmem:$0x19800] =	vst v63  }
0x507: {  	s1 =	sld [smem:$0x743];
	_ =	sdelay $0x1  }
0x508: {  	s22 =	simm.s32 $0x12C00  }
0x509: {  	[spmem:s1] =	stream.linear.scatter [tilespmem:s22], [sflag:$0x3], $0x80, $0x38;
	[tilespmem:$0x19800] =	vst v63  }
0x50a: {  	s1 =	sld [smem:$0x744];
	_ =	sdelay $0x1  }
0x50b: {  	s22 =	simm.s32 $0x12E00  }
0x50c: {  	[spmem:s1] =	stream.linear.scatter [tilespmem:s22], [sflag:$0x3], $0x80, $0x38;
	[tilespmem:$0x19800] =	vst v63  }
0x50d: {  	s1 =	sld [smem:$0x745];
	_ =	sdelay $0x1  }
0x50e: {  	s22 =	simm.s32 $0x13000  }
0x50f: {  	[spmem:s1] =	stream.linear.scatter [tilespmem:s22], [sflag:$0x3], $0x80, $0x38;
	[tilespmem:$0x19800] =	vst v63  }
0x510: {  	s22 =	sld [smem:$0x746];
	_ =	sdelay $0x1  }
0x511: {  	s1 =	sld [smem:$0x747]  }
0x512: {  	[spmem:s22] =	stream.linear.scatter [tilespmem:s29], [sflag:$0x3], $0x80, $0x38;
	[tilespmem:$0x19800] =	vst v63  }
0x513: {  	s22 =	sld [smem:$0x748]  }
0x514: {  	[spmem:s1] =	stream.linear.scatter [tilespmem:s30], [sflag:$0x3], $0x80, $0x38;
	[tilespmem:$0x19800] =	vst v63  }
0x515: {  	s1 =	sld [smem:$0x749]  }
0x516: {  	[spmem:s22] =	stream.linear.scatter [tilespmem:s31], [sflag:$0x3], $0x80, $0x38;
	[tilespmem:$0x19800] =	vst v63  }
0x517: {  	s22 =	simm.s32 $0x13800  }
0x518: {  	[spmem:s1] =	stream.linear.scatter [tilespmem:s22], [sflag:$0x3], $0x80, $0x38;
	[tilespmem:$0x19800] =	vst v63  }
0x519: {  	s1 =	sld [smem:$0x74A];
	_ =	sdelay $0x1  }
0x51a: {  	s22 =	simm.s32 $0x13A00  }
0x51b: {  	[spmem:s1] =	stream.linear.scatter [tilespmem:s22], [sflag:$0x3], $0x80, $0x38;
	[tilespmem:$0x19800] =	vst v63  }
0x51c: {  	s1 =	sld [smem:$0x74B];
	_ =	sdelay $0x1  }
0x51d: {  	s22 =	simm.s32 $0x13C00  }
0x51e: {  	[spmem:s1] =	stream.linear.scatter [tilespmem:s22], [sflag:$0x3], $0x80, $0x38;
	[tilespmem:$0x19800] =	vst v63  }
0x51f: {  	s1 =	sld [smem:$0x74C];
	_ =	sdelay $0x1  }
0x520: {  	s22 =	simm.s32 $0x13E00  }
0x521: {  	[spmem:s1] =	stream.linear.scatter [tilespmem:s22], [sflag:$0x3], $0x80, $0x38;
	[tilespmem:$0x19800] =	vst v63  }
0x522: {  	s1 =	sld [smem:$0x74D];
	_ =	sdelay $0x1  }
0x523: {  	s22 =	simm.s32 $0x14000  }
0x524: {  	[spmem:s1] =	stream.linear.scatter [tilespmem:s22], [sflag:$0x3], $0x80, $0x38;
	[tilespmem:$0x19800] =	vst v63  }
0x525: {  	s1 =	sld [smem:$0x74E];
	_ =	sdelay $0x1  }
0x526: {  	s22 =	simm.s32 $0x14200  }
0x527: {  	[spmem:s1] =	stream.linear.scatter [tilespmem:s22], [sflag:$0x3], $0x80, $0x38;
	[tilespmem:$0x19800] =	vst v63  }
0x528: {  	s1 =	sld [smem:$0x74F];
	_ =	sdelay $0x1  }
0x529: {  	s21 =	simm.s32 $0x14400  }
0x52a: {  	[spmem:s1] =	stream.linear.scatter [tilespmem:s21], [sflag:$0x3], $0x80, $0x38;
	[tilespmem:$0x19800] =	vst v63  }
0x52b: {  	s21 =	sld [smem:$0x750];
	_ =	sdelay $0x1  }
0x52c: {  	s20 =	simm.s32 $0x14600;
	s1 =	sld [smem:$0x751]  }
0x52d: {  	[spmem:s21] =	stream.linear.scatter [tilespmem:s20], [sflag:$0x3], $0x80, $0x38;
	[tilespmem:$0x19800] =	vst v63  }
0x52e: {  	s14 =	simm.s32 $0x14800  }
0x52f: {  	[spmem:s1] =	stream.linear.scatter [tilespmem:s14], [sflag:$0x3], $0x80, $0x38;
	[tilespmem:$0x19800] =	vst v63  }
0x530: {  	s14 =	sld [smem:$0x752];
	_ =	sdelay $0x1  }
0x531: {  	s19 =	simm.s32 $0x14A00  }
0x532: {  	[spmem:s14] =	stream.linear.scatter [tilespmem:s19], [sflag:$0x3], $0x80, $0x38;
	[tilespmem:$0x19800] =	vst v63  }
0x533: {  	s19 =	sld [smem:$0x753];
	_ =	sdelay $0x1  }
0x534: {  	s18 =	simm.s32 $0x14C00;
	s1 =	sld [smem:$0x754]  }
0x535: {  	[spmem:s19] =	stream.linear.scatter [tilespmem:s18], [sflag:$0x3], $0x80, $0x38;
	[tilespmem:$0x19800] =	vst v63  }
0x536: {  	s17 =	simm.s32 $0x14E00;
	s14 =	sld [smem:$0x755]  }
0x537: {  	[spmem:s1] =	stream.linear.scatter [tilespmem:s17], [sflag:$0x3], $0x80, $0x38;
	[tilespmem:$0x19800] =	vst v63  }
0x538: {  	s16 =	simm.s32 $0x15000;
	s18 =	sld [smem:$0x756]  }
0x539: {  	[spmem:s14] =	stream.linear.scatter [tilespmem:s16], [sflag:$0x3], $0x80, $0x38;
	[tilespmem:$0x19800] =	vst v63  }
0x53a: {  	s13 =	simm.s32 $0x15200;
	s1 =	sld [smem:$0x757]  }
0x53b: {  	[spmem:s18] =	stream.linear.scatter [tilespmem:s13], [sflag:$0x3], $0x80, $0x38;
	[tilespmem:$0x19800] =	vst v63  }
0x53c: {  	s12 =	simm.s32 $0x15400  }
0x53d: {  	[spmem:s1] =	stream.linear.scatter [tilespmem:s12], [sflag:$0x3], $0x80, $0x38;
	[tilespmem:$0x19800] =	vst v63  }
0x53e: {  	s12 =	sld [smem:$0x758];
	_ =	sdelay $0x1  }
0x53f: {  	s11 =	simm.s32 $0x15600;
	s18 =	sld [smem:$0x759]  }
0x540: {  	[spmem:s12] =	stream.linear.scatter [tilespmem:s11], [sflag:$0x3], $0x80, $0x38;
	[tilespmem:$0x19800] =	vst v63  }
0x541: {  	s15 =	simm.s32 $0x15800;
	s1 =	sld [smem:$0x75A]  }
0x542: {  	[spmem:s18] =	stream.linear.scatter [tilespmem:s15], [sflag:$0x3], $0x80, $0x38;
	[tilespmem:$0x19800] =	vst v63  }
0x543: {  	s9 =	simm.s32 $0x15A00  }
0x544: {  	[spmem:s1] =	stream.linear.scatter [tilespmem:s9], [sflag:$0x3], $0x80, $0x38;
	[tilespmem:$0x19800] =	vst v63  }
0x545: {  	s9 =	sld [smem:$0x75B];
	_ =	sdelay $0x1  }
0x546: {  	s10 =	simm.s32 $0x15C00;
	s18 =	sld [smem:$0x75C]  }
0x547: {  	[spmem:s9] =	stream.linear.scatter [tilespmem:s10], [sflag:$0x3], $0x80, $0x38;
	[tilespmem:$0x19800] =	vst v63  }
0x548: {  	s8 =	simm.s32 $0x15E00;
	s1 =	sld [smem:$0x75D]  }
0x549: {  	[spmem:s18] =	stream.linear.scatter [tilespmem:s8], [sflag:$0x3], $0x80, $0x38;
	[tilespmem:$0x19800] =	vst v63  }
0x54a: {  	s4 =	simm.s32 $0x16000;
	s8 =	sld [smem:$0x75E]  }
0x54b: {  	[spmem:s1] =	stream.linear.scatter [tilespmem:s4], [sflag:$0x3], $0x80, $0x38;
	[tilespmem:$0x19800] =	vst v63  }
0x54c: {  	s6 =	simm.s32 $0x16200;
	s18 =	sld [smem:$0x75F]  }
0x54d: {  	[spmem:s8] =	stream.linear.scatter [tilespmem:s6], [sflag:$0x3], $0x80, $0x38;
	[tilespmem:$0x19800] =	vst v63  }
0x54e: {  	s2 =	simm.s32 $0x16400  }
0x54f: {  	[spmem:s18] =	stream.linear.scatter [tilespmem:s2], [sflag:$0x3], $0x80, $0x38;
	[tilespmem:$0x19800] =	vst v63  }
0x550: {  	s2 =	sld [smem:$0x760];
	_ =	sdelay $0x1  }
0x551: {  	s7 =	simm.s32 $0x16600  }
0x552: {  	[spmem:s2] =	stream.linear.scatter [tilespmem:s7], [sflag:$0x3], $0x80, $0x38;
	[tilespmem:$0x19800] =	vst v63  }
0x553: {  	_ =	swait.ge [sflag:s28], $0x1000  }
0x554: {  	[sflag:s28] =	ssyncset.done $0x0  }
0x555: {  	s18 =	simm.s32 $0x12800;
	s8 =	rddreg [dreg:$0xf];
	[sflag:s28] =	ssyncadd.s32 $0xFFFFF000  }
0x556: {  	[spmem:s8] =	stream.linear.scatter [tilespmem:s18], [sflag:$0x3], $0x80, $0x38;
	[tilespmem:$0x19800] =	vst v63  }
0x557: {  	s8 =	sld [smem:$0x761];
	_ =	sdelay $0x1  }
0x558: {  	s18 =	simm.s32 $0x12A00  }
0x559: {  	[spmem:s8] =	stream.linear.scatter [tilespmem:s18], [sflag:$0x3], $0x80, $0x38;
	[tilespmem:$0x19800] =	vst v63  }
0x55a: {  	s8 =	sld [smem:$0x762];
	_ =	sdelay $0x1  }
0x55b: {  	s18 =	simm.s32 $0x12C00  }
0x55c: {  	[spmem:s8] =	stream.linear.scatter [tilespmem:s18], [sflag:$0x3], $0x80, $0x38;
	[tilespmem:$0x19800] =	vst v63  }
0x55d: {  	s8 =	sld [smem:$0x763];
	_ =	sdelay $0x1  }
0x55e: {  	s18 =	simm.s32 $0x12E00  }
0x55f: {  	[spmem:s8] =	stream.linear.scatter [tilespmem:s18], [sflag:$0x3], $0x80, $0x38;
	[tilespmem:$0x19800] =	vst v63  }
0x560: {  	s8 =	sld [smem:$0x764];
	_ =	sdelay $0x1  }
0x561: {  	s18 =	simm.s32 $0x13000  }
0x562: {  	[spmem:s8] =	stream.linear.scatter [tilespmem:s18], [sflag:$0x3], $0x80, $0x38;
	[tilespmem:$0x19800] =	vst v63  }
0x563: {  	s8 =	sld [smem:$0x765];
	_ =	sdelay $0x1  }
0x564: {  	s18 =	sld [smem:$0x766]  }
0x565: {  	[spmem:s8] =	stream.linear.scatter [tilespmem:s29], [sflag:$0x3], $0x80, $0x38;
	[tilespmem:$0x19800] =	vst v63  }
0x566: {  	s7 =	sld [smem:$0x767]  }
0x567: {  	[spmem:s18] =	stream.linear.scatter [tilespmem:s30], [sflag:$0x3], $0x80, $0x38;
	[tilespmem:$0x19800] =	vst v63  }
0x568: {  	s8 =	sld [smem:$0x768]  }
0x569: {  	[spmem:s7] =	stream.linear.scatter [tilespmem:s31], [sflag:$0x3], $0x80, $0x38;
	[tilespmem:$0x19800] =	vst v63  }
0x56a: {  	s18 =	simm.s32 $0x13800  }
0x56b: {  	[spmem:s8] =	stream.linear.scatter [tilespmem:s18], [sflag:$0x3], $0x80, $0x38;
	[tilespmem:$0x19800] =	vst v63  }
0x56c: {  	s8 =	sld [smem:$0x769];
	_ =	sdelay $0x1  }
0x56d: {  	s18 =	simm.s32 $0x13A00  }
0x56e: {  	[spmem:s8] =	stream.linear.scatter [tilespmem:s18], [sflag:$0x3], $0x80, $0x38;
	[tilespmem:$0x19800] =	vst v63  }
0x56f: {  	s8 =	sld [smem:$0x76A];
	_ =	sdelay $0x1  }
0x570: {  	s18 =	simm.s32 $0x13C00  }
0x571: {  	[spmem:s8] =	stream.linear.scatter [tilespmem:s18], [sflag:$0x3], $0x80, $0x38;
	[tilespmem:$0x19800] =	vst v63  }
0x572: {  	s8 =	sld [smem:$0x76B];
	_ =	sdelay $0x1  }
0x573: {  	s18 =	simm.s32 $0x13E00  }
0x574: {  	[spmem:s8] =	stream.linear.scatter [tilespmem:s18], [sflag:$0x3], $0x80, $0x38;
	[tilespmem:$0x19800] =	vst v63  }
0x575: {  	s8 =	sld [smem:$0x76C];
	_ =	sdelay $0x1  }
0x576: {  	s18 =	simm.s32 $0x14000  }
0x577: {  	[spmem:s8] =	stream.linear.scatter [tilespmem:s18], [sflag:$0x3], $0x80, $0x38;
	[tilespmem:$0x19800] =	vst v63  }
0x578: {  	s8 =	sld [smem:$0x76D];
	_ =	sdelay $0x1  }
0x579: {  	s22 =	simm.s32 $0x14200;
	s18 =	sld [smem:$0x76E]  }
0x57a: {  	[spmem:s8] =	stream.linear.scatter [tilespmem:s22], [sflag:$0x3], $0x80, $0x38;
	[tilespmem:$0x19800] =	vst v63  }
0x57b: {  	s7 =	sld [smem:$0x76F];
	s22 =	simm.s32 $0x14400  }
0x57c: {  	[spmem:s18] =	stream.linear.scatter [tilespmem:s22], [sflag:$0x3], $0x80, $0x38;
	[tilespmem:$0x19800] =	vst v63  }
0x57d: {  	s21 =	simm.s32 $0x14600;
	s8 =	sld [smem:$0x770]  }
0x57e: {  	[spmem:s7] =	stream.linear.scatter [tilespmem:s21], [sflag:$0x3], $0x80, $0x38;
	[tilespmem:$0x19800] =	vst v63  }
0x57f: {  	s20 =	simm.s32 $0x14800;
	s18 =	sld [smem:$0x771]  }
0x580: {  	[spmem:s8] =	stream.linear.scatter [tilespmem:s20], [sflag:$0x3], $0x80, $0x38;
	[tilespmem:$0x19800] =	vst v63  }
0x581: {  	s20 =	simm.s32 $0x14A00;
	s8 =	sld [smem:$0x772]  }
0x582: {  	[spmem:s18] =	stream.linear.scatter [tilespmem:s20], [sflag:$0x3], $0x80, $0x38;
	[tilespmem:$0x19800] =	vst v63  }
0x583: {  	s19 =	simm.s32 $0x14C00  }
0x584: {  	[spmem:s8] =	stream.linear.scatter [tilespmem:s19], [sflag:$0x3], $0x80, $0x38;
	[tilespmem:$0x19800] =	vst v63  }
0x585: {  	s19 =	sld [smem:$0x773];
	_ =	sdelay $0x1  }
0x586: {  	s17 =	simm.s32 $0x14E00;
	s7 =	sld [smem:$0x774]  }
0x587: {  	[spmem:s19] =	stream.linear.scatter [tilespmem:s17], [sflag:$0x3], $0x80, $0x38;
	[tilespmem:$0x19800] =	vst v63  }
0x588: {  	s16 =	simm.s32 $0x15000;
	s8 =	sld [smem:$0x775]  }
0x589: {  	[spmem:s7] =	stream.linear.scatter [tilespmem:s16], [sflag:$0x3], $0x80, $0x38;
	[tilespmem:$0x19800] =	vst v63  }
0x58a: {  	s14 =	simm.s32 $0x15200  }
0x58b: {  	[spmem:s8] =	stream.linear.scatter [tilespmem:s14], [sflag:$0x3], $0x80, $0x38;
	[tilespmem:$0x19800] =	vst v63  }
0x58c: {  	s14 =	sld [smem:$0x776];
	_ =	sdelay $0x1  }
0x58d: {  	s13 =	simm.s32 $0x15400;
	s16 =	sld [smem:$0x777]  }
0x58e: {  	[spmem:s14] =	stream.linear.scatter [tilespmem:s13], [sflag:$0x3], $0x80, $0x38;
	[tilespmem:$0x19800] =	vst v63  }
0x58f: {  	s11 =	simm.s32 $0x15600;
	s8 =	sld [smem:$0x778]  }
0x590: {  	[spmem:s16] =	stream.linear.scatter [tilespmem:s11], [sflag:$0x3], $0x80, $0x38;
	[tilespmem:$0x19800] =	vst v63  }
0x591: {  	s15 =	simm.s32 $0x15800;
	s13 =	sld [smem:$0x779]  }
0x592: {  	[spmem:s8] =	stream.linear.scatter [tilespmem:s15], [sflag:$0x3], $0x80, $0x38;
	[tilespmem:$0x19800] =	vst v63  }
0x593: {  	s12 =	simm.s32 $0x15A00;
	s15 =	sld [smem:$0x77A]  }
0x594: {  	[spmem:s13] =	stream.linear.scatter [tilespmem:s12], [sflag:$0x3], $0x80, $0x38;
	[tilespmem:$0x19800] =	vst v63  }
0x595: {  	s10 =	simm.s32 $0x15C00;
	s16 =	sld [smem:$0x77B]  }
0x596: {  	[spmem:s15] =	stream.linear.scatter [tilespmem:s10], [sflag:$0x3], $0x80, $0x38;
	[tilespmem:$0x19800] =	vst v63  }
0x597: {  	s9 =	simm.s32 $0x15E00  }
0x598: {  	[spmem:s16] =	stream.linear.scatter [tilespmem:s9], [sflag:$0x3], $0x80, $0x38;
	[tilespmem:$0x19800] =	vst v63  }
0x599: {  	s9 =	sld [smem:$0x77C];
	_ =	sdelay $0x1  }
0x59a: {  	s1 =	simm.s32 $0x16000;
	s15 =	sld [smem:$0x77D]  }
0x59b: {  	[spmem:s9] =	stream.linear.scatter [tilespmem:s1], [sflag:$0x3], $0x80, $0x38;
	[tilespmem:$0x19800] =	vst v63  }
0x59c: {  	s6 =	simm.s32 $0x16200;
	s16 =	sld [smem:$0x77E]  }
0x59d: {  	[spmem:s15] =	stream.linear.scatter [tilespmem:s6], [sflag:$0x3], $0x80, $0x38;
	[tilespmem:$0x19800] =	vst v63  }
0x59e: {  	s4 =	simm.s32 $0x16400  }
0x59f: {  	[spmem:s16] =	stream.linear.scatter [tilespmem:s4], [sflag:$0x3], $0x80, $0x38;
	[tilespmem:$0x19800] =	vst v63  }
0x5a0: {  	s4 =	sld [smem:$0x77F];
	_ =	sdelay $0x1  }
0x5a1: {  	s2 =	simm.s32 $0x16600  }
0x5a2: {  	[spmem:s4] =	stream.linear.scatter [tilespmem:s2], [sflag:$0x3], $0x80, $0x38;
	[tilespmem:$0x19800] =	vst v63  }
0x5a3: {  	_ =	swait.ge [sflag:s28], $0x1000  }
0x5a4: {  	[sflag:s28] =	ssyncset.done $0x0  }
0x5a5: {  	s16 =	simm.s32 $0x12800;
	s15 =	rddreg [dreg:$0x10];
	[sflag:s28] =	ssyncadd.s32 $0xFFFFF000  }
0x5a6: {  	[spmem:s15] =	stream.linear.scatter [tilespmem:s16], [sflag:$0x3], $0x80, $0x38;
	[tilespmem:$0x19800] =	vst v63  }
0x5a7: {  	s15 =	sld [smem:$0x780];
	_ =	sdelay $0x1  }
0x5a8: {  	s16 =	simm.s32 $0x12A00  }
0x5a9: {  	[spmem:s15] =	stream.linear.scatter [tilespmem:s16], [sflag:$0x3], $0x80, $0x38;
	[tilespmem:$0x19800] =	vst v63  }
0x5aa: {  	s15 =	sld [smem:$0x781];
	_ =	sdelay $0x1  }
0x5ab: {  	s16 =	simm.s32 $0x12C00  }
0x5ac: {  	[spmem:s15] =	stream.linear.scatter [tilespmem:s16], [sflag:$0x3], $0x80, $0x38;
	[tilespmem:$0x19800] =	vst v63  }
0x5ad: {  	s15 =	sld [smem:$0x782];
	_ =	sdelay $0x1  }
0x5ae: {  	s16 =	simm.s32 $0x12E00  }
0x5af: {  	[spmem:s15] =	stream.linear.scatter [tilespmem:s16], [sflag:$0x3], $0x80, $0x38;
	[tilespmem:$0x19800] =	vst v63  }
0x5b0: {  	s15 =	sld [smem:$0x783];
	_ =	sdelay $0x1  }
0x5b1: {  	s16 =	simm.s32 $0x13000  }
0x5b2: {  	[spmem:s15] =	stream.linear.scatter [tilespmem:s16], [sflag:$0x3], $0x80, $0x38;
	[tilespmem:$0x19800] =	vst v63  }
0x5b3: {  	s15 =	sld [smem:$0x784];
	_ =	sdelay $0x1  }
0x5b4: {  	s16 =	sld [smem:$0x785]  }
0x5b5: {  	[spmem:s15] =	stream.linear.scatter [tilespmem:s29], [sflag:$0x3], $0x80, $0x38;
	[tilespmem:$0x19800] =	vst v63  }
0x5b6: {  	s2 =	sld [smem:$0x786]  }
0x5b7: {  	[spmem:s16] =	stream.linear.scatter [tilespmem:s30], [sflag:$0x3], $0x80, $0x38;
	[tilespmem:$0x19800] =	vst v63  }
0x5b8: {  	s15 =	sld [smem:$0x787]  }
0x5b9: {  	[spmem:s2] =	stream.linear.scatter [tilespmem:s31], [sflag:$0x3], $0x80, $0x38;
	[tilespmem:$0x19800] =	vst v63  }
0x5ba: {  	s16 =	simm.s32 $0x13800  }
0x5bb: {  	[spmem:s15] =	stream.linear.scatter [tilespmem:s16], [sflag:$0x3], $0x80, $0x38;
	[tilespmem:$0x19800] =	vst v63  }
0x5bc: {  	s15 =	sld [smem:$0x788];
	_ =	sdelay $0x1  }
0x5bd: {  	s16 =	simm.s32 $0x13A00  }
0x5be: {  	[spmem:s15] =	stream.linear.scatter [tilespmem:s16], [sflag:$0x3], $0x80, $0x38;
	[tilespmem:$0x19800] =	vst v63  }
0x5bf: {  	s15 =	sld [smem:$0x789];
	_ =	sdelay $0x1  }
0x5c0: {  	s16 =	simm.s32 $0x13C00  }
0x5c1: {  	[spmem:s15] =	stream.linear.scatter [tilespmem:s16], [sflag:$0x3], $0x80, $0x38;
	[tilespmem:$0x19800] =	vst v63  }
0x5c2: {  	s15 =	sld [smem:$0x78A];
	_ =	sdelay $0x1  }
0x5c3: {  	s16 =	simm.s32 $0x13E00  }
0x5c4: {  	[spmem:s15] =	stream.linear.scatter [tilespmem:s16], [sflag:$0x3], $0x80, $0x38;
	[tilespmem:$0x19800] =	vst v63  }
0x5c5: {  	s15 =	sld [smem:$0x78B];
	_ =	sdelay $0x1  }
0x5c6: {  	s16 =	simm.s32 $0x14000  }
0x5c7: {  	[spmem:s15] =	stream.linear.scatter [tilespmem:s16], [sflag:$0x3], $0x80, $0x38;
	[tilespmem:$0x19800] =	vst v63  }
0x5c8: {  	s15 =	sld [smem:$0x78C];
	_ =	sdelay $0x1  }
0x5c9: {  	s2 =	sld [smem:$0x78D];
	s16 =	simm.s32 $0x14200  }
0x5ca: {  	[spmem:s15] =	stream.linear.scatter [tilespmem:s16], [sflag:$0x3], $0x80, $0x38;
	[tilespmem:$0x19800] =	vst v63  }
0x5cb: {  	s22 =	simm.s32 $0x14400;
	s15 =	sld [smem:$0x78E]  }
0x5cc: {  	[spmem:s2] =	stream.linear.scatter [tilespmem:s22], [sflag:$0x3], $0x80, $0x38;
	[tilespmem:$0x19800] =	vst v63  }
0x5cd: {  	s22 =	simm.s32 $0x14600;
	s2 =	sld [smem:$0x78F]  }
0x5ce: {  	[spmem:s15] =	stream.linear.scatter [tilespmem:s22], [sflag:$0x3], $0x80, $0x38;
	[tilespmem:$0x19800] =	vst v63  }
0x5cf: {  	s21 =	simm.s32 $0x14800  }
0x5d0: {  	[spmem:s2] =	stream.linear.scatter [tilespmem:s21], [sflag:$0x3], $0x80, $0x38;
	[tilespmem:$0x19800] =	vst v63  }
0x5d1: {  	s21 =	sld [smem:$0x790];
	_ =	sdelay $0x1  }
0x5d2: {  	s18 =	simm.s32 $0x14A00;
	s2 =	sld [smem:$0x791]  }
0x5d3: {  	[spmem:s21] =	stream.linear.scatter [tilespmem:s18], [sflag:$0x3], $0x80, $0x38;
	[tilespmem:$0x19800] =	vst v63  }
0x5d4: {  	s20 =	simm.s32 $0x14C00;
	s18 =	sld [smem:$0x792]  }
0x5d5: {  	[spmem:s2] =	stream.linear.scatter [tilespmem:s20], [sflag:$0x3], $0x80, $0x38;
	[tilespmem:$0x19800] =	vst v63  }
0x5d6: {  	s19 =	simm.s32 $0x14E00  }
0x5d7: {  	[spmem:s18] =	stream.linear.scatter [tilespmem:s19], [sflag:$0x3], $0x80, $0x38;
	[tilespmem:$0x19800] =	vst v63  }
0x5d8: {  	s19 =	sld [smem:$0x793];
	_ =	sdelay $0x1  }
0x5d9: {  	s17 =	simm.s32 $0x15000;
	s2 =	sld [smem:$0x794]  }
0x5da: {  	[spmem:s19] =	stream.linear.scatter [tilespmem:s17], [sflag:$0x3], $0x80, $0x38;
	[tilespmem:$0x19800] =	vst v63  }
0x5db: {  	s7 =	simm.s32 $0x15200  }
0x5dc: {  	[spmem:s2] =	stream.linear.scatter [tilespmem:s7], [sflag:$0x3], $0x80, $0x38;
	[tilespmem:$0x19800] =	vst v63  }
0x5dd: {  	s7 =	sld [smem:$0x795];
	_ =	sdelay $0x1  }
0x5de: {  	s14 =	simm.s32 $0x15400;
	s19 =	sld [smem:$0x796]  }
0x5df: {  	[spmem:s7] =	stream.linear.scatter [tilespmem:s14], [sflag:$0x3], $0x80, $0x38;
	[tilespmem:$0x19800] =	vst v63  }
0x5e0: {  	s11 =	simm.s32 $0x15600;
	s7 =	sld [smem:$0x797]  }
0x5e1: {  	[spmem:s19] =	stream.linear.scatter [tilespmem:s11], [sflag:$0x3], $0x80, $0x38;
	[tilespmem:$0x19800] =	vst v63  }
0x5e2: {  	s8 =	simm.s32 $0x15800  }
0x5e3: {  	[spmem:s7] =	stream.linear.scatter [tilespmem:s8], [sflag:$0x3], $0x80, $0x38;
	[tilespmem:$0x19800] =	vst v63  }
0x5e4: {  	s8 =	sld [smem:$0x798];
	_ =	sdelay $0x1  }
0x5e5: {  	s13 =	simm.s32 $0x15A00;
	s19 =	sld [smem:$0x799]  }
0x5e6: {  	[spmem:s8] =	stream.linear.scatter [tilespmem:s13], [sflag:$0x3], $0x80, $0x38;
	[tilespmem:$0x19800] =	vst v63  }
0x5e7: {  	s12 =	simm.s32 $0x15C00;
	s8 =	sld [smem:$0x79A]  }
0x5e8: {  	[spmem:s19] =	stream.linear.scatter [tilespmem:s12], [sflag:$0x3], $0x80, $0x38;
	[tilespmem:$0x19800] =	vst v63  }
0x5e9: {  	s10 =	simm.s32 $0x15E00  }
0x5ea: {  	[spmem:s8] =	stream.linear.scatter [tilespmem:s10], [sflag:$0x3], $0x80, $0x38;
	[tilespmem:$0x19800] =	vst v63  }
0x5eb: {  	s10 =	sld [smem:$0x79B];
	_ =	sdelay $0x1  }
0x5ec: {  	s1 =	simm.s32 $0x16000;
	s19 =	sld [smem:$0x79C]  }
0x5ed: {  	[spmem:s10] =	stream.linear.scatter [tilespmem:s1], [sflag:$0x3], $0x80, $0x38;
	[tilespmem:$0x19800] =	vst v63  }
0x5ee: {  	s9 =	simm.s32 $0x16200  }
0x5ef: {  	[spmem:s19] =	stream.linear.scatter [tilespmem:s9], [sflag:$0x3], $0x80, $0x38;
	[tilespmem:$0x19800] =	vst v63  }
0x5f0: {  	s9 =	sld [smem:$0x79D];
	_ =	sdelay $0x1  }
0x5f1: {  	s6 =	simm.s32 $0x16400;
	s19 =	sld [smem:$0x79E]  }
0x5f2: {  	[spmem:s9] =	stream.linear.scatter [tilespmem:s6], [sflag:$0x3], $0x80, $0x38;
	[tilespmem:$0x19800] =	vst v63  }
0x5f3: {  	s4 =	simm.s32 $0x16600  }
0x5f4: {  	[spmem:s19] =	stream.linear.scatter [tilespmem:s4], [sflag:$0x3], $0x80, $0x38;
	[tilespmem:$0x19800] =	vst v63  }
0x5f5: {  	_ =	swait.ge [sflag:s28], $0x1000  }
0x5f6: {  	[sflag:s28] =	ssyncset.done $0x0  }
0x5f7: {  	s19 =	simm.s32 $0x12800;
	s4 =	rddreg [dreg:$0x11];
	[sflag:s28] =	ssyncadd.s32 $0xFFFFF000  }
0x5f8: {  	[spmem:s4] =	stream.linear.scatter [tilespmem:s19], [sflag:$0x3], $0x80, $0x38;
	[tilespmem:$0x19800] =	vst v63  }
0x5f9: {  	s4 =	sld [smem:$0x79F];
	_ =	sdelay $0x1  }
0x5fa: {  	s19 =	simm.s32 $0x12A00  }
0x5fb: {  	[spmem:s4] =	stream.linear.scatter [tilespmem:s19], [sflag:$0x3], $0x80, $0x38;
	[tilespmem:$0x19800] =	vst v63  }
0x5fc: {  	s4 =	sld [smem:$0x7A0];
	_ =	sdelay $0x1  }
0x5fd: {  	s19 =	simm.s32 $0x12C00  }
0x5fe: {  	[spmem:s4] =	stream.linear.scatter [tilespmem:s19], [sflag:$0x3], $0x80, $0x38;
	[tilespmem:$0x19800] =	vst v63  }
0x5ff: {  	s4 =	sld [smem:$0x7A1];
	_ =	sdelay $0x1  }
0x600: {  	s19 =	simm.s32 $0x12E00  }
0x601: {  	[spmem:s4] =	stream.linear.scatter [tilespmem:s19], [sflag:$0x3], $0x80, $0x38;
	[tilespmem:$0x19800] =	vst v63  }
0x602: {  	s4 =	sld [smem:$0x7A2];
	_ =	sdelay $0x1  }
0x603: {  	s19 =	simm.s32 $0x13000  }
0x604: {  	[spmem:s4] =	stream.linear.scatter [tilespmem:s19], [sflag:$0x3], $0x80, $0x38;
	[tilespmem:$0x19800] =	vst v63  }
0x605: {  	s19 =	sld [smem:$0x7A3];
	_ =	sdelay $0x1  }
0x606: {  	s4 =	sld [smem:$0x7A4]  }
0x607: {  	[spmem:s19] =	stream.linear.scatter [tilespmem:s29], [sflag:$0x3], $0x80, $0x38;
	[tilespmem:$0x19800] =	vst v63  }
0x608: {  	s19 =	sld [smem:$0x7A5]  }
0x609: {  	[spmem:s4] =	stream.linear.scatter [tilespmem:s30], [sflag:$0x3], $0x80, $0x38;
	[tilespmem:$0x19800] =	vst v63  }
0x60a: {  	s4 =	sld [smem:$0x7A6]  }
0x60b: {  	[spmem:s19] =	stream.linear.scatter [tilespmem:s31], [sflag:$0x3], $0x80, $0x38;
	[tilespmem:$0x19800] =	vst v63  }
0x60c: {  	s19 =	simm.s32 $0x13800  }
0x60d: {  	[spmem:s4] =	stream.linear.scatter [tilespmem:s19], [sflag:$0x3], $0x80, $0x38;
	[tilespmem:$0x19800] =	vst v63  }
0x60e: {  	s4 =	sld [smem:$0x7A7];
	_ =	sdelay $0x1  }
0x60f: {  	s19 =	simm.s32 $0x13A00  }
0x610: {  	[spmem:s4] =	stream.linear.scatter [tilespmem:s19], [sflag:$0x3], $0x80, $0x38;
	[tilespmem:$0x19800] =	vst v63  }
0x611: {  	s4 =	sld [smem:$0x7A8];
	_ =	sdelay $0x1  }
0x612: {  	s19 =	simm.s32 $0x13C00  }
0x613: {  	[spmem:s4] =	stream.linear.scatter [tilespmem:s19], [sflag:$0x3], $0x80, $0x38;
	[tilespmem:$0x19800] =	vst v63  }
0x614: {  	s4 =	sld [smem:$0x7A9];
	_ =	sdelay $0x1  }
0x615: {  	s19 =	simm.s32 $0x13E00  }
0x616: {  	[spmem:s4] =	stream.linear.scatter [tilespmem:s19], [sflag:$0x3], $0x80, $0x38;
	[tilespmem:$0x19800] =	vst v63  }
0x617: {  	s4 =	sld [smem:$0x7AA];
	_ =	sdelay $0x1  }
0x618: {  	s19 =	simm.s32 $0x14000  }
0x619: {  	[spmem:s4] =	stream.linear.scatter [tilespmem:s19], [sflag:$0x3], $0x80, $0x38;
	[tilespmem:$0x19800] =	vst v63  }
0x61a: {  	s4 =	sld [smem:$0x7AB];
	_ =	sdelay $0x1  }
0x61b: {  	s16 =	simm.s32 $0x14200  }
0x61c: {  	[spmem:s4] =	stream.linear.scatter [tilespmem:s16], [sflag:$0x3], $0x80, $0x38;
	[tilespmem:$0x19800] =	vst v63  }
0x61d: {  	s16 =	sld [smem:$0x7AC];
	_ =	sdelay $0x1  }
0x61e: {  	s19 =	simm.s32 $0x14400;
	s4 =	sld [smem:$0x7AD]  }
0x61f: {  	[spmem:s16] =	stream.linear.scatter [tilespmem:s19], [sflag:$0x3], $0x80, $0x38;
	[tilespmem:$0x19800] =	vst v63  }
0x620: {  	s15 =	simm.s32 $0x14600  }
0x621: {  	[spmem:s4] =	stream.linear.scatter [tilespmem:s15], [sflag:$0x3], $0x80, $0x38;
	[tilespmem:$0x19800] =	vst v63  }
0x622: {  	s15 =	sld [smem:$0x7AE];
	_ =	sdelay $0x1  }
0x623: {  	s22 =	simm.s32 $0x14800;
	s4 =	sld [smem:$0x7AF]  }
0x624: {  	[spmem:s15] =	stream.linear.scatter [tilespmem:s22], [sflag:$0x3], $0x80, $0x38;
	[tilespmem:$0x19800] =	vst v63  }
0x625: {  	s21 =	simm.s32 $0x14A00;
	s15 =	sld [smem:$0x7B0]  }
0x626: {  	[spmem:s4] =	stream.linear.scatter [tilespmem:s21], [sflag:$0x3], $0x80, $0x38;
	[tilespmem:$0x19800] =	vst v63  }
0x627: {  	s20 =	simm.s32 $0x14C00;
	s4 =	sld [smem:$0x7B1]  }
0x628: {  	[spmem:s15] =	stream.linear.scatter [tilespmem:s20], [sflag:$0x3], $0x80, $0x38;
	[tilespmem:$0x19800] =	vst v63  }
0x629: {  	s18 =	simm.s32 $0x14E00;
	s15 =	sld [smem:$0x7B2]  }
0x62a: {  	[spmem:s4] =	stream.linear.scatter [tilespmem:s18], [sflag:$0x3], $0x80, $0x38;
	[tilespmem:$0x19800] =	vst v63  }
0x62b: {  	s17 =	simm.s32 $0x15000;
	s4 =	sld [smem:$0x7B3]  }
0x62c: {  	[spmem:s15] =	stream.linear.scatter [tilespmem:s17], [sflag:$0x3], $0x80, $0x38;
	[tilespmem:$0x19800] =	vst v63  }
0x62d: {  	s2 =	simm.s32 $0x15200;
	s15 =	sld [smem:$0x7B4]  }
0x62e: {  	[spmem:s4] =	stream.linear.scatter [tilespmem:s2], [sflag:$0x3], $0x80, $0x38;
	[tilespmem:$0x19800] =	vst v63  }
0x62f: {  	s14 =	simm.s32 $0x15400;
	s2 =	sld [smem:$0x7B5]  }
0x630: {  	[spmem:s15] =	stream.linear.scatter [tilespmem:s14], [sflag:$0x3], $0x80, $0x38;
	[tilespmem:$0x19800] =	vst v63  }
0x631: {  	s11 =	simm.s32 $0x15600;
	s14 =	sld [smem:$0x7B6]  }
0x632: {  	[spmem:s2] =	stream.linear.scatter [tilespmem:s11], [sflag:$0x3], $0x80, $0x38;
	[tilespmem:$0x19800] =	vst v63  }
0x633: {  	s7 =	simm.s32 $0x15800;
	s2 =	sld [smem:$0x7B7]  }
0x634: {  	[spmem:s14] =	stream.linear.scatter [tilespmem:s7], [sflag:$0x3], $0x80, $0x38;
	[tilespmem:$0x19800] =	vst v63  }
0x635: {  	s13 =	simm.s32 $0x15A00  }
0x636: {  	[spmem:s2] =	stream.linear.scatter [tilespmem:s13], [sflag:$0x3], $0x80, $0x38;
	[tilespmem:$0x19800] =	vst v63  }
0x637: {  	s13 =	sld [smem:$0x7B8];
	_ =	sdelay $0x1  }
0x638: {  	s12 =	simm.s32 $0x15C00;
	s2 =	sld [smem:$0x7B9]  }
0x639: {  	[spmem:s13] =	stream.linear.scatter [tilespmem:s12], [sflag:$0x3], $0x80, $0x38;
	[tilespmem:$0x19800] =	vst v63  }
0x63a: {  	s8 =	simm.s32 $0x15E00  }
0x63b: {  	[spmem:s2] =	stream.linear.scatter [tilespmem:s8], [sflag:$0x3], $0x80, $0x38;
	[tilespmem:$0x19800] =	vst v63  }
0x63c: {  	s8 =	sld [smem:$0x7BA];
	_ =	sdelay $0x1  }
0x63d: {  	s1 =	simm.s32 $0x16000;
	s12 =	sld [smem:$0x7BB]  }
0x63e: {  	[spmem:s8] =	stream.linear.scatter [tilespmem:s1], [sflag:$0x3], $0x80, $0x38;
	[tilespmem:$0x19800] =	vst v63  }
0x63f: {  	s10 =	simm.s32 $0x16200;
	s8 =	sld [smem:$0x7BC]  }
0x640: {  	[spmem:s12] =	stream.linear.scatter [tilespmem:s10], [sflag:$0x3], $0x80, $0x38;
	[tilespmem:$0x19800] =	vst v63  }
0x641: {  	s9 =	simm.s32 $0x16400;
	s10 =	sld [smem:$0x7BD]  }
0x642: {  	[spmem:s8] =	stream.linear.scatter [tilespmem:s9], [sflag:$0x3], $0x80, $0x38;
	[tilespmem:$0x19800] =	vst v63  }
0x643: {  	s6 =	simm.s32 $0x16600  }
0x644: {  	[spmem:s10] =	stream.linear.scatter [tilespmem:s6], [sflag:$0x3], $0x80, $0x38;
	[tilespmem:$0x19800] =	vst v63  }
0x645: {  	_ =	swait.ge [sflag:s28], $0x1000  }
0x646: {  	[sflag:s28] =	ssyncset.done $0x0;
	s6 =	rddreg [dreg:$0x12]  }
0x647: {  	s10 =	simm.s32 $0x12800;
	s0 =	sld [smem:$0x7BE];
	[sflag:s28] =	ssyncadd.s32 $0xFFFFF000  }
0x648: {  	[spmem:s6] =	stream.linear.scatter [tilespmem:s10], [sflag:$0x3], $0x80, $0x38;
	[tilespmem:$0x19800] =	vst v63  }
0x649: {  	s6 =	simm.s32 $0x12A00  }
0x64a: {  	[spmem:s0] =	stream.linear.scatter [tilespmem:s6], [sflag:$0x3], $0x80, $0x38;
	[tilespmem:$0x19800] =	vst v63  }
0x64b: {  	s0 =	sld [smem:$0x7BF];
	_ =	sdelay $0x1  }
0x64c: {  	s6 =	simm.s32 $0x12C00  }
0x64d: {  	[spmem:s0] =	stream.linear.scatter [tilespmem:s6], [sflag:$0x3], $0x80, $0x38;
	[tilespmem:$0x19800] =	vst v63  }
0x64e: {  	s0 =	sld [smem:$0x7C0];
	_ =	sdelay $0x1  }
0x64f: {  	s6 =	simm.s32 $0x12E00  }
0x650: {  	[spmem:s0] =	stream.linear.scatter [tilespmem:s6], [sflag:$0x3], $0x80, $0x38;
	[tilespmem:$0x19800] =	vst v63  }
0x651: {  	s0 =	sld [smem:$0x7C1];
	_ =	sdelay $0x1  }
0x652: {  	s6 =	simm.s32 $0x13000  }
0x653: {  	[spmem:s0] =	stream.linear.scatter [tilespmem:s6], [sflag:$0x3], $0x80, $0x38;
	[tilespmem:$0x19800] =	vst v63  }
0x654: {  	s6 =	sld [smem:$0x7C2];
	_ =	sdelay $0x2  }
0x655: {  	[spmem:s6] =	stream.linear.scatter [tilespmem:s29], [sflag:$0x3], $0x80, $0x38;
	[tilespmem:$0x19800] =	vst v63  }
0x656: {  	s6 =	sld [smem:$0x7C3];
	_ =	sdelay $0x2  }
0x657: {  	[spmem:s6] =	stream.linear.scatter [tilespmem:s30], [sflag:$0x3], $0x80, $0x38;
	[tilespmem:$0x19800] =	vst v63  }
0x658: {  	s6 =	sld [smem:$0x7C4];
	_ =	sdelay $0x1  }
0x659: {  	s0 =	sld [smem:$0x7C5]  }
0x65a: {  	[spmem:s6] =	stream.linear.scatter [tilespmem:s31], [sflag:$0x3], $0x80, $0x38;
	[tilespmem:$0x19800] =	vst v63  }
0x65b: {  	s6 =	simm.s32 $0x13800  }
0x65c: {  	[spmem:s0] =	stream.linear.scatter [tilespmem:s6], [sflag:$0x3], $0x80, $0x38;
	[tilespmem:$0x19800] =	vst v63  }
0x65d: {  	s0 =	sld [smem:$0x7C6];
	_ =	sdelay $0x1  }
0x65e: {  	s6 =	simm.s32 $0x13A00  }
0x65f: {  	[spmem:s0] =	stream.linear.scatter [tilespmem:s6], [sflag:$0x3], $0x80, $0x38;
	[tilespmem:$0x19800] =	vst v63  }
0x660: {  	s0 =	sld [smem:$0x7C7];
	_ =	sdelay $0x1  }
0x661: {  	s6 =	simm.s32 $0x13C00  }
0x662: {  	[spmem:s0] =	stream.linear.scatter [tilespmem:s6], [sflag:$0x3], $0x80, $0x38;
	[tilespmem:$0x19800] =	vst v63  }
0x663: {  	s0 =	sld [smem:$0x7C8];
	_ =	sdelay $0x1  }
0x664: {  	s6 =	simm.s32 $0x13E00  }
0x665: {  	[spmem:s0] =	stream.linear.scatter [tilespmem:s6], [sflag:$0x3], $0x80, $0x38;
	[tilespmem:$0x19800] =	vst v63  }
0x666: {  	s0 =	sld [smem:$0x7C9];
	_ =	sdelay $0x1  }
0x667: {  	s6 =	simm.s32 $0x14000  }
0x668: {  	[spmem:s0] =	stream.linear.scatter [tilespmem:s6], [sflag:$0x3], $0x80, $0x38;
	[tilespmem:$0x19800] =	vst v63  }
0x669: {  	s0 =	sld [smem:$0x7CA];
	_ =	sdelay $0x1  }
0x66a: {  	s6 =	simm.s32 $0x14200  }
0x66b: {  	[spmem:s0] =	stream.linear.scatter [tilespmem:s6], [sflag:$0x3], $0x80, $0x38;
	[tilespmem:$0x19800] =	vst v63  }
0x66c: {  	s0 =	sld [smem:$0x7CB];
	_ =	sdelay $0x1  }
0x66d: {  	s16 =	simm.s32 $0x14400  }
0x66e: {  	[spmem:s0] =	stream.linear.scatter [tilespmem:s16], [sflag:$0x3], $0x80, $0x38;
	[tilespmem:$0x19800] =	vst v63  }
0x66f: {  	s0 =	sld [smem:$0x7CC];
	_ =	sdelay $0x1  }
0x670: {  	s19 =	simm.s32 $0x14600  }
0x671: {  	[spmem:s0] =	stream.linear.scatter [tilespmem:s19], [sflag:$0x3], $0x80, $0x38;
	[tilespmem:$0x19800] =	vst v63  }
0x672: {  	s0 =	sld [smem:$0x7CD];
	_ =	sdelay $0x1  }
0x673: {  	s22 =	simm.s32 $0x14800  }
0x674: {  	[spmem:s0] =	stream.linear.scatter [tilespmem:s22], [sflag:$0x3], $0x80, $0x38;
	[tilespmem:$0x19800] =	vst v63  }
0x675: {  	s0 =	sld [smem:$0x7CE];
	_ =	sdelay $0x1  }
0x676: {  	s21 =	simm.s32 $0x14A00  }
0x677: {  	[spmem:s0] =	stream.linear.scatter [tilespmem:s21], [sflag:$0x3], $0x80, $0x38;
	[tilespmem:$0x19800] =	vst v63  }
0x678: {  	s0 =	sld [smem:$0x7CF];
	_ =	sdelay $0x1  }
0x679: {  	s20 =	simm.s32 $0x14C00  }
0x67a: {  	[spmem:s0] =	stream.linear.scatter [tilespmem:s20], [sflag:$0x3], $0x80, $0x38;
	[tilespmem:$0x19800] =	vst v63  }
0x67b: {  	s0 =	sld [smem:$0x7D0];
	_ =	sdelay $0x1  }
0x67c: {  	s18 =	simm.s32 $0x14E00  }
0x67d: {  	[spmem:s0] =	stream.linear.scatter [tilespmem:s18], [sflag:$0x3], $0x80, $0x38;
	[tilespmem:$0x19800] =	vst v63  }
0x67e: {  	s0 =	sld [smem:$0x7D1];
	_ =	sdelay $0x1  }
0x67f: {  	s17 =	simm.s32 $0x15000  }
0x680: {  	[spmem:s0] =	stream.linear.scatter [tilespmem:s17], [sflag:$0x3], $0x80, $0x38;
	[tilespmem:$0x19800] =	vst v63  }
0x681: {  	s0 =	sld [smem:$0x7D2];
	_ =	sdelay $0x1  }
0x682: {  	s4 =	simm.s32 $0x15200  }
0x683: {  	[spmem:s0] =	stream.linear.scatter [tilespmem:s4], [sflag:$0x3], $0x80, $0x38;
	[tilespmem:$0x19800] =	vst v63  }
0x684: {  	s0 =	sld [smem:$0x7D3];
	_ =	sdelay $0x1  }
0x685: {  	s15 =	simm.s32 $0x15400  }
0x686: {  	[spmem:s0] =	stream.linear.scatter [tilespmem:s15], [sflag:$0x3], $0x80, $0x38;
	[tilespmem:$0x19800] =	vst v63  }
0x687: {  	s0 =	sld [smem:$0x7D4];
	_ =	sdelay $0x1  }
0x688: {  	s11 =	simm.s32 $0x15600  }
0x689: {  	[spmem:s0] =	stream.linear.scatter [tilespmem:s11], [sflag:$0x3], $0x80, $0x38;
	[tilespmem:$0x19800] =	vst v63  }
0x68a: {  	s11 =	sld [smem:$0x7D5];
	_ =	sdelay $0x1  }
0x68b: {  	s7 =	simm.s32 $0x15800  }
0x68c: {  	[spmem:s11] =	stream.linear.scatter [tilespmem:s7], [sflag:$0x3], $0x80, $0x38;
	[tilespmem:$0x19800] =	vst v63  }
0x68d: {  	s11 =	sld [smem:$0x7D6];
	_ =	sdelay $0x1  }
0x68e: {  	s14 =	simm.s32 $0x15A00  }
0x68f: {  	[spmem:s11] =	stream.linear.scatter [tilespmem:s14], [sflag:$0x3], $0x80, $0x38;
	[tilespmem:$0x19800] =	vst v63  }
0x690: {  	s11 =	sld [smem:$0x7D7];
	_ =	sdelay $0x1  }
0x691: {  	s13 =	simm.s32 $0x15C00  }
0x692: {  	[spmem:s11] =	stream.linear.scatter [tilespmem:s13], [sflag:$0x3], $0x80, $0x38;
	[tilespmem:$0x19800] =	vst v63  }
0x693: {  	s11 =	sld [smem:$0x7D8];
	_ =	sdelay $0x1  }
0x694: {  	s2 =	simm.s32 $0x15E00  }
0x695: {  	[spmem:s11] =	stream.linear.scatter [tilespmem:s2], [sflag:$0x3], $0x80, $0x38;
	[tilespmem:$0x19800] =	vst v63  }
0x696: {  	s11 =	sld [smem:$0x7D9];
	_ =	sdelay $0x1  }
0x697: {  	s1 =	simm.s32 $0x16000  }
0x698: {  	[spmem:s11] =	stream.linear.scatter [tilespmem:s1], [sflag:$0x3], $0x80, $0x38;
	[tilespmem:$0x19800] =	vst v63  }
0x699: {  	s11 =	sld [smem:$0x7DA];
	_ =	sdelay $0x1  }
0x69a: {  	s12 =	simm.s32 $0x16200  }
0x69b: {  	[spmem:s11] =	stream.linear.scatter [tilespmem:s12], [sflag:$0x3], $0x80, $0x38;
	[tilespmem:$0x19800] =	vst v63  }
0x69c: {  	s11 =	sld [smem:$0x7DB];
	_ =	sdelay $0x1  }
0x69d: {  	s9 =	simm.s32 $0x16400  }
0x69e: {  	[spmem:s11] =	stream.linear.scatter [tilespmem:s9], [sflag:$0x3], $0x80, $0x38;
	[tilespmem:$0x19800] =	vst v63  }
0x69f: {  	s11 =	sld [smem:$0x7DC];
	_ =	sdelay $0x1  }
0x6a0: {  	s8 =	simm.s32 $0x16600  }
0x6a1: {  	[spmem:s11] =	stream.linear.scatter [tilespmem:s8], [sflag:$0x3], $0x80, $0x38;
	[tilespmem:$0x19800] =	vst v63  }
0x6a2: {  	_ =	swait.ge [sflag:s28], $0x1000  }
0x6a3: {  	[sflag:s28] =	ssyncset.done $0x0;
	s11 =	sld [smem:$0x7DD]  }
0x6a4: {  	s10 =	simm.s32 $0x12800;
	[sflag:s28] =	ssyncadd.s32 $0xFFFFF000;
	s28 =	rddreg [dreg:$0x14]  }
0x6a5: {  	[spmem:s28] =	stream.linear.scatter [tilespmem:s10], [sflag:$0x3], $0x80, $0x38;
	[tilespmem:$0x19800] =	vst v63  }
0x6a6: {  	s28 =	simm.s32 $0x12A00  }
0x6a7: {  	[spmem:s11] =	stream.linear.scatter [tilespmem:s28], [sflag:$0x3], $0x80, $0x38;
	[tilespmem:$0x19800] =	vst v63  }
0x6a8: {  	s11 =	sld [smem:$0x7DE];
	_ =	sdelay $0x1  }
0x6a9: {  	s28 =	simm.s32 $0x12C00  }
0x6aa: {  	[spmem:s11] =	stream.linear.scatter [tilespmem:s28], [sflag:$0x3], $0x80, $0x38;
	[tilespmem:$0x19800] =	vst v63  }
0x6ab: {  	s11 =	sld [smem:$0x7DF];
	_ =	sdelay $0x1  }
0x6ac: {  	s10 =	sld [smem:$0x7E0];
	s28 =	simm.s32 $0x12E00  }
0x6ad: {  	[spmem:s11] =	stream.linear.scatter [tilespmem:s28], [sflag:$0x3], $0x80, $0x38;
	[tilespmem:$0x19800] =	vst v63  }
0x6ae: {  	s11 =	simm.s32 $0x13000;
	s28 =	sld [smem:$0x7E1]  }
0x6af: {  	[spmem:s10] =	stream.linear.scatter [tilespmem:s11], [sflag:$0x3], $0x80, $0x38;
	[tilespmem:$0x19800] =	vst v63  }
0x6b0: {  	_ = 	snop  }
0x6b1: {  	[spmem:s28] =	stream.linear.scatter [tilespmem:s29], [sflag:$0x3], $0x80, $0x38;
	[tilespmem:$0x19800] =	vst v63  }
0x6b2: {  	s29 =	sld [smem:$0x7E2];
	_ =	sdelay $0x2  }
0x6b3: {  	[spmem:s29] =	stream.linear.scatter [tilespmem:s30], [sflag:$0x3], $0x80, $0x38;
	[tilespmem:$0x19800] =	vst v63  }
0x6b4: {  	s30 =	sld [smem:$0x7E3];
	_ =	sdelay $0x1  }
0x6b5: {  	s10 =	sld [smem:$0x7E4]  }
0x6b6: {  	[spmem:s30] =	stream.linear.scatter [tilespmem:s31], [sflag:$0x3], $0x80, $0x38;
	[tilespmem:$0x19800] =	vst v63  }
0x6b7: {  	s11 =	simm.s32 $0x13800;
	s28 =	sld [smem:$0x7E5]  }
0x6b8: {  	[spmem:s10] =	stream.linear.scatter [tilespmem:s11], [sflag:$0x3], $0x80, $0x38;
	[tilespmem:$0x19800] =	vst v63  }
0x6b9: {  	s29 =	simm.s32 $0x13A00;
	s30 =	sld [smem:$0x7E6]  }
0x6ba: {  	[spmem:s28] =	stream.linear.scatter [tilespmem:s29], [sflag:$0x3], $0x80, $0x38;
	[tilespmem:$0x19800] =	vst v63  }
0x6bb: {  	s31 =	simm.s32 $0x13C00;
	s10 =	sld [smem:$0x7E7]  }
0x6bc: {  	[spmem:s30] =	stream.linear.scatter [tilespmem:s31], [sflag:$0x3], $0x80, $0x38;
	[tilespmem:$0x19800] =	vst v63  }
0x6bd: {  	s28 =	simm.s32 $0x13E00;
	s29 =	sld [smem:$0x7E8]  }
0x6be: {  	[spmem:s10] =	stream.linear.scatter [tilespmem:s28], [sflag:$0x3], $0x80, $0x38;
	[tilespmem:$0x19800] =	vst v63  }
0x6bf: {  	s30 =	simm.s32 $0x14000;
	s31 =	sld [smem:$0x7E9]  }
0x6c0: {  	[spmem:s29] =	stream.linear.scatter [tilespmem:s30], [sflag:$0x3], $0x80, $0x38;
	[tilespmem:$0x19800] =	vst v63  }
0x6c1: {  	s6 =	simm.s32 $0x14200;
	s10 =	sld [smem:$0x7EA]  }
0x6c2: {  	[spmem:s31] =	stream.linear.scatter [tilespmem:s6], [sflag:$0x3], $0x80, $0x38;
	[tilespmem:$0x19800] =	vst v63  }
0x6c3: {  	s16 =	simm.s32 $0x14400  }
0x6c4: {  	[spmem:s10] =	stream.linear.scatter [tilespmem:s16], [sflag:$0x3], $0x80, $0x38;
	[tilespmem:$0x19800] =	vst v63  }
0x6c5: {  	s16 =	sld [smem:$0x7EB];
	_ =	sdelay $0x1  }
0x6c6: {  	s19 =	simm.s32 $0x14600;
	s28 =	sld [smem:$0x7EC]  }
0x6c7: {  	[spmem:s16] =	stream.linear.scatter [tilespmem:s19], [sflag:$0x3], $0x80, $0x38;
	[tilespmem:$0x19800] =	vst v63  }
0x6c8: {  	s22 =	simm.s32 $0x14800;
	s29 =	sld [smem:$0x7ED]  }
0x6c9: {  	[spmem:s28] =	stream.linear.scatter [tilespmem:s22], [sflag:$0x3], $0x80, $0x38;
	[tilespmem:$0x19800] =	vst v63  }
0x6ca: {  	s21 =	simm.s32 $0x14A00;
	s30 =	sld [smem:$0x7EE]  }
0x6cb: {  	[spmem:s29] =	stream.linear.scatter [tilespmem:s21], [sflag:$0x3], $0x80, $0x38;
	[tilespmem:$0x19800] =	vst v63  }
0x6cc: {  	s20 =	simm.s32 $0x14C00;
	s31 =	sld [smem:$0x7EF]  }
0x6cd: {  	[spmem:s30] =	stream.linear.scatter [tilespmem:s20], [sflag:$0x3], $0x80, $0x38;
	[tilespmem:$0x19800] =	vst v63  }
0x6ce: {  	s18 =	simm.s32 $0x14E00;
	s6 =	sld [smem:$0x7F0]  }
0x6cf: {  	[spmem:s31] =	stream.linear.scatter [tilespmem:s18], [sflag:$0x3], $0x80, $0x38;
	[tilespmem:$0x19800] =	vst v63  }
0x6d0: {  	s17 =	simm.s32 $0x15000;
	s10 =	sld [smem:$0x7F1]  }
0x6d1: {  	[spmem:s6] =	stream.linear.scatter [tilespmem:s17], [sflag:$0x3], $0x80, $0x38;
	[tilespmem:$0x19800] =	vst v63  }
0x6d2: {  	s4 =	simm.s32 $0x15200;
	s16 =	sld [smem:$0x7F2]  }
0x6d3: {  	[spmem:s10] =	stream.linear.scatter [tilespmem:s4], [sflag:$0x3], $0x80, $0x38;
	[tilespmem:$0x19800] =	vst v63  }
0x6d4: {  	s15 =	simm.s32 $0x15400;
	s17 =	sld [smem:$0x7F3]  }
0x6d5: {  	[spmem:s16] =	stream.linear.scatter [tilespmem:s15], [sflag:$0x3], $0x80, $0x38;
	[tilespmem:$0x19800] =	vst v63  }
0x6d6: {  	s19 =	sld [smem:$0x7F4];
	s18 =	simm.s32 $0x15600  }
0x6d7: {  	[spmem:s17] =	stream.linear.scatter [tilespmem:s18], [sflag:$0x3], $0x80, $0x38;
	[tilespmem:$0x19800] =	vst v63  }
0x6d8: {  	s7 =	simm.s32 $0x15800;
	s20 =	sld [smem:$0x7F5]  }
0x6d9: {  	[spmem:s19] =	stream.linear.scatter [tilespmem:s7], [sflag:$0x3], $0x80, $0x38;
	[tilespmem:$0x19800] =	vst v63  }
0x6da: {  	s14 =	simm.s32 $0x15A00;
	s21 =	sld [smem:$0x7F6]  }
0x6db: {  	[spmem:s20] =	stream.linear.scatter [tilespmem:s14], [sflag:$0x3], $0x80, $0x38;
	[tilespmem:$0x19800] =	vst v63  }
0x6dc: {  	s13 =	simm.s32 $0x15C00;
	s22 =	sld [smem:$0x7F7]  }
0x6dd: {  	[spmem:s21] =	stream.linear.scatter [tilespmem:s13], [sflag:$0x3], $0x80, $0x38;
	[tilespmem:$0x19800] =	vst v63  }
0x6de: {  	s2 =	simm.s32 $0x15E00;
	s28 =	sld [smem:$0x7F8]  }
0x6df: {  	[spmem:s22] =	stream.linear.scatter [tilespmem:s2], [sflag:$0x3], $0x80, $0x38;
	[tilespmem:$0x19800] =	vst v63  }
0x6e0: {  	s1 =	simm.s32 $0x16000;
	s29 =	sld [smem:$0x7F9]  }
0x6e1: {  	[spmem:s28] =	stream.linear.scatter [tilespmem:s1], [sflag:$0x3], $0x80, $0x38;
	[tilespmem:$0x19800] =	vst v63  }
0x6e2: {  	s12 =	simm.s32 $0x16200;
	s30 =	sld [smem:$0x7FA]  }
0x6e3: {  	[spmem:s29] =	stream.linear.scatter [tilespmem:s12], [sflag:$0x3], $0x80, $0x38;
	[tilespmem:$0x19800] =	vst v63  }
0x6e4: {  	s9 =	simm.s32 $0x16400;
	s31 =	sld [smem:$0x7FB]  }
0x6e5: {  	[spmem:s30] =	stream.linear.scatter [tilespmem:s9], [sflag:$0x3], $0x80, $0x38;
	[tilespmem:$0x19800] =	vst v63  }
0x6e6: {  	s8 =	simm.s32 $0x16600;
	s11 =	simm.s32 $0x3  }
0x6e7: {  	[spmem:s31] =	stream.linear.scatter [tilespmem:s8], [sflag:$0x3], $0x80, $0x38;
	[tilespmem:$0x19800] =	vst v63  }
0x6e8: {  	_ =	swait.ge [sflag:s11], $0x1000  }
0x6e9: {  	[sflag:s11] =	ssyncset.done $0x0  }
0x6ea: {  	s0 =	simm.s32 $0x10800;
	s4 =	simm.s32 $0x10;
	[sflag:s11] =	ssyncadd.s32 $0xFFFFF000  }
0x6eb: {  	s9 =	sadd.s32 $0x0, s25;
	s8 =	simm.s32 $0x10900;
	[bflag:$0x0] =	sbarrier.arrive $0xFFFF  }
.LBB2_4:
0x6ec: {  	[tilespmem:s0], [sflag:$0x2] =	stream.linear.gather [hbm4b:s9+s5], $0x80, $0x38;
	[tilespmem:$0x19800] =	vst v63  }
0x6ed: {  	s9 =	smov.u32 s4;
	s0 =	smov.u32 s8;
	p0 =	sne.s32 s4, $0x1F0  }
.Ltmp1:
0x6ee: {  	s4 =	sadd.s32 $0x10, s4;
	(pc) =	sbr.rel @p0 .LBB2_4-.Ltmp1, $2  }
0x6ef: {  	_ =	sdelay $0x2  }
0x6f0: {  	s8 =	sadd.s32 $0x100, s8;
	s9 =	sadd.s32 s9, s25  }
0x6f1: {  	[tilespmem:s0], [sflag:$0x2] =	stream.linear.gather [hbm4b:s9+s5], $0x80, $0x38;
	[tilespmem:$0x19800] =	vst v63  }
0x6f2: {  	s0 =	simm.s32 $0x0;
	s4 =	simm.s32 $0x12800;
	s8 =	simm.s32 $0x10  }
0x6f3: {  	s10 =	sadd.s32 $0x0, s26;
	s9 =	simm.s32 $0x12A00;
	s1 =	sld [smem:$0x615]  }
.LBB2_6:
0x6f4: {  	[tilespmem:s4], [sflag:$0x2] =	stream.linear.gather [hbm4b:s10+s0], $0x80, $0x38;
	[tilespmem:$0x19800] =	vst v63  }
0x6f5: {  	s10 =	smov.u32 s8;
	s4 =	smov.u32 s9;
	p0 =	sne.s32 s8, $0x1F0  }
.Ltmp2:
0x6f6: {  	s8 =	sadd.s32 $0x10, s8;
	(pc) =	sbr.rel @p0 .LBB2_6-.Ltmp2, $2  }
0x6f7: {  	_ =	sdelay $0x2  }
0x6f8: {  	s9 =	sadd.s32 $0x200, s9;
	s10 =	sadd.s32 s10, s26  }
0x6f9: {  	[tilespmem:s4], [sflag:$0x2] =	stream.linear.gather [hbm4b:s10+s0], $0x80, $0x38;
	[tilespmem:$0x19800] =	vst v63  }
0x6fa: {  	s6 =	sld [smem:$0x7FC]  }
0x6fb: {  	s7 =	sld [smem:$0x7FD]  }
.LBB2_8:
0x6fc: {  	p0 =	slt.u32 s0, $0x2  }
0x6fd: {  	p1 =	seq.s32 @!p0 s0, $0x1F  }
0x6fe: {  	p1 =	por p0, !p1  }
.Ltmp3:
0x6ff: {  	_ = 	snop;
	(pc) =	sbr.rel @!p1 .LBB2_14-.Ltmp3, $4  }
0x700: {  	s4 =	simm.s32 @!p0 $0x1  }
0x701: {  	_ =	swait.ge @!p0 [sflag:s4], $0x1000  }
0x702: {  	[sflag:s4] =	ssyncset.done @!p0 $0x0  }
0x703: {  	s28 =	simm.s32 @!p0 $0x20;
	[sflag:s4] =	ssyncadd.s32 @!p0 $0xFFFFF000  }
0x704: {  	s28 =	sadd.s32 $0x1, s0  }
0x705: {  	s4 =	sshll.u32 s28, $0x7;
	s8 =	sshll.u32 s28, $0x9  }
0x706: {  	s22 =	rddreg [dreg:$0x0];
	s9 =	sand.u32 $0x80, s4;
	s4 =	sadd.s32 s6, s8  }
0x707: {  	s8 =	sor.u32 $0x10800, s9;
	s9 =	sadd.s32 s22, s4  }
0x708: {  	s29 =	simm.s32 $0x10;
	s31 =	sadd.s32 $0x0, s9;
	s30 =	sadd.s32 $0x100, s8  }
.LBB2_10:
0x709: {  	[tilespmem:s8], [sflag:$0x2] =	stream.linear.gather [hbm4b:s31+s5], $0x80, $0x38;
	[tilespmem:$0x19800] =	vst v63  }
0x70a: {  	s10 =	smov.u32 s29;
	s8 =	smov.u32 s30;
	p0 =	sne.s32 s29, $0x1F0  }
.Ltmp4:
0x70b: {  	s29 =	sadd.s32 $0x10, s29;
	(pc) =	sbr.rel @p0 .LBB2_10-.Ltmp4, $2  }
0x70c: {  	_ =	sdelay $0x2  }
0x70d: {  	s30 =	sadd.s32 $0x100, s30;
	s31 =	sadd.s32 s10, s9  }
0x70e: {  	s9 =	sand.u32 $0xFF, s28  }
0x70f: {  	s9 =	smul.u32 $0xAB, s9;
	_ =	sdelay $0x1  }
0x710: {  	s9 =	sshrl.u32 s9, $0x9  }
0x711: {  	s9 =	smul.u32 $0x3, s9  }
0x712: {  	[tilespmem:s8], [sflag:$0x2] =	stream.linear.gather [hbm4b:s31+s5], $0x80, $0x38;
	[tilespmem:$0x19800] =	vst v63  }
0x713: {  	s30 =	ssub.s32 s28, s9  }
0x714: {  	s8 =	sand.u32 $0xAF, s30  }
0x715: {  	s31 =	rddreg [dreg:$0x1];
	s8 =	sshll.u32 s8, $0x7  }
0x716: {  	s4 =	sadd.s32 s31, s4;
	s8 =	sor.u32 $0x12800, s8  }
0x717: {  	s10 =	sadd.s32 $0x0, s4;
	s9 =	simm.s32 $0x10;
	s29 =	sadd.s32 $0x200, s8  }
.LBB2_12:
0x718: {  	[tilespmem:s8], [sflag:$0x2] =	stream.linear.gather [hbm4b:s10+s5], $0x80, $0x38;
	[tilespmem:$0x19800] =	vst v63  }
0x719: {  	s10 =	smov.u32 s9;
	s8 =	smov.u32 s29;
	p0 =	sne.s32 s9, $0x1F0  }
.Ltmp5:
0x71a: {  	s9 =	sadd.s32 $0x10, s9;
	(pc) =	sbr.rel @p0 .LBB2_12-.Ltmp5, $2  }
0x71b: {  	_ =	sdelay $0x2  }
0x71c: {  	s29 =	sadd.s32 $0x200, s29;
	s10 =	sadd.s32 s10, s4  }
0x71d: {  	[tilespmem:s8], [sflag:$0x2] =	stream.linear.gather [hbm4b:s10+s5], $0x80, $0x38;
	[tilespmem:$0x19800] =	vst v63  }
.LBB2_14:
0x71e: {  	s4 =	smul.u32 $0xAB, s0;
	_ =	sdelay $0x1  }
0x71f: {  	s4 =	sshrl.u32 s4, $0x9  }
0x720: {  	s4 =	sand.u32 $0x7F, s4  }
0x721: {  	s4 =	smul.u32 $0x3, s4  }
0x722: {  	s20 =	sand.u32 $0x1, s0  }
0x723: {  	s4 =	ssub.s32 s0, s4;
	s0 =	sshll.u32 s20, $0x7  }
0x724: {  	_ =	swait.ge [sflag:s23], $0x1000;
	s21 =	sor.u32 $0x10840, s0  }
0x725: {  	[sflag:s23] =	ssyncset.done $0x0;
	v2 =	vmov s21  }
0x726: {  	[sflag:s23] =	ssyncadd.s32 $0xFFFFF000  }
0x727: {  	_ =	swait.ge [sflag:s23], $0x1000  }
0x728: {  	[sflag:s23] =	ssyncset.done $0x0  }
0x729: {  	s22 =	simm.s32 $0x0;
	[sflag:s23] =	ssyncadd.s32 $0xFFFFF000  }
0x72a: {  	v3 =	vld.idx.msk [tilespmem:v2+s22+$0xFFFFFFC0 ss:$0x1], $0xffff;
	_ =	sdelay $0x4  }
0x72b: {  	v4 =	vshra.s32 v3, $0xB  }
0x72c: {  	v5 =	vand.u32 $0x7FF, v3;
	v4 =	vsub.s32 v4, v0  }
0x72d: {  	s30 =	sand.u32 $0xFF, s4;
	v3 =	vand.u32 $0x7FFF, v3;
	v6 =	vor.u32 v5, v4;
	v4 =	vshll.u32 v4, $0xA  }
0x72e: {  	s29 =	sshll.u32 s30, $0xC;
	v3 =	vor.u32 $0x100000, v3;
	vm0 =	vlt.u32 v6, $0x400;
	v4 =	vadd.s32 v5, v4  }
0x72f: {  	s0 =	sadd.s32 $0x16840, s29;
	v3 =	vsel vm0, v4, v3  }
0x730: {  	[tilespmem:s0+$0xFFFFFFC0] =	vst v3  }
0x731: {  	v3 =	vld.idx.msk [tilespmem:v2+s22+$0xFFFFFFD0 ss:$0x1], $0xffff;
	_ =	sdelay $0x4  }
0x732: {  	v4 =	vshra.s32 v3, $0xB  }
0x733: {  	v5 =	vand.u32 $0x7FF, v3;
	v4 =	vsub.s32 v4, v0  }
0x734: {  	v3 =	vand.u32 $0x7FFF, v3;
	v57 =	vor.u32 v5, v4;
	v4 =	vshll.u32 v4, $0xA  }
0x735: {  	v3 =	vor.u32 $0x100000, v3;
	vm9 =	vlt.u32 v57, $0x400;
	v4 =	vadd.s32 v5, v4  }
0x736: {  	v3 =	vsel vm9, v4, v3  }
0x737: {  	[tilespmem:s0+$0xFFFFFFD0] =	vst v3  }
0x738: {  	v3 =	vld.idx.msk [tilespmem:v2+s22+$0xFFFFFFE0 ss:$0x1], $0xffff;
	_ =	sdelay $0x4  }
0x739: {  	v4 =	vshra.s32 v3, $0xB  }
0x73a: {  	v5 =	vand.u32 $0x7FF, v3;
	v4 =	vsub.s32 v4, v0  }
0x73b: {  	v3 =	vand.u32 $0x7FFF, v3;
	v58 =	vor.u32 v5, v4;
	v4 =	vshll.u32 v4, $0xA  }
0x73c: {  	v3 =	vor.u32 $0x100000, v3;
	vm10 =	vlt.u32 v58, $0x400;
	v4 =	vadd.s32 v5, v4  }
0x73d: {  	v3 =	vsel vm10, v4, v3  }
0x73e: {  	[tilespmem:s0+$0xFFFFFFE0] =	vst v3  }
0x73f: {  	v3 =	vld.idx.msk [tilespmem:v2+s22+$0xFFFFFFF0 ss:$0x1], $0xffff;
	_ =	sdelay $0x4  }
0x740: {  	v4 =	vshra.s32 v3, $0xB  }
0x741: {  	v5 =	vand.u32 $0x7FF, v3;
	v4 =	vsub.s32 v4, v0  }
0x742: {  	v3 =	vand.u32 $0x7FFF, v3;
	v59 =	vor.u32 v5, v4;
	v4 =	vshll.u32 v4, $0xA  }
0x743: {  	v3 =	vor.u32 $0x100000, v3;
	vm11 =	vlt.u32 v59, $0x400;
	v4 =	vadd.s32 v5, v4  }
0x744: {  	v3 =	vsel vm11, v4, v3  }
0x745: {  	[tilespmem:s0+$0xFFFFFFF0] =	vst v3  }
0x746: {  	v3 =	vld.idx.msk [tilespmem:v2+s22+$0x0 ss:$0x1], $0xffff;
	_ =	sdelay $0x4  }
0x747: {  	v4 =	vshra.s32 v3, $0xB  }
0x748: {  	v5 =	vand.u32 $0x7FF, v3;
	v4 =	vsub.s32 v4, v0  }
0x749: {  	v3 =	vand.u32 $0x7FFF, v3;
	v60 =	vor.u32 v5, v4;
	v4 =	vshll.u32 v4, $0xA  }
0x74a: {  	v3 =	vor.u32 $0x100000, v3;
	vm12 =	vlt.u32 v60, $0x400;
	v4 =	vadd.s32 v5, v4  }
0x74b: {  	v3 =	vsel vm12, v4, v3  }
0x74c: {  	[tilespmem:s0+$0x0] =	vst v3  }
0x74d: {  	v3 =	vld.idx.msk [tilespmem:v2+s22+$0x10 ss:$0x1], $0xffff;
	_ =	sdelay $0x4  }
0x74e: {  	v4 =	vshra.s32 v3, $0xB  }
0x74f: {  	v5 =	vand.u32 $0x7FF, v3;
	v4 =	vsub.s32 v4, v0  }
0x750: {  	v3 =	vand.u32 $0x7FFF, v3;
	v61 =	vor.u32 v5, v4;
	v4 =	vshll.u32 v4, $0xA  }
0x751: {  	v3 =	vor.u32 $0x100000, v3;
	vm13 =	vlt.u32 v61, $0x400;
	v4 =	vadd.s32 v5, v4  }
0x752: {  	v3 =	vsel vm13, v4, v3  }
0x753: {  	[tilespmem:s0+$0x10] =	vst v3  }
0x754: {  	v3 =	vld.idx.msk [tilespmem:v2+s22+$0x20 ss:$0x1], $0xffff;
	_ =	sdelay $0x4  }
0x755: {  	v4 =	vshra.s32 v3, $0xB  }
0x756: {  	v5 =	vand.u32 $0x7FF, v3;
	v4 =	vsub.s32 v4, v0  }
0x757: {  	v3 =	vand.u32 $0x7FFF, v3;
	v62 =	vor.u32 v5, v4;
	v4 =	vshll.u32 v4, $0xA  }
0x758: {  	v3 =	vor.u32 $0x100000, v3;
	vm14 =	vlt.u32 v62, $0x400;
	v4 =	vadd.s32 v5, v4  }
0x759: {  	v3 =	vsel vm14, v4, v3  }
0x75a: {  	[tilespmem:s0+$0x20] =	vst v3  }
0x75b: {  	v3 =	vld.idx.msk [tilespmem:v2+s22+$0x30 ss:$0x1], $0xffff;
	_ =	sdelay $0x4  }
0x75c: {  	v4 =	vshra.s32 v3, $0xB  }
0x75d: {  	v5 =	vand.u32 $0x7FF, v3;
	v4 =	vsub.s32 v4, v0  }
0x75e: {  	v3 =	vand.u32 $0x7FFF, v3;
	v63 =	vor.u32 v5, v4;
	v4 =	vshll.u32 v4, $0xA  }
0x75f: {  	v3 =	vor.u32 $0x100000, v3;
	vm15 =	vlt.u32 v63, $0x400;
	v4 =	vadd.s32 v5, v4  }
0x760: {  	s8 =	simm.s32 $0x800;
	s4 =	simm.s32 $0x400;
	s31 =	sadd.s32 $0x16800, s29;
	v3 =	vsel vm15, v4, v3  }
.LBB2_15:
0x761: {  	s9 =	sshra.s32 s4, $0x2  }
0x762: {  	[tilespmem:s0+$0x30] =	vst v3;
	s0 =	sadd.s32 $0x80, s0;
	s4 =	smov.u32 s8;
	s10 =	sadd.s32 $0x400, s8  }
0x763: {  	p0 =	seq.s32 s8, $0x7C00;
	v3 =	vld.idx.msk [tilespmem:v2+s9+$0xFFFFFFC0 ss:$0x1], $0xffff;
	_ =	sdelay $0x5  }
0x764: {  	v4 =	vshra.s32 v3, $0xB;
	v5 =	vand.u32 $0x7FFF, v3  }
0x765: {  	v3 =	vand.u32 $0x7FF, v3;
	v4 =	vsub.s32 v4, v0  }
0x766: {  	v6 =	vor.u32 v3, v4;
	v4 =	vshll.u32 v4, $0xA  }
0x767: {  	vm0 =	vlt.u32 v6, $0x400;
	v3 =	vadd.s32 v3, v4;
	v4 =	vor.u32 $0x100000, v5  }
0x768: {  	v3 =	vsel vm0, v3, v4  }
0x769: {  	[tilespmem:s0+$0xFFFFFFC0] =	vst v3  }
0x76a: {  	v3 =	vld.idx.msk [tilespmem:v2+s9+$0xFFFFFFD0 ss:$0x1], $0xffff;
	_ =	sdelay $0x5  }
0x76b: {  	v4 =	vshra.s32 v3, $0xB;
	v5 =	vand.u32 $0x7FFF, v3  }
0x76c: {  	v3 =	vand.u32 $0x7FF, v3;
	v4 =	vsub.s32 v4, v0  }
0x76d: {  	v6 =	vor.u32 v3, v4;
	v4 =	vshll.u32 v4, $0xA  }
0x76e: {  	vm0 =	vlt.u32 v6, $0x400;
	v3 =	vadd.s32 v3, v4;
	v4 =	vor.u32 $0x100000, v5  }
0x76f: {  	v3 =	vsel vm0, v3, v4  }
0x770: {  	[tilespmem:s0+$0xFFFFFFD0] =	vst v3  }
0x771: {  	v3 =	vld.idx.msk [tilespmem:v2+s9+$0xFFFFFFE0 ss:$0x1], $0xffff;
	_ =	sdelay $0x5  }
0x772: {  	v4 =	vshra.s32 v3, $0xB;
	v5 =	vand.u32 $0x7FFF, v3  }
0x773: {  	v3 =	vand.u32 $0x7FF, v3;
	v4 =	vsub.s32 v4, v0  }
0x774: {  	v6 =	vor.u32 v3, v4;
	v4 =	vshll.u32 v4, $0xA  }
0x775: {  	vm0 =	vlt.u32 v6, $0x400;
	v3 =	vadd.s32 v3, v4;
	v4 =	vor.u32 $0x100000, v5  }
0x776: {  	v3 =	vsel vm0, v3, v4  }
0x777: {  	[tilespmem:s0+$0xFFFFFFE0] =	vst v3  }
0x778: {  	v3 =	vld.idx.msk [tilespmem:v2+s9+$0xFFFFFFF0 ss:$0x1], $0xffff;
	_ =	sdelay $0x5  }
0x779: {  	v4 =	vshra.s32 v3, $0xB;
	v5 =	vand.u32 $0x7FFF, v3  }
0x77a: {  	v3 =	vand.u32 $0x7FF, v3;
	v4 =	vsub.s32 v4, v0  }
0x77b: {  	v6 =	vor.u32 v3, v4;
	v4 =	vshll.u32 v4, $0xA  }
0x77c: {  	vm0 =	vlt.u32 v6, $0x400;
	v3 =	vadd.s32 v3, v4;
	v4 =	vor.u32 $0x100000, v5  }
0x77d: {  	v3 =	vsel vm0, v3, v4  }
0x77e: {  	[tilespmem:s0+$0xFFFFFFF0] =	vst v3  }
0x77f: {  	v3 =	vld.idx.msk [tilespmem:v2+s9+$0x0 ss:$0x1], $0xffff;
	_ =	sdelay $0x5  }
0x780: {  	v4 =	vshra.s32 v3, $0xB;
	v5 =	vand.u32 $0x7FFF, v3  }
0x781: {  	v3 =	vand.u32 $0x7FF, v3;
	v4 =	vsub.s32 v4, v0  }
0x782: {  	v6 =	vor.u32 v3, v4;
	v4 =	vshll.u32 v4, $0xA  }
0x783: {  	vm0 =	vlt.u32 v6, $0x400;
	v3 =	vadd.s32 v3, v4;
	v4 =	vor.u32 $0x100000, v5  }
0x784: {  	v3 =	vsel vm0, v3, v4  }
0x785: {  	[tilespmem:s0+$0x0] =	vst v3  }
0x786: {  	v3 =	vld.idx.msk [tilespmem:v2+s9+$0x10 ss:$0x1], $0xffff;
	_ =	sdelay $0x5  }
0x787: {  	v4 =	vshra.s32 v3, $0xB;
	v5 =	vand.u32 $0x7FFF, v3  }
0x788: {  	v3 =	vand.u32 $0x7FF, v3;
	v4 =	vsub.s32 v4, v0  }
0x789: {  	v6 =	vor.u32 v3, v4;
	v4 =	vshll.u32 v4, $0xA  }
0x78a: {  	vm0 =	vlt.u32 v6, $0x400;
	v3 =	vadd.s32 v3, v4;
	v4 =	vor.u32 $0x100000, v5  }
0x78b: {  	v3 =	vsel vm0, v3, v4  }
0x78c: {  	[tilespmem:s0+$0x10] =	vst v3  }
0x78d: {  	v3 =	vld.idx.msk [tilespmem:v2+s9+$0x20 ss:$0x1], $0xffff;
	_ =	sdelay $0x5  }
0x78e: {  	v4 =	vshra.s32 v3, $0xB;
	v5 =	vand.u32 $0x7FFF, v3  }
0x78f: {  	v3 =	vand.u32 $0x7FF, v3;
	v4 =	vsub.s32 v4, v0  }
0x790: {  	v6 =	vor.u32 v3, v4;
	v4 =	vshll.u32 v4, $0xA  }
0x791: {  	vm0 =	vlt.u32 v6, $0x400;
	v3 =	vadd.s32 v3, v4;
	v4 =	vor.u32 $0x100000, v5  }
0x792: {  	v3 =	vsel vm0, v3, v4  }
0x793: {  	[tilespmem:s0+$0x20] =	vst v3  }
0x794: {  	v3 =	vld.idx.msk [tilespmem:v2+s9+$0x30 ss:$0x1], $0xffff;
	_ =	sdelay $0x5  }
.Ltmp6:
0x795: {  	v4 =	vshra.s32 v3, $0xB;
	v5 =	vand.u32 $0x7FFF, v3;
	(pc) =	sbr.rel @!p0 .LBB2_15-.Ltmp6, $4  }
0x796: {  	v3 =	vand.u32 $0x7FF, v3;
	v4 =	vsub.s32 v4, v0  }
0x797: {  	v6 =	vor.u32 v3, v4;
	v4 =	vshll.u32 v4, $0xA  }
0x798: {  	vm0 =	vlt.u32 v6, $0x400;
	v3 =	vadd.s32 v3, v4;
	v4 =	vor.u32 $0x100000, v5  }
0x799: {  	s8 =	smov.u32 s10;
	v3 =	vsel vm0, v3, v4  }
0x79a: {  	_ =	sdelay $0x2  }
0x79b: {  	s4 =	sshra.s32 s4, $0x2;
	[tilespmem:s0+$0x30] =	vst v3  }
0x79c: {  	v3 =	vld.idx.msk [tilespmem:v2+s4+$0xFFFFFFC0 ss:$0x1], $0xffff;
	_ =	sdelay $0x4  }
0x79d: {  	v4 =	vshra.s32 v3, $0xB  }
0x79e: {  	v5 =	vand.u32 $0x7FF, v3;
	v4 =	vsub.s32 v4, v0  }
0x79f: {  	v3 =	vand.u32 $0x7FFF, v3;
	v6 =	vor.u32 v5, v4;
	v4 =	vshll.u32 v4, $0xA  }
0x7a0: {  	v3 =	vor.u32 $0x100000, v3;
	vm0 =	vlt.u32 v6, $0x400;
	v4 =	vadd.s32 v5, v4  }
0x7a1: {  	s10 =	sadd.s32 $0x80, s0;
	v3 =	vsel vm0, v4, v3  }
0x7a2: {  	[tilespmem:s10+$0xFFFFFFC0] =	vst v3  }
0x7a3: {  	v3 =	vld.idx.msk [tilespmem:v2+s4+$0xFFFFFFD0 ss:$0x1], $0xffff;
	_ =	sdelay $0x4  }
0x7a4: {  	v44 =	vshra.s32 v3, $0xB  }
0x7a5: {  	v45 =	vand.u32 $0x7FF, v3;
	v4 =	vsub.s32 v44, v0  }
0x7a6: {  	v3 =	vand.u32 $0x7FFF, v3;
	v46 =	vor.u32 v45, v4;
	v4 =	vshll.u32 v4, $0xA  }
0x7a7: {  	v3 =	vor.u32 $0x100000, v3;
	vm9 =	vlt.u32 v46, $0x400;
	v4 =	vadd.s32 v45, v4  }
0x7a8: {  	v3 =	vsel vm9, v4, v3  }
0x7a9: {  	[tilespmem:s10+$0xFFFFFFD0] =	vst v3  }
0x7aa: {  	v3 =	vld.idx.msk [tilespmem:v2+s4+$0xFFFFFFE0 ss:$0x1], $0xffff;
	_ =	sdelay $0x4  }
0x7ab: {  	v47 =	vshra.s32 v3, $0xB  }
0x7ac: {  	v48 =	vand.u32 $0x7FF, v3;
	v4 =	vsub.s32 v47, v0  }
0x7ad: {  	v3 =	vand.u32 $0x7FFF, v3;
	v49 =	vor.u32 v48, v4;
	v4 =	vshll.u32 v4, $0xA  }
0x7ae: {  	v3 =	vor.u32 $0x100000, v3;
	vm10 =	vlt.u32 v49, $0x400;
	v4 =	vadd.s32 v48, v4  }
0x7af: {  	v3 =	vsel vm10, v4, v3  }
0x7b0: {  	[tilespmem:s10+$0xFFFFFFE0] =	vst v3  }
0x7b1: {  	v3 =	vld.idx.msk [tilespmem:v2+s4+$0xFFFFFFF0 ss:$0x1], $0xffff;
	_ =	sdelay $0x4  }
0x7b2: {  	v50 =	vshra.s32 v3, $0xB  }
0x7b3: {  	v51 =	vand.u32 $0x7FF, v3;
	v4 =	vsub.s32 v50, v0  }
0x7b4: {  	v3 =	vand.u32 $0x7FFF, v3;
	v52 =	vor.u32 v51, v4;
	v4 =	vshll.u32 v4, $0xA  }
0x7b5: {  	v3 =	vor.u32 $0x100000, v3;
	vm11 =	vlt.u32 v52, $0x400;
	v4 =	vadd.s32 v51, v4  }
0x7b6: {  	v3 =	vsel vm11, v4, v3  }
0x7b7: {  	[tilespmem:s10+$0xFFFFFFF0] =	vst v3  }
0x7b8: {  	v3 =	vld.idx.msk [tilespmem:v2+s4+$0x0 ss:$0x1], $0xffff;
	_ =	sdelay $0x4  }
0x7b9: {  	v53 =	vshra.s32 v3, $0xB  }
0x7ba: {  	v54 =	vand.u32 $0x7FF, v3;
	v4 =	vsub.s32 v53, v0  }
0x7bb: {  	v3 =	vand.u32 $0x7FFF, v3;
	v55 =	vor.u32 v54, v4;
	v4 =	vshll.u32 v4, $0xA  }
0x7bc: {  	v3 =	vor.u32 $0x100000, v3;
	vm12 =	vlt.u32 v55, $0x400;
	v4 =	vadd.s32 v54, v4  }
0x7bd: {  	v3 =	vsel vm12, v4, v3  }
0x7be: {  	[tilespmem:s10+$0x0] =	vst v3  }
0x7bf: {  	v3 =	vld.idx.msk [tilespmem:v2+s4+$0x10 ss:$0x1], $0xffff;
	_ =	sdelay $0x4  }
0x7c0: {  	v56 =	vshra.s32 v3, $0xB  }
0x7c1: {  	v57 =	vand.u32 $0x7FF, v3;
	v4 =	vsub.s32 v56, v0  }
0x7c2: {  	v3 =	vand.u32 $0x7FFF, v3;
	v58 =	vor.u32 v57, v4;
	v4 =	vshll.u32 v4, $0xA  }
0x7c3: {  	v3 =	vor.u32 $0x100000, v3;
	vm13 =	vlt.u32 v58, $0x400;
	v4 =	vadd.s32 v57, v4  }
0x7c4: {  	v3 =	vsel vm13, v4, v3  }
0x7c5: {  	[tilespmem:s10+$0x10] =	vst v3  }
0x7c6: {  	v3 =	vld.idx.msk [tilespmem:v2+s4+$0x20 ss:$0x1], $0xffff;
	_ =	sdelay $0x4  }
0x7c7: {  	v59 =	vshra.s32 v3, $0xB  }
0x7c8: {  	v60 =	vand.u32 $0x7FF, v3;
	v4 =	vsub.s32 v59, v0  }
0x7c9: {  	v3 =	vand.u32 $0x7FFF, v3;
	v61 =	vor.u32 v60, v4;
	v4 =	vshll.u32 v4, $0xA  }
0x7ca: {  	v3 =	vor.u32 $0x100000, v3;
	vm14 =	vlt.u32 v61, $0x400;
	v4 =	vadd.s32 v60, v4  }
0x7cb: {  	v3 =	vsel vm14, v4, v3  }
0x7cc: {  	[tilespmem:s10+$0x20] =	vst v3  }
0x7cd: {  	v2 =	vld.idx.msk [tilespmem:v2+s4+$0x30 ss:$0x1], $0xffff;
	_ =	sdelay $0x4  }
0x7ce: {  	v3 =	vshra.s32 v2, $0xB  }
0x7cf: {  	v62 =	vand.u32 $0x7FF, v2;
	v3 =	vsub.s32 v3, v0  }
0x7d0: {  	v2 =	vand.u32 $0x7FFF, v2;
	v63 =	vor.u32 v62, v3;
	v3 =	vshll.u32 v3, $0xA  }
0x7d1: {  	v2 =	vor.u32 $0x100000, v2;
	vm15 =	vlt.u32 v63, $0x400;
	v3 =	vadd.s32 v62, v3  }
0x7d2: {  	s0 =	sshll.u32 s30, $0x7;
	v2 =	vsel vm15, v3, v2  }
0x7d3: {  	s12 =	sadd.s32 $0x12800, s0;
	[tilespmem:s10+$0x30] =	vst v2  }
0x7d4: {  	[spmem:s3] =	stream.indirect.scatter.add.f32 [tilespmem:s12], [sflag:$0x1], $0x1, s31, s24, $0xb8;
	[tilespmem:$0x19800] =	vst v63  }
0x7d5: {  	s8 =	sadd.s32 $0x16880, s29;
	s13 =	sadd.s32 $0x12A00, s0  }
0x7d6: {  	[spmem:s3] =	stream.indirect.scatter.add.f32 [tilespmem:s13], [sflag:$0x1], $0x1, s8, s24, $0xb8;
	[tilespmem:$0x19800] =	vst v63  }
0x7d7: {  	s15 =	sadd.s32 $0x16900, s29;
	s14 =	sadd.s32 $0x12C00, s0  }
0x7d8: {  	[spmem:s3] =	stream.indirect.scatter.add.f32 [tilespmem:s14], [sflag:$0x1], $0x1, s15, s24, $0xb8;
	[tilespmem:$0x19800] =	vst v63  }
0x7d9: {  	s17 =	sadd.s32 $0x16980, s29;
	s16 =	sadd.s32 $0x12E00, s0  }
0x7da: {  	[spmem:s3] =	stream.indirect.scatter.add.f32 [tilespmem:s16], [sflag:$0x1], $0x1, s17, s24, $0xb8;
	[tilespmem:$0x19800] =	vst v63  }
0x7db: {  	s19 =	sadd.s32 $0x16A00, s29;
	s18 =	sadd.s32 $0x13000, s0  }
0x7dc: {  	[spmem:s3] =	stream.indirect.scatter.add.f32 [tilespmem:s18], [sflag:$0x1], $0x1, s19, s24, $0xb8;
	[tilespmem:$0x19800] =	vst v63  }
0x7dd: {  	s21 =	sadd.s32 $0x16A80, s29;
	s20 =	sadd.s32 $0x13200, s0  }
0x7de: {  	[spmem:s3] =	stream.indirect.scatter.add.f32 [tilespmem:s20], [sflag:$0x1], $0x1, s21, s24, $0xb8;
	[tilespmem:$0x19800] =	vst v63  }
0x7df: {  	s30 =	sadd.s32 $0x16B00, s29;
	s22 =	sadd.s32 $0x13400, s0  }
0x7e0: {  	[spmem:s3] =	stream.indirect.scatter.add.f32 [tilespmem:s22], [sflag:$0x1], $0x1, s30, s24, $0xb8;
	[tilespmem:$0x19800] =	vst v63  }
0x7e1: {  	s2 =	sadd.s32 $0x16B80, s29;
	s31 =	sadd.s32 $0x13600, s0  }
0x7e2: {  	[spmem:s3] =	stream.indirect.scatter.add.f32 [tilespmem:s31], [sflag:$0x1], $0x1, s2, s24, $0xb8;
	[tilespmem:$0x19800] =	vst v63  }
0x7e3: {  	s9 =	sadd.s32 $0x13800, s0;
	s10 =	sadd.s32 $0x16C00, s29  }
0x7e4: {  	[spmem:s3] =	stream.indirect.scatter.add.f32 [tilespmem:s9], [sflag:$0x1], $0x1, s10, s24, $0xb8;
	[tilespmem:$0x19800] =	vst v63  }
0x7e5: {  	s12 =	sadd.s32 $0x13A00, s0;
	s13 =	sadd.s32 $0x16C80, s29  }
0x7e6: {  	[spmem:s3] =	stream.indirect.scatter.add.f32 [tilespmem:s12], [sflag:$0x1], $0x1, s13, s24, $0xb8;
	[tilespmem:$0x19800] =	vst v63  }
0x7e7: {  	s14 =	sadd.s32 $0x13C00, s0;
	s15 =	sadd.s32 $0x16D00, s29  }
0x7e8: {  	[spmem:s3] =	stream.indirect.scatter.add.f32 [tilespmem:s14], [sflag:$0x1], $0x1, s15, s24, $0xb8;
	[tilespmem:$0x19800] =	vst v63  }
0x7e9: {  	s16 =	sadd.s32 $0x13E00, s0;
	s17 =	sadd.s32 $0x16D80, s29  }
0x7ea: {  	[spmem:s3] =	stream.indirect.scatter.add.f32 [tilespmem:s16], [sflag:$0x1], $0x1, s17, s24, $0xb8;
	[tilespmem:$0x19800] =	vst v63  }
0x7eb: {  	s18 =	sadd.s32 $0x14000, s0;
	s19 =	sadd.s32 $0x16E00, s29  }
0x7ec: {  	[spmem:s3] =	stream.indirect.scatter.add.f32 [tilespmem:s18], [sflag:$0x1], $0x1, s19, s24, $0xb8;
	[tilespmem:$0x19800] =	vst v63  }
0x7ed: {  	s20 =	sadd.s32 $0x14200, s0;
	s21 =	sadd.s32 $0x16E80, s29  }
0x7ee: {  	[spmem:s3] =	stream.indirect.scatter.add.f32 [tilespmem:s20], [sflag:$0x1], $0x1, s21, s24, $0xb8;
	[tilespmem:$0x19800] =	vst v63  }
0x7ef: {  	s22 =	sadd.s32 $0x14400, s0;
	s30 =	sadd.s32 $0x16F00, s29  }
0x7f0: {  	[spmem:s3] =	stream.indirect.scatter.add.f32 [tilespmem:s22], [sflag:$0x1], $0x1, s30, s24, $0xb8;
	[tilespmem:$0x19800] =	vst v63  }
0x7f1: {  	s31 =	sadd.s32 $0x14600, s0;
	s2 =	sadd.s32 $0x16F80, s29  }
0x7f2: {  	[spmem:s3] =	stream.indirect.scatter.add.f32 [tilespmem:s31], [sflag:$0x1], $0x1, s2, s24, $0xb8;
	[tilespmem:$0x19800] =	vst v63  }
0x7f3: {  	s9 =	sadd.s32 $0x14800, s0;
	s10 =	sadd.s32 $0x17000, s29  }
0x7f4: {  	[spmem:s3] =	stream.indirect.scatter.add.f32 [tilespmem:s9], [sflag:$0x1], $0x1, s10, s24, $0xb8;
	[tilespmem:$0x19800] =	vst v63  }
0x7f5: {  	s12 =	sadd.s32 $0x14A00, s0;
	s13 =	sadd.s32 $0x17080, s29  }
0x7f6: {  	[spmem:s3] =	stream.indirect.scatter.add.f32 [tilespmem:s12], [sflag:$0x1], $0x1, s13, s24, $0xb8;
	[tilespmem:$0x19800] =	vst v63  }
0x7f7: {  	s14 =	sadd.s32 $0x14C00, s0;
	s15 =	sadd.s32 $0x17100, s29  }
0x7f8: {  	[spmem:s3] =	stream.indirect.scatter.add.f32 [tilespmem:s14], [sflag:$0x1], $0x1, s15, s24, $0xb8;
	[tilespmem:$0x19800] =	vst v63  }
0x7f9: {  	s16 =	sadd.s32 $0x14E00, s0;
	s17 =	sadd.s32 $0x17180, s29  }
0x7fa: {  	[spmem:s3] =	stream.indirect.scatter.add.f32 [tilespmem:s16], [sflag:$0x1], $0x1, s17, s24, $0xb8;
	[tilespmem:$0x19800] =	vst v63  }
0x7fb: {  	s18 =	sadd.s32 $0x15000, s0;
	s19 =	sadd.s32 $0x17200, s29  }
0x7fc: {  	[spmem:s3] =	stream.indirect.scatter.add.f32 [tilespmem:s18], [sflag:$0x1], $0x1, s19, s24, $0xb8;
	[tilespmem:$0x19800] =	vst v63  }
0x7fd: {  	s20 =	sadd.s32 $0x15200, s0;
	s21 =	sadd.s32 $0x17280, s29  }
0x7fe: {  	[spmem:s3] =	stream.indirect.scatter.add.f32 [tilespmem:s20], [sflag:$0x1], $0x1, s21, s24, $0xb8;
	[tilespmem:$0x19800] =	vst v63  }
0x7ff: {  	s22 =	sadd.s32 $0x15400, s0;
	s30 =	sadd.s32 $0x17300, s29  }
0x800: {  	[spmem:s3] =	stream.indirect.scatter.add.f32 [tilespmem:s22], [sflag:$0x1], $0x1, s30, s24, $0xb8;
	[tilespmem:$0x19800] =	vst v63  }
0x801: {  	s31 =	sadd.s32 $0x15600, s0;
	s2 =	sadd.s32 $0x17380, s29  }
0x802: {  	[spmem:s3] =	stream.indirect.scatter.add.f32 [tilespmem:s31], [sflag:$0x1], $0x1, s2, s24, $0xb8;
	[tilespmem:$0x19800] =	vst v63  }
0x803: {  	s9 =	sadd.s32 $0x15800, s0;
	s10 =	sadd.s32 $0x17400, s29  }
0x804: {  	[spmem:s3] =	stream.indirect.scatter.add.f32 [tilespmem:s9], [sflag:$0x1], $0x1, s10, s24, $0xb8;
	[tilespmem:$0x19800] =	vst v63  }
0x805: {  	s12 =	sadd.s32 $0x15A00, s0;
	s13 =	sadd.s32 $0x17480, s29  }
0x806: {  	[spmem:s3] =	stream.indirect.scatter.add.f32 [tilespmem:s12], [sflag:$0x1], $0x1, s13, s24, $0xb8;
	[tilespmem:$0x19800] =	vst v63  }
0x807: {  	s14 =	sadd.s32 $0x15C00, s0;
	s15 =	sadd.s32 $0x17500, s29  }
0x808: {  	[spmem:s3] =	stream.indirect.scatter.add.f32 [tilespmem:s14], [sflag:$0x1], $0x1, s15, s24, $0xb8;
	[tilespmem:$0x19800] =	vst v63  }
0x809: {  	s16 =	sadd.s32 $0x15E00, s0;
	s17 =	sadd.s32 $0x17580, s29  }
0x80a: {  	[spmem:s3] =	stream.indirect.scatter.add.f32 [tilespmem:s16], [sflag:$0x1], $0x1, s17, s24, $0xb8;
	[tilespmem:$0x19800] =	vst v63  }
0x80b: {  	s18 =	sadd.s32 $0x16000, s0;
	s19 =	sadd.s32 $0x17600, s29  }
0x80c: {  	[spmem:s3] =	stream.indirect.scatter.add.f32 [tilespmem:s18], [sflag:$0x1], $0x1, s19, s24, $0xb8;
	[tilespmem:$0x19800] =	vst v63  }
0x80d: {  	p0 =	slt.u32 s28, $0x20;
	s20 =	sadd.s32 $0x16200, s0;
	s21 =	sadd.s32 $0x17680, s29  }
0x80e: {  	[spmem:s3] =	stream.indirect.scatter.add.f32 [tilespmem:s20], [sflag:$0x1], $0x1, s21, s24, $0xb8;
	[tilespmem:$0x19800] =	vst v63  }
.Ltmp7:
0x80f: {  	s22 =	sadd.s32 $0x16400, s0;
	s30 =	sadd.s32 $0x17700, s29;
	(pc) =	sbr.rel @p0 .LBB2_8-.Ltmp7, $4  }
0x810: {  	[spmem:s3] =	stream.indirect.scatter.add.f32 [tilespmem:s22], [sflag:$0x1], $0x1, s30, s24, $0xb8;
	[tilespmem:$0x19800] =	vst v63  }
0x811: {  	s0 =	sadd.s32 $0x16600, s0;
	s31 =	sadd.s32 $0x17780, s29  }
0x812: {  	[spmem:s3] =	stream.indirect.scatter.add.f32 [tilespmem:s0], [sflag:$0x1], $0x1, s31, s24, $0xb8;
	[tilespmem:$0x19800] =	vst v63  }
0x813: {  	s0 =	smov.u32 s28  }
0x814: {  	s0 =	simm.s32 $0x1  }
0x815: {  	_ =	swait.ge [sflag:s0], $0x1000  }
0x816: {  	[sflag:s0] =	ssyncset.done $0x0  }
0x817: {  	[sflag:s0] =	ssyncadd.s32 $0xFFFFF000  }
0x818: {  	_ =	swait.ge [sflag:s0], $0x1000  }
0x819: {  	[sflag:s0] =	ssyncset.done $0x0  }
0x81a: {  	s30 =	stileid.u32;
	[sflag:s0] =	ssyncadd.s32 $0xFFFFF000  }
0x81b: {  	s0 =	sshll.u32 s30, $0x6;
	[bflag:$0x0] =	sbarrier.arrive $0xFFFF  }
0x81c: {  	s4 =	sshrl.u32 s7, $0x3;
	s0 =	sor.u32 $0x1C03, s0;
	s8 =	rddreg [dreg:$0x13]  }
0x81d: {  	[hbm:s8], [sflag:s0] =	dma.local [spmem:s4], $0x2000  }
0x81e: {  	_ =	swait.ge [sflag:s11], $0x2000  }
0x81f: {  	s1 =	sadd.s32 $0x1, s1;
	s31 =	rddreg [dreg:$0x15]  }
0x820: {  	p0 =	sne.s32 s1, s31  }
.Ltmp8:
0x821: {  	_ = 	snop;
	(pc) =	sbr.rel @p0 .LBB2_1-.Ltmp8, $3  }
0x822: {  	[sflag:s11] =	ssyncset.done $0x0  }
0x823: {  	[sflag:s11] =	ssyncadd.s32 $0xFFFFE000  }
0x824: {  	[bflag:$0x0] =	sbarrier.arrive $0xFFFF;
	_ =	sdelay $0x1  }
0x825: {  	_ =	sfence.sel $0x180000  }
0x826: {  	[bflag:$0x0] =	sbarrier.arrive $0xFFFF  }
0x827: {  	_ =	strace $0x90000047  }
0x828: {  	s0 =	stileid.u32;
	[bflag:$0x2] =	sbarrier.arrive $0xFFFF  }
0x829: {  	p0 =	sne.s32 s0, $0x0;
	s0 =	rddreg [dreg:$0x4]  }
0x82a: {  	s0 =	sadd.s32 @!p0 $0x100000, s0  }
0x82b: {  	[sflag:s0] =	ssyncadd.tile.s32 @!p0 $0x1;
	_ =	shalt  }
.Lfunc_end2:
_tile_overlayer_lowered:
.L_overlay_start_2:
0x82c: {  	(tag) =	ssettag $0x2  }
0x82d: {  	s0 =	rddreg [dreg:$0x0];
	s2 =	stileid.u32  }
0x82e: {  	s1 =	rddreg [dreg:$0x1];
	p0 =	sne.s32 s2, $0x0  }
0x82f: {  	s3 =	rddreg [dreg:$0x2];
	[bflag:$0x3] =	sbarrier.arrive $0xFFFF;
	s2 =	simm.s32 @!p0 $0x1C03  }
0x830: {  	[timem:s3], [sflag:s2] =	dma.local @!p0 [hbm:s0], s1  }
0x831: {  	s0 =	simm.s32 @!p0 $0x3  }
0x832: {  	_ =	swait.ge @!p0 [sflag:s0], s1  }
0x833: {  	s1 =	ssub.s32 @!p0 $0x0, s1;
	[sflag:s0] =	ssyncset.done @!p0 $0x0  }
0x834: {  	[sflag:s0] =	ssyncadd.s32 @!p0 s1  }
0x835: {  	[bflag:$0x3] =	sbarrier.arrive $0xFFFF  }
0x836: {  	_ =	shalt  }

</sc_bundles>
